<compile_context>
chip_gen: v7x
topology: tpu7x:2x2x1
jax: 0.10.2.dev20260603
libtpu: 0.0.44.dev20260713+nightly
codegen_flags: <defaults>
</compile_context>

<pallas_src>
import functools

import jax
import jax.numpy as jnp
from jax import lax
from jax.experimental import pallas as pl
from jax.experimental.pallas import tpu as pltpu
from jax.experimental.pallas import tpu_sc as plsc

B, N, C = 4, 4096, 2048

TC_ROWS = 2304
SC_ROWS = N - TC_ROWS


L = 16
NW = 32
SEG = (B * C) // NW
NSEG = C // SEG
R = 128
NCHUNK = SC_ROWS // R
JGRP = SEG // L
HALF = JGRP // 2

_mesh = plsc.VectorSubcoreMesh(core_axis_name="c", subcore_axis_name="s")


@functools.partial(
    pl.kernel,
    mesh=_mesh,
    out_type=[
        jax.ShapeDtypeStruct((B, C), jnp.float32),
        jax.ShapeDtypeStruct((B, C), jnp.int32),
    ],
    scratch_types=[
        pltpu.VMEM((R, SEG), jnp.float32),
        pltpu.VMEM((R, SEG), jnp.float32),
        pltpu.VMEM((SEG,), jnp.float32),
        pltpu.VMEM((SEG,), jnp.int32),
        pltpu.SemaphoreType.DMA,
        pltpu.SemaphoreType.DMA,
    ],
)
def _argmin_sc(x_hbm, val_hbm, idx_hbm, buf0, buf1, minv, mini, sem0, sem1):
    cid = lax.axis_index("c")
    sid = lax.axis_index("s")
    wid = sid * 2 + cid
    b = wid // NSEG
    c0 = (wid % NSEG) * SEG

    def start(g, buf, sem):
        pltpu.async_copy(
            x_hbm.at[b, pl.ds(TC_ROWS + g * R, R), pl.ds(c0, SEG)], buf, sem
        )

    def wait(buf, sem):
        pltpu.make_async_copy(
            x_hbm.at[b, pl.ds(TC_ROWS, R), pl.ds(c0, SEG)], buf, sem
        ).wait()

    for j in range(JGRP):
        minv[pl.ds(j * L, L)] = jnp.full((L,), jnp.inf, jnp.float32)
        mini[pl.ds(j * L, L)] = jnp.zeros((L,), jnp.int32)

    incs = [jnp.full((L,), k, jnp.int32) for k in range(1, 4)]
    four = jnp.full((L,), 4, jnp.int32)

    def compute(g, buf):
        for h in range(2):
            mvs = tuple(minv[pl.ds((h * HALF + jj) * L, L)] for jj in range(HALF))
            mis = tuple(mini[pl.ds((h * HALF + jj) * L, L)] for jj in range(HALF))
            riv0 = jnp.full((L,), TC_ROWS + g * R, jnp.int32)

            def row_body(r4, carry):
                riv, mv, mi = carry
                idxvs = [riv] + [riv + inc for inc in incs]
                mv, mi = list(mv), list(mi)
                for t in range(4):
                    r = r4 * 4 + t
                    for jj in range(HALF):
                        v = buf[r, pl.ds((h * HALF + jj) * L, L)]
                        lt = v < mv[jj]
                        mv[jj] = jnp.where(lt, v, mv[jj])
                        mi[jj] = jnp.where(lt, idxvs[t], mi[jj])
                return riv + four, tuple(mv), tuple(mi)

            _, mvs, mis = lax.fori_loop(0, R // 4, row_body, (riv0, mvs, mis))
            for jj in range(HALF):
                minv[pl.ds((h * HALF + jj) * L, L)] = mvs[jj]
                mini[pl.ds((h * HALF + jj) * L, L)] = mis[jj]

    start(0, buf0, sem0)

    def outer(g2, _):
        for t in range(2):
            g = g2 * 2 + t
            bufc, semc = (buf0, sem0) if t == 0 else (buf1, sem1)
            bufn, semn = (buf1, sem1) if t == 0 else (buf0, sem0)

            @pl.when(g + 1 < NCHUNK)
            def _():
                start(g + 1, bufn, semn)

            wait(bufc, semc)
            compute(g, bufc)
        return 0

    lax.fori_loop(0, NCHUNK // 2, outer, 0)
    pltpu.sync_copy(minv, val_hbm.at[b, pl.ds(c0, SEG)])
    pltpu.sync_copy(mini, idx_hbm.at[b, pl.ds(c0, SEG)])



RC = 256
CB = 512


def _tc_body(x_ref, val_ref, idx_ref):
    rk = pl.program_id(2)
    v = x_ref[0]
    iota = lax.broadcasted_iota(jnp.int32, (RC, CB), 0)
    mv = jnp.min(v, axis=0, keepdims=True)
    hit = v == mv
    mi = jnp.min(jnp.where(hit, iota, RC), axis=0, keepdims=True) + rk * RC

    @pl.when(rk == 0)
    def _():
        val_ref[0] = mv
        idx_ref[0] = mi

    @pl.when(rk != 0)
    def _():
        pv = val_ref[0]
        lt = mv < pv
        val_ref[0] = jnp.where(lt, mv, pv)
        idx_ref[0] = jnp.where(lt, mi, idx_ref[0])


_tc_argmin = pl.pallas_call(
    _tc_body,
    grid=(B, C // CB, TC_ROWS // RC),
    in_specs=[pl.BlockSpec((1, RC, CB), lambda b, cb, rk: (b, rk, cb))],
    out_specs=[
        pl.BlockSpec((1, 1, CB), lambda b, cb, rk: (b, 0, cb)),
        pl.BlockSpec((1, 1, CB), lambda b, cb, rk: (b, 0, cb)),
    ],
    out_shape=[
        jax.ShapeDtypeStruct((B, 1, C), jnp.float32),
        jax.ShapeDtypeStruct((B, 1, C), jnp.int32),
    ],
)


def kernel(x):
    sc_val, sc_idx = _argmin_sc(x)
    tc_val, tc_idx = _tc_argmin(x)
    out = jnp.where(tc_val[:, 0] <= sc_val, tc_idx[:, 0], sc_idx)
    return out.astype(jnp.int64)

# --- scband reference (transcript-rebuilt; emitter-appended) ---
"""Pipeline reference for scband-model-new-12163347382457 (READ-ONLY COPY).

The authoritative reference and input builder live on the scoring server;
editing this copy changes nothing except your own understanding.
"""

import jax, jax.numpy as jnp
import numpy as np


def setup_inputs(seed: int = 0) -> dict:
    key = jax.random.key(seed)
    x = jax.random.normal(key, (4, 4096, 2048), dtype=jnp.float32)
    return {"x": x}


def reference(x):
    # Faithful translation of the module: argmin over dim=1 of a 3D tensor,
    # producing indices of shape (x.shape[0], x.shape[2]) as int64.
    out = jnp.argmin(x, axis=1).astype(jnp.int64)
    return out

if __name__ == "__main__":
    import jax
    _d = setup_inputs()
    print(jax.jit(kernel)(*tuple(_d.values())))

</pallas_src>

<mosaic_0001>
#map = affine_map<(d0, d1) -> (0, 0, 0)>
#map1 = affine_map<(d0, d1) -> (0, 0)>
module attributes {stable_mosaic.version = 14 : i64} {
  func.func @_argmin_sc(%arg0: i32, %arg1: i32, %arg2: memref<4x4096x2048xf32, #tpu.memory_space<hbm>>, %arg3: memref<4x2048xf32, #tpu.memory_space<hbm>>, %arg4: memref<4x2048xi32, #tpu.memory_space<hbm>>, %arg5: memref<128x256xf32, #tpu.memory_space<vmem>>, %arg6: memref<128x256xf32, #tpu.memory_space<vmem>>, %arg7: memref<256xf32, #tpu.memory_space<vmem>>, %arg8: memref<256xi32, #tpu.memory_space<vmem>>, %arg9: memref<!tpu.dma_semaphore, #tpu.memory_space<semaphore_mem>>, %arg10: memref<!tpu.dma_semaphore, #tpu.memory_space<semaphore_mem>>) attributes {dimension_semantics = [#tpu.dimension_semantics<core_parallel>, #tpu.dimension_semantics<subcore_parallel>], iteration_bounds = array<i64: 2, 16>, scalar_prefetch = 0 : i64, scratch_operands = 6 : i64, tpu.core_type = #tpu.core_type<sc_vector_subcore>, window_params = [{transform_indices = #map}, {transform_indices = #map1}, {transform_indices = #map1}]} {
    %mul3A = arith.constant 2 : i32
    %mul3A_0 = arith.muli %arg1, %mul3A : i32
    %add3A = arith.addi %mul3A_0, %arg0 : i32
    %jit3A = arith.constant 8 : i32
    %div3A = arith.divsi %add3A, %jit3A : i32
    %sign3A = arith.constant 0 : i32
    %sign3A_1 = arith.cmpi sgt, %add3A, %sign3A : i32
    %sign3A_2 = arith.extui %sign3A_1 : i1 to i32
    %sign3A_3 = arith.constant 0 : i32
    %sign3A_4 = arith.cmpi slt, %add3A, %sign3A_3 : i32
    %sign3A_5 = arith.extui %sign3A_4 : i1 to i32
    %sign3A_6 = arith.subi %sign3A_2, %sign3A_5 : i32
    %sign3A_7 = arith.constant 0 : i32
    %sign3A_8 = arith.cmpi sgt, %jit3A, %sign3A_7 : i32
    %sign3A_9 = arith.extui %sign3A_8 : i1 to i32
    %sign3A_10 = arith.constant 0 : i32
    %sign3A_11 = arith.cmpi slt, %jit3A, %sign3A_10 : i32
    %sign3A_12 = arith.extui %sign3A_11 : i1 to i32
    %sign3A_13 = arith.subi %sign3A_9, %sign3A_12 : i32
    %ne3A = arith.cmpi ne, %sign3A_6, %sign3A_13 : i32
    %rem3A = arith.remsi %add3A, %jit3A : i32
    %ne3A_14 = arith.constant 0 : i32
    %ne3A_15 = arith.cmpi ne, %rem3A, %ne3A_14 : i32
    %and3A = arith.andi %ne3A, %ne3A_15 : i1
    %sub3A = arith.constant 1 : i32
    %sub3A_16 = arith.subi %div3A, %sub3A : i32
    %select_n3A = arith.select %and3A, %sub3A_16, %div3A : i32
    %jit3A_17 = arith.constant 8 : i32
    %eq3A = arith.constant 0 : i32
    %eq3A_18 = arith.cmpi eq, %jit3A_17, %eq3A : i32
    %jit3A_19 = arith.constant 1 : i32
    %select_n3A_20 = arith.select %eq3A_18, %jit3A_19, %jit3A_17 : i32
    %rem3A_21 = arith.remsi %add3A, %select_n3A_20 : i32
    %ne3A_22 = arith.constant 0 : i32
    %ne3A_23 = arith.cmpi ne, %rem3A_21, %ne3A_22 : i32
    %lt3A = arith.constant 0 : i32
    %lt3A_24 = arith.cmpi slt, %rem3A_21, %lt3A : i32
    %lt3A_25 = arith.constant 0 : i32
    %lt3A_26 = arith.cmpi slt, %select_n3A_20, %lt3A_25 : i32
    %ne3A_27 = arith.xori %lt3A_24, %lt3A_26 : i1
    %and3A_28 = arith.andi %ne3A_27, %ne3A_23 : i1
    %add3A_29 = arith.addi %rem3A_21, %select_n3A_20 : i32
    %select_n3A_30 = arith.select %and3A_28, %add3A_29, %rem3A_21 : i32
    %mul3A_31 = arith.constant 256 : i32
    %mul3A_32 = arith.muli %select_n3A_30, %mul3A_31 : i32
    %broadcast_in_dim3A = arith.constant 0x7F800000 : f32
    %broadcast_in_dim3A_33 = vector.broadcast %broadcast_in_dim3A : f32 to vector<16xf32>
    %swap3A = arith.constant 0 : index
    %swap3A_34 = tpu.vector_load %arg7[%swap3A] {strides = array<i32>} : memref<256xf32, #tpu.memory_space<vmem>>, vector<16xf32>,
    %swap3A_35 = vector.shape_cast %swap3A_34 : vector<16xf32> to vector<16xf32>
    %swap3A_36 = vector.shape_cast %broadcast_in_dim3A_33 : vector<16xf32> to vector<16xf32>
    tpu.vector_store %arg7[%swap3A], %swap3A_36 {strides = array<i32>} : memref<256xf32, #tpu.memory_space<vmem>>, vector<16xf32>,
    %broadcast_in_dim3A_37 = arith.constant 0 : i32
    %broadcast_in_dim3A_38 = vector.broadcast %broadcast_in_dim3A_37 : i32 to vector<16xi32>
    %swap3A_39 = arith.constant 0 : index
    %swap3A_40 = tpu.vector_load %arg8[%swap3A_39] {strides = array<i32>} : memref<256xi32, #tpu.memory_space<vmem>>, vector<16xi32>,
    %swap3A_41 = vector.shape_cast %swap3A_40 : vector<16xi32> to vector<16xi32>
    %swap3A_42 = vector.shape_cast %broadcast_in_dim3A_38 : vector<16xi32> to vector<16xi32>
    tpu.vector_store %arg8[%swap3A_39], %swap3A_42 {strides = array<i32>} : memref<256xi32, #tpu.memory_space<vmem>>, vector<16xi32>,
    %broadcast_in_dim3A_43 = arith.constant 0x7F800000 : f32
    %broadcast_in_dim3A_44 = vector.broadcast %broadcast_in_dim3A_43 : f32 to vector<16xf32>
    %swap3A_45 = arith.constant 16 : index
    %swap3A_46 = tpu.vector_load %arg7[%swap3A_45] {strides = array<i32>} : memref<256xf32, #tpu.memory_space<vmem>>, vector<16xf32>,
    %swap3A_47 = vector.shape_cast %swap3A_46 : vector<16xf32> to vector<16xf32>
    %swap3A_48 = vector.shape_cast %broadcast_in_dim3A_44 : vector<16xf32> to vector<16xf32>
    tpu.vector_store %arg7[%swap3A_45], %swap3A_48 {strides = array<i32>} : memref<256xf32, #tpu.memory_space<vmem>>, vector<16xf32>,
    %broadcast_in_dim3A_49 = arith.constant 0 : i32
    %broadcast_in_dim3A_50 = vector.broadcast %broadcast_in_dim3A_49 : i32 to vector<16xi32>
    %swap3A_51 = arith.constant 16 : index
    %swap3A_52 = tpu.vector_load %arg8[%swap3A_51] {strides = array<i32>} : memref<256xi32, #tpu.memory_space<vmem>>, vector<16xi32>,
    %swap3A_53 = vector.shape_cast %swap3A_52 : vector<16xi32> to vector<16xi32>
    %swap3A_54 = vector.shape_cast %broadcast_in_dim3A_50 : vector<16xi32> to vector<16xi32>
    tpu.vector_store %arg8[%swap3A_51], %swap3A_54 {strides = array<i32>} : memref<256xi32, #tpu.memory_space<vmem>>, vector<16xi32>,
    %broadcast_in_dim3A_55 = arith.constant 0x7F800000 : f32
    %broadcast_in_dim3A_56 = vector.broadcast %broadcast_in_dim3A_55 : f32 to vector<16xf32>
    %swap3A_57 = arith.constant 32 : index
    %swap3A_58 = tpu.vector_load %arg7[%swap3A_57] {strides = array<i32>} : memref<256xf32, #tpu.memory_space<vmem>>, vector<16xf32>,
    %swap3A_59 = vector.shape_cast %swap3A_58 : vector<16xf32> to vector<16xf32>
    %swap3A_60 = vector.shape_cast %broadcast_in_dim3A_56 : vector<16xf32> to vector<16xf32>
    tpu.vector_store %arg7[%swap3A_57], %swap3A_60 {strides = array<i32>} : memref<256xf32, #tpu.memory_space<vmem>>, vector<16xf32>,
    %broadcast_in_dim3A_61 = arith.constant 0 : i32
    %broadcast_in_dim3A_62 = vector.broadcast %broadcast_in_dim3A_61 : i32 to vector<16xi32>
    %swap3A_63 = arith.constant 32 : index
    %swap3A_64 = tpu.vector_load %arg8[%swap3A_63] {strides = array<i32>} : memref<256xi32, #tpu.memory_space<vmem>>, vector<16xi32>,
    %swap3A_65 = vector.shape_cast %swap3A_64 : vector<16xi32> to vector<16xi32>
    %swap3A_66 = vector.shape_cast %broadcast_in_dim3A_62 : vector<16xi32> to vector<16xi32>
    tpu.vector_store %arg8[%swap3A_63], %swap3A_66 {strides = array<i32>} : memref<256xi32, #tpu.memory_space<vmem>>, vector<16xi32>,
    %broadcast_in_dim3A_67 = arith.constant 0x7F800000 : f32
    %broadcast_in_dim3A_68 = vector.broadcast %broadcast_in_dim3A_67 : f32 to vector<16xf32>
    %swap3A_69 = arith.constant 48 : index
    %swap3A_70 = tpu.vector_load %arg7[%swap3A_69] {strides = array<i32>} : memref<256xf32, #tpu.memory_space<vmem>>, vector<16xf32>,
    %swap3A_71 = vector.shape_cast %swap3A_70 : vector<16xf32> to vector<16xf32>
    %swap3A_72 = vector.shape_cast %broadcast_in_dim3A_68 : vector<16xf32> to vector<16xf32>
    tpu.vector_store %arg7[%swap3A_69], %swap3A_72 {strides = array<i32>} : memref<256xf32, #tpu.memory_space<vmem>>, vector<16xf32>,
    %broadcast_in_dim3A_73 = arith.constant 0 : i32
    %broadcast_in_dim3A_74 = vector.broadcast %broadcast_in_dim3A_73 : i32 to vector<16xi32>
    %swap3A_75 = arith.constant 48 : index
    %swap3A_76 = tpu.vector_load %arg8[%swap3A_75] {strides = array<i32>} : memref<256xi32, #tpu.memory_space<vmem>>, vector<16xi32>,
    %swap3A_77 = vector.shape_cast %swap3A_76 : vector<16xi32> to vector<16xi32>
    %swap3A_78 = vector.shape_cast %broadcast_in_dim3A_74 : vector<16xi32> to vector<16xi32>
    tpu.vector_store %arg8[%swap3A_75], %swap3A_78 {strides = array<i32>} : memref<256xi32, #tpu.memory_space<vmem>>, vector<16xi32>,
    %broadcast_in_dim3A_79 = arith.constant 0x7F800000 : f32
    %broadcast_in_dim3A_80 = vector.broadcast %broadcast_in_dim3A_79 : f32 to vector<16xf32>
    %swap3A_81 = arith.constant 64 : index
    %swap3A_82 = tpu.vector_load %arg7[%swap3A_81] {strides = array<i32>} : memref<256xf32, #tpu.memory_space<vmem>>, vector<16xf32>,
    %swap3A_83 = vector.shape_cast %swap3A_82 : vector<16xf32> to vector<16xf32>
    %swap3A_84 = vector.shape_cast %broadcast_in_dim3A_80 : vector<16xf32> to vector<16xf32>
    tpu.vector_store %arg7[%swap3A_81], %swap3A_84 {strides = array<i32>} : memref<256xf32, #tpu.memory_space<vmem>>, vector<16xf32>,
    %broadcast_in_dim3A_85 = arith.constant 0 : i32
    %broadcast_in_dim3A_86 = vector.broadcast %broadcast_in_dim3A_85 : i32 to vector<16xi32>
    %swap3A_87 = arith.constant 64 : index
    %swap3A_88 = tpu.vector_load %arg8[%swap3A_87] {strides = array<i32>} : memref<256xi32, #tpu.memory_space<vmem>>, vector<16xi32>,
    %swap3A_89 = vector.shape_cast %swap3A_88 : vector<16xi32> to vector<16xi32>
    %swap3A_90 = vector.shape_cast %broadcast_in_dim3A_86 : vector<16xi32> to vector<16xi32>
    tpu.vector_store %arg8[%swap3A_87], %swap3A_90 {strides = array<i32>} : memref<256xi32, #tpu.memory_space<vmem>>, vector<16xi32>,
    %broadcast_in_dim3A_91 = arith.constant 0x7F800000 : f32
    %broadcast_in_dim3A_92 = vector.broadcast %broadcast_in_dim3A_91 : f32 to vector<16xf32>
    %swap3A_93 = arith.constant 80 : index
    %swap3A_94 = tpu.vector_load %arg7[%swap3A_93] {strides = array<i32>} : memref<256xf32, #tpu.memory_space<vmem>>, vector<16xf32>,
    %swap3A_95 = vector.shape_cast %swap3A_94 : vector<16xf32> to vector<16xf32>
    %swap3A_96 = vector.shape_cast %broadcast_in_dim3A_92 : vector<16xf32> to vector<16xf32>
    tpu.vector_store %arg7[%swap3A_93], %swap3A_96 {strides = array<i32>} : memref<256xf32, #tpu.memory_space<vmem>>, vector<16xf32>,
    %broadcast_in_dim3A_97 = arith.constant 0 : i32
    %broadcast_in_dim3A_98 = vector.broadcast %broadcast_in_dim3A_97 : i32 to vector<16xi32>
    %swap3A_99 = arith.constant 80 : index
    %swap3A_100 = tpu.vector_load %arg8[%swap3A_99] {strides = array<i32>} : memref<256xi32, #tpu.memory_space<vmem>>, vector<16xi32>,
    %swap3A_101 = vector.shape_cast %swap3A_100 : vector<16xi32> to vector<16xi32>
    %swap3A_102 = vector.shape_cast %broadcast_in_dim3A_98 : vector<16xi32> to vector<16xi32>
    tpu.vector_store %arg8[%swap3A_99], %swap3A_102 {strides = array<i32>} : memref<256xi32, #tpu.memory_space<vmem>>, vector<16xi32>,
    %broadcast_in_dim3A_103 = arith.constant 0x7F800000 : f32
    %broadcast_in_dim3A_104 = vector.broadcast %broadcast_in_dim3A_103 : f32 to vector<16xf32>
    %swap3A_105 = arith.constant 96 : index
    %swap3A_106 = tpu.vector_load %arg7[%swap3A_105] {strides = array<i32>} : memref<256xf32, #tpu.memory_space<vmem>>, vector<16xf32>,
    %swap3A_107 = vector.shape_cast %swap3A_106 : vector<16xf32> to vector<16xf32>
    %swap3A_108 = vector.shape_cast %broadcast_in_dim3A_104 : vector<16xf32> to vector<16xf32>
    tpu.vector_store %arg7[%swap3A_105], %swap3A_108 {strides = array<i32>} : memref<256xf32, #tpu.memory_space<vmem>>, vector<16xf32>,
    %broadcast_in_dim3A_109 = arith.constant 0 : i32
    %broadcast_in_dim3A_110 = vector.broadcast %broadcast_in_dim3A_109 : i32 to vector<16xi32>
    %swap3A_111 = arith.constant 96 : index
    %swap3A_112 = tpu.vector_load %arg8[%swap3A_111] {strides = array<i32>} : memref<256xi32, #tpu.memory_space<vmem>>, vector<16xi32>,
    %swap3A_113 = vector.shape_cast %swap3A_112 : vector<16xi32> to vector<16xi32>
    %swap3A_114 = vector.shape_cast %broadcast_in_dim3A_110 : vector<16xi32> to vector<16xi32>
    tpu.vector_store %arg8[%swap3A_111], %swap3A_114 {strides = array<i32>} : memref<256xi32, #tpu.memory_space<vmem>>, vector<16xi32>,
    %broadcast_in_dim3A_115 = arith.constant 0x7F800000 : f32
    %broadcast_in_dim3A_116 = vector.broadcast %broadcast_in_dim3A_115 : f32 to vector<16xf32>
    %swap3A_117 = arith.constant 112 : index
    %swap3A_118 = tpu.vector_load %arg7[%swap3A_117] {strides = array<i32>} : memref<256xf32, #tpu.memory_space<vmem>>, vector<16xf32>,
    %swap3A_119 = vector.shape_cast %swap3A_118 : vector<16xf32> to vector<16xf32>
    %swap3A_120 = vector.shape_cast %broadcast_in_dim3A_116 : vector<16xf32> to vector<16xf32>
    tpu.vector_store %arg7[%swap3A_117], %swap3A_120 {strides = array<i32>} : memref<256xf32, #tpu.memory_space<vmem>>, vector<16xf32>,
    %broadcast_in_dim3A_121 = arith.constant 0 : i32
    %broadcast_in_dim3A_122 = vector.broadcast %broadcast_in_dim3A_121 : i32 to vector<16xi32>
    %swap3A_123 = arith.constant 112 : index
    %swap3A_124 = tpu.vector_load %arg8[%swap3A_123] {strides = array<i32>} : memref<256xi32, #tpu.memory_space<vmem>>, vector<16xi32>,
    %swap3A_125 = vector.shape_cast %swap3A_124 : vector<16xi32> to vector<16xi32>
    %swap3A_126 = vector.shape_cast %broadcast_in_dim3A_122 : vector<16xi32> to vector<16xi32>
    tpu.vector_store %arg8[%swap3A_123], %swap3A_126 {strides = array<i32>} : memref<256xi32, #tpu.memory_space<vmem>>, vector<16xi32>,
    %broadcast_in_dim3A_127 = arith.constant 0x7F800000 : f32
    %broadcast_in_dim3A_128 = vector.broadcast %broadcast_in_dim3A_127 : f32 to vector<16xf32>
    %swap3A_129 = arith.constant 128 : index
    %swap3A_130 = tpu.vector_load %arg7[%swap3A_129] {strides = array<i32>} : memref<256xf32, #tpu.memory_space<vmem>>, vector<16xf32>,
    %swap3A_131 = vector.shape_cast %swap3A_130 : vector<16xf32> to vector<16xf32>
    %swap3A_132 = vector.shape_cast %broadcast_in_dim3A_128 : vector<16xf32> to vector<16xf32>
    tpu.vector_store %arg7[%swap3A_129], %swap3A_132 {strides = array<i32>} : memref<256xf32, #tpu.memory_space<vmem>>, vector<16xf32>,
    %broadcast_in_dim3A_133 = arith.constant 0 : i32
    %broadcast_in_dim3A_134 = vector.broadcast %broadcast_in_dim3A_133 : i32 to vector<16xi32>
    %swap3A_135 = arith.constant 128 : index
    %swap3A_136 = tpu.vector_load %arg8[%swap3A_135] {strides = array<i32>} : memref<256xi32, #tpu.memory_space<vmem>>, vector<16xi32>,
    %swap3A_137 = vector.shape_cast %swap3A_136 : vector<16xi32> to vector<16xi32>
    %swap3A_138 = vector.shape_cast %broadcast_in_dim3A_134 : vector<16xi32> to vector<16xi32>
    tpu.vector_store %arg8[%swap3A_135], %swap3A_138 {strides = array<i32>} : memref<256xi32, #tpu.memory_space<vmem>>, vector<16xi32>,
    %broadcast_in_dim3A_139 = arith.constant 0x7F800000 : f32
    %broadcast_in_dim3A_140 = vector.broadcast %broadcast_in_dim3A_139 : f32 to vector<16xf32>
    %swap3A_141 = arith.constant 144 : index
    %swap3A_142 = tpu.vector_load %arg7[%swap3A_141] {strides = array<i32>} : memref<256xf32, #tpu.memory_space<vmem>>, vector<16xf32>,
    %swap3A_143 = vector.shape_cast %swap3A_142 : vector<16xf32> to vector<16xf32>
    %swap3A_144 = vector.shape_cast %broadcast_in_dim3A_140 : vector<16xf32> to vector<16xf32>
    tpu.vector_store %arg7[%swap3A_141], %swap3A_144 {strides = array<i32>} : memref<256xf32, #tpu.memory_space<vmem>>, vector<16xf32>,
    %broadcast_in_dim3A_145 = arith.constant 0 : i32
    %broadcast_in_dim3A_146 = vector.broadcast %broadcast_in_dim3A_145 : i32 to vector<16xi32>
    %swap3A_147 = arith.constant 144 : index
    %swap3A_148 = tpu.vector_load %arg8[%swap3A_147] {strides = array<i32>} : memref<256xi32, #tpu.memory_space<vmem>>, vector<16xi32>,
    %swap3A_149 = vector.shape_cast %swap3A_148 : vector<16xi32> to vector<16xi32>
    %swap3A_150 = vector.shape_cast %broadcast_in_dim3A_146 : vector<16xi32> to vector<16xi32>
    tpu.vector_store %arg8[%swap3A_147], %swap3A_150 {strides = array<i32>} : memref<256xi32, #tpu.memory_space<vmem>>, vector<16xi32>,
    %broadcast_in_dim3A_151 = arith.constant 0x7F800000 : f32
    %broadcast_in_dim3A_152 = vector.broadcast %broadcast_in_dim3A_151 : f32 to vector<16xf32>
    %swap3A_153 = arith.constant 160 : index
    %swap3A_154 = tpu.vector_load %arg7[%swap3A_153] {strides = array<i32>} : memref<256xf32, #tpu.memory_space<vmem>>, vector<16xf32>,
    %swap3A_155 = vector.shape_cast %swap3A_154 : vector<16xf32> to vector<16xf32>
    %swap3A_156 = vector.shape_cast %broadcast_in_dim3A_152 : vector<16xf32> to vector<16xf32>
    tpu.vector_store %arg7[%swap3A_153], %swap3A_156 {strides = array<i32>} : memref<256xf32, #tpu.memory_space<vmem>>, vector<16xf32>,
    %broadcast_in_dim3A_157 = arith.constant 0 : i32
    %broadcast_in_dim3A_158 = vector.broadcast %broadcast_in_dim3A_157 : i32 to vector<16xi32>
    %swap3A_159 = arith.constant 160 : index
    %swap3A_160 = tpu.vector_load %arg8[%swap3A_159] {strides = array<i32>} : memref<256xi32, #tpu.memory_space<vmem>>, vector<16xi32>,
    %swap3A_161 = vector.shape_cast %swap3A_160 : vector<16xi32> to vector<16xi32>
    %swap3A_162 = vector.shape_cast %broadcast_in_dim3A_158 : vector<16xi32> to vector<16xi32>
    tpu.vector_store %arg8[%swap3A_159], %swap3A_162 {strides = array<i32>} : memref<256xi32, #tpu.memory_space<vmem>>, vector<16xi32>,
    %broadcast_in_dim3A_163 = arith.constant 0x7F800000 : f32
    %broadcast_in_dim3A_164 = vector.broadcast %broadcast_in_dim3A_163 : f32 to vector<16xf32>
    %swap3A_165 = arith.constant 176 : index
    %swap3A_166 = tpu.vector_load %arg7[%swap3A_165] {strides = array<i32>} : memref<256xf32, #tpu.memory_space<vmem>>, vector<16xf32>,
    %swap3A_167 = vector.shape_cast %swap3A_166 : vector<16xf32> to vector<16xf32>
    %swap3A_168 = vector.shape_cast %broadcast_in_dim3A_164 : vector<16xf32> to vector<16xf32>
    tpu.vector_store %arg7[%swap3A_165], %swap3A_168 {strides = array<i32>} : memref<256xf32, #tpu.memory_space<vmem>>, vector<16xf32>,
    %broadcast_in_dim3A_169 = arith.constant 0 : i32
    %broadcast_in_dim3A_170 = vector.broadcast %broadcast_in_dim3A_169 : i32 to vector<16xi32>
    %swap3A_171 = arith.constant 176 : index
    %swap3A_172 = tpu.vector_load %arg8[%swap3A_171] {strides = array<i32>} : memref<256xi32, #tpu.memory_space<vmem>>, vector<16xi32>,
    %swap3A_173 = vector.shape_cast %swap3A_172 : vector<16xi32> to vector<16xi32>
    %swap3A_174 = vector.shape_cast %broadcast_in_dim3A_170 : vector<16xi32> to vector<16xi32>
    tpu.vector_store %arg8[%swap3A_171], %swap3A_174 {strides = array<i32>} : memref<256xi32, #tpu.memory_space<vmem>>, vector<16xi32>,
    %broadcast_in_dim3A_175 = arith.constant 0x7F800000 : f32
    %broadcast_in_dim3A_176 = vector.broadcast %broadcast_in_dim3A_175 : f32 to vector<16xf32>
    %swap3A_177 = arith.constant 192 : index
    %swap3A_178 = tpu.vector_load %arg7[%swap3A_177] {strides = array<i32>} : memref<256xf32, #tpu.memory_space<vmem>>, vector<16xf32>,
    %swap3A_179 = vector.shape_cast %swap3A_178 : vector<16xf32> to vector<16xf32>
    %swap3A_180 = vector.shape_cast %broadcast_in_dim3A_176 : vector<16xf32> to vector<16xf32>
    tpu.vector_store %arg7[%swap3A_177], %swap3A_180 {strides = array<i32>} : memref<256xf32, #tpu.memory_space<vmem>>, vector<16xf32>,
    %broadcast_in_dim3A_181 = arith.constant 0 : i32
    %broadcast_in_dim3A_182 = vector.broadcast %broadcast_in_dim3A_181 : i32 to vector<16xi32>
    %swap3A_183 = arith.constant 192 : index
    %swap3A_184 = tpu.vector_load %arg8[%swap3A_183] {strides = array<i32>} : memref<256xi32, #tpu.memory_space<vmem>>, vector<16xi32>,
    %swap3A_185 = vector.shape_cast %swap3A_184 : vector<16xi32> to vector<16xi32>
    %swap3A_186 = vector.shape_cast %broadcast_in_dim3A_182 : vector<16xi32> to vector<16xi32>
    tpu.vector_store %arg8[%swap3A_183], %swap3A_186 {strides = array<i32>} : memref<256xi32, #tpu.memory_space<vmem>>, vector<16xi32>,
    %broadcast_in_dim3A_187 = arith.constant 0x7F800000 : f32
    %broadcast_in_dim3A_188 = vector.broadcast %broadcast_in_dim3A_187 : f32 to vector<16xf32>
    %swap3A_189 = arith.constant 208 : index
    %swap3A_190 = tpu.vector_load %arg7[%swap3A_189] {strides = array<i32>} : memref<256xf32, #tpu.memory_space<vmem>>, vector<16xf32>,
    %swap3A_191 = vector.shape_cast %swap3A_190 : vector<16xf32> to vector<16xf32>
    %swap3A_192 = vector.shape_cast %broadcast_in_dim3A_188 : vector<16xf32> to vector<16xf32>
    tpu.vector_store %arg7[%swap3A_189], %swap3A_192 {strides = array<i32>} : memref<256xf32, #tpu.memory_space<vmem>>, vector<16xf32>,
    %broadcast_in_dim3A_193 = arith.constant 0 : i32
    %broadcast_in_dim3A_194 = vector.broadcast %broadcast_in_dim3A_193 : i32 to vector<16xi32>
    %swap3A_195 = arith.constant 208 : index
    %swap3A_196 = tpu.vector_load %arg8[%swap3A_195] {strides = array<i32>} : memref<256xi32, #tpu.memory_space<vmem>>, vector<16xi32>,
    %swap3A_197 = vector.shape_cast %swap3A_196 : vector<16xi32> to vector<16xi32>
    %swap3A_198 = vector.shape_cast %broadcast_in_dim3A_194 : vector<16xi32> to vector<16xi32>
    tpu.vector_store %arg8[%swap3A_195], %swap3A_198 {strides = array<i32>} : memref<256xi32, #tpu.memory_space<vmem>>, vector<16xi32>,
    %broadcast_in_dim3A_199 = arith.constant 0x7F800000 : f32
    %broadcast_in_dim3A_200 = vector.broadcast %broadcast_in_dim3A_199 : f32 to vector<16xf32>
    %swap3A_201 = arith.constant 224 : index
    %swap3A_202 = tpu.vector_load %arg7[%swap3A_201] {strides = array<i32>} : memref<256xf32, #tpu.memory_space<vmem>>, vector<16xf32>,
    %swap3A_203 = vector.shape_cast %swap3A_202 : vector<16xf32> to vector<16xf32>
    %swap3A_204 = vector.shape_cast %broadcast_in_dim3A_200 : vector<16xf32> to vector<16xf32>
    tpu.vector_store %arg7[%swap3A_201], %swap3A_204 {strides = array<i32>} : memref<256xf32, #tpu.memory_space<vmem>>, vector<16xf32>,
    %broadcast_in_dim3A_205 = arith.constant 0 : i32
    %broadcast_in_dim3A_206 = vector.broadcast %broadcast_in_dim3A_205 : i32 to vector<16xi32>
    %swap3A_207 = arith.constant 224 : index
    %swap3A_208 = tpu.vector_load %arg8[%swap3A_207] {strides = array<i32>} : memref<256xi32, #tpu.memory_space<vmem>>, vector<16xi32>,
    %swap3A_209 = vector.shape_cast %swap3A_208 : vector<16xi32> to vector<16xi32>
    %swap3A_210 = vector.shape_cast %broadcast_in_dim3A_206 : vector<16xi32> to vector<16xi32>
    tpu.vector_store %arg8[%swap3A_207], %swap3A_210 {strides = array<i32>} : memref<256xi32, #tpu.memory_space<vmem>>, vector<16xi32>,
    %broadcast_in_dim3A_211 = arith.constant 0x7F800000 : f32
    %broadcast_in_dim3A_212 = vector.broadcast %broadcast_in_dim3A_211 : f32 to vector<16xf32>
    %swap3A_213 = arith.constant 240 : index
    %swap3A_214 = tpu.vector_load %arg7[%swap3A_213] {strides = array<i32>} : memref<256xf32, #tpu.memory_space<vmem>>, vector<16xf32>,
    %swap3A_215 = vector.shape_cast %swap3A_214 : vector<16xf32> to vector<16xf32>
    %swap3A_216 = vector.shape_cast %broadcast_in_dim3A_212 : vector<16xf32> to vector<16xf32>
    tpu.vector_store %arg7[%swap3A_213], %swap3A_216 {strides = array<i32>} : memref<256xf32, #tpu.memory_space<vmem>>, vector<16xf32>,
    %broadcast_in_dim3A_217 = arith.constant 0 : i32
    %broadcast_in_dim3A_218 = vector.broadcast %broadcast_in_dim3A_217 : i32 to vector<16xi32>
    %swap3A_219 = arith.constant 240 : index
    %swap3A_220 = tpu.vector_load %arg8[%swap3A_219] {strides = array<i32>} : memref<256xi32, #tpu.memory_space<vmem>>, vector<16xi32>,
    %swap3A_221 = vector.shape_cast %swap3A_220 : vector<16xi32> to vector<16xi32>
    %swap3A_222 = vector.shape_cast %broadcast_in_dim3A_218 : vector<16xi32> to vector<16xi32>
    tpu.vector_store %arg8[%swap3A_219], %swap3A_222 {strides = array<i32>} : memref<256xi32, #tpu.memory_space<vmem>>, vector<16xi32>,
    %broadcast_in_dim3A_223 = arith.constant 1 : i32
    %broadcast_in_dim3A_224 = vector.broadcast %broadcast_in_dim3A_223 : i32 to vector<16xi32>
    %broadcast_in_dim3A_225 = arith.constant 2 : i32
    %broadcast_in_dim3A_226 = vector.broadcast %broadcast_in_dim3A_225 : i32 to vector<16xi32>
    %broadcast_in_dim3A_227 = arith.constant 3 : i32
    %broadcast_in_dim3A_228 = vector.broadcast %broadcast_in_dim3A_227 : i32 to vector<16xi32>
    %broadcast_in_dim3A_229 = arith.constant 4 : i32
    %broadcast_in_dim3A_230 = vector.broadcast %broadcast_in_dim3A_229 : i32 to vector<16xi32>
    %dma_start3A = arith.constant 2304 : i32
    %dma_start3A_231 = tpu.memref_slice %arg2[%select_n3A, %dma_start3A, %mul3A_32] : memref<4x4096x2048xf32, #tpu.memory_space<hbm>> -> memref<1x128x256xf32, #tpu.memory_space<hbm>>
    %dma_start3A_232 = tpu.memref_squeeze %dma_start3A_231 : memref<1x128x256xf32, #tpu.memory_space<hbm>> -> memref<128x256xf32, #tpu.memory_space<hbm>>
    %dma_start3A_233 = arith.constant 2304 : i32
    %dma_start3A_234 = tpu.memref_slice %arg2[%select_n3A, %dma_start3A_233, %mul3A_32] : memref<4x4096x2048xf32, #tpu.memory_space<hbm>> -> memref<1x128x256xf32, #tpu.memory_space<hbm>>
    %dma_start3A_235 = tpu.memref_squeeze %dma_start3A_234 : memref<1x128x256xf32, #tpu.memory_space<hbm>> -> memref<128x256xf32, #tpu.memory_space<hbm>>
    tpu.enqueue_dma source(%dma_start3A_235 : memref<128x256xf32, #tpu.memory_space<hbm>>) target(%arg5 : memref<128x256xf32, #tpu.memory_space<vmem>>) target_semaphore(%arg9 : memref<!tpu.dma_semaphore, #tpu.memory_space<semaphore_mem>>)
    %scan3A = arith.constant 0 : i32
    %scan3A_236 = arith.constant 0 : i32
    %scan3A_237 = arith.constant 7 : i32
    %scan3A_238 = arith.addi %scan3A_236, %scan3A_237 : i32
    %scan3A_239 = arith.constant 1 : i32
    %scan3A_240 = scf.for %scan3A_242 = %scan3A_236 to %scan3A_238 step %scan3A_239 iter_args(%scan3A_243 = %scan3A) -> (i32)  : i32 {
      %mul3A_244 = arith.constant 2 : i32
      %mul3A_245 = arith.muli %scan3A_242, %mul3A_244 : i32
      %add3A_246 = arith.constant 0 : i32
      %add3A_247 = arith.addi %mul3A_245, %add3A_246 : i32
      %add3A_248 = arith.constant 1 : i32
      %add3A_249 = arith.addi %add3A_247, %add3A_248 : i32
      %lt3A_250 = arith.constant 14 : i32
      %lt3A_251 = arith.cmpi slt, %add3A_249, %lt3A_250 : i32
      %convert_element_type3A = arith.extui %lt3A_251 : i1 to i32
      %cond3A = arith.constant 0 : i32
      %cond3A_252 = arith.cmpi ne, %convert_element_type3A, %cond3A : i32
      scf.if %cond3A_252 {
        %add3A_767 = arith.constant 1 : i32
        %add3A_768 = arith.addi %add3A_247, %add3A_767 : i32
        %mul3A_769 = arith.constant 128 : i32
        %mul3A_770 = arith.muli %add3A_768, %mul3A_769 : i32
        %add3A_771 = arith.constant 2304 : i32
        %add3A_772 = arith.addi %add3A_771, %mul3A_770 : i32
        %dma_start3A_773 = tpu.memref_slice %arg2[%select_n3A, %add3A_772, %mul3A_32] : memref<4x4096x2048xf32, #tpu.memory_space<hbm>> -> memref<1x128x256xf32, #tpu.memory_space<hbm>>
        %dma_start3A_774 = tpu.memref_squeeze %dma_start3A_773 : memref<1x128x256xf32, #tpu.memory_space<hbm>> -> memref<128x256xf32, #tpu.memory_space<hbm>>
        %dma_start3A_775 = tpu.memref_slice %arg2[%select_n3A, %add3A_772, %mul3A_32] : memref<4x4096x2048xf32, #tpu.memory_space<hbm>> -> memref<1x128x256xf32, #tpu.memory_space<hbm>>
        %dma_start3A_776 = tpu.memref_squeeze %dma_start3A_775 : memref<1x128x256xf32, #tpu.memory_space<hbm>> -> memref<128x256xf32, #tpu.memory_space<hbm>>
        tpu.enqueue_dma source(%dma_start3A_776 : memref<128x256xf32, #tpu.memory_space<hbm>>) target(%arg6 : memref<128x256xf32, #tpu.memory_space<vmem>>) target_semaphore(%arg10 : memref<!tpu.dma_semaphore, #tpu.memory_space<semaphore_mem>>)
      } else {
      }
      %dma_wait3A = arith.constant 2304 : i32
      %dma_wait3A_253 = tpu.memref_slice %arg2[%select_n3A, %dma_wait3A, %mul3A_32] : memref<4x4096x2048xf32, #tpu.memory_space<hbm>> -> memref<1x128x256xf32, #tpu.memory_space<hbm>>
      %dma_wait3A_254 = tpu.memref_squeeze %dma_wait3A_253 : memref<1x128x256xf32, #tpu.memory_space<hbm>> -> memref<128x256xf32, #tpu.memory_space<hbm>>
      %dma_wait3A_255 = arith.constant 2304 : i32
      %dma_wait3A_256 = tpu.memref_slice %arg2[%select_n3A, %dma_wait3A_255, %mul3A_32] : memref<4x4096x2048xf32, #tpu.memory_space<hbm>> -> memref<1x128x256xf32, #tpu.memory_space<hbm>>
      %dma_wait3A_257 = tpu.memref_squeeze %dma_wait3A_256 : memref<1x128x256xf32, #tpu.memory_space<hbm>> -> memref<128x256xf32, #tpu.memory_space<hbm>>
      tpu.wait_dma2 semaphore(%arg9 : memref<!tpu.dma_semaphore, #tpu.memory_space<semaphore_mem>>) src(%dma_wait3A_257 : memref<128x256xf32, #tpu.memory_space<hbm>>) dst(%arg5 : memref<128x256xf32, #tpu.memory_space<vmem>>)
      %get3A = arith.constant 0 : index
      %get3A_258 = tpu.vector_load %arg7[%get3A] {strides = array<i32>} : memref<256xf32, #tpu.memory_space<vmem>>, vector<16xf32>,
      %get3A_259 = vector.shape_cast %get3A_258 : vector<16xf32> to vector<16xf32>
      %get3A_260 = arith.constant 16 : index
      %get3A_261 = tpu.vector_load %arg7[%get3A_260] {strides = array<i32>} : memref<256xf32, #tpu.memory_space<vmem>>, vector<16xf32>,
      %get3A_262 = vector.shape_cast %get3A_261 : vector<16xf32> to vector<16xf32>
      %get3A_263 = arith.constant 32 : index
      %get3A_264 = tpu.vector_load %arg7[%get3A_263] {strides = array<i32>} : memref<256xf32, #tpu.memory_space<vmem>>, vector<16xf32>,
      %get3A_265 = vector.shape_cast %get3A_264 : vector<16xf32> to vector<16xf32>
      %get3A_266 = arith.constant 48 : index
      %get3A_267 = tpu.vector_load %arg7[%get3A_266] {strides = array<i32>} : memref<256xf32, #tpu.memory_space<vmem>>, vector<16xf32>,
      %get3A_268 = vector.shape_cast %get3A_267 : vector<16xf32> to vector<16xf32>
      %get3A_269 = arith.constant 64 : index
      %get3A_270 = tpu.vector_load %arg7[%get3A_269] {strides = array<i32>} : memref<256xf32, #tpu.memory_space<vmem>>, vector<16xf32>,
      %get3A_271 = vector.shape_cast %get3A_270 : vector<16xf32> to vector<16xf32>
      %get3A_272 = arith.constant 80 : index
      %get3A_273 = tpu.vector_load %arg7[%get3A_272] {strides = array<i32>} : memref<256xf32, #tpu.memory_space<vmem>>, vector<16xf32>,
      %get3A_274 = vector.shape_cast %get3A_273 : vector<16xf32> to vector<16xf32>
      %get3A_275 = arith.constant 96 : index
      %get3A_276 = tpu.vector_load %arg7[%get3A_275] {strides = array<i32>} : memref<256xf32, #tpu.memory_space<vmem>>, vector<16xf32>,
      %get3A_277 = vector.shape_cast %get3A_276 : vector<16xf32> to vector<16xf32>
      %get3A_278 = arith.constant 112 : index
      %get3A_279 = tpu.vector_load %arg7[%get3A_278] {strides = array<i32>} : memref<256xf32, #tpu.memory_space<vmem>>, vector<16xf32>,
      %get3A_280 = vector.shape_cast %get3A_279 : vector<16xf32> to vector<16xf32>
      %get3A_281 = arith.constant 0 : index
      %get3A_282 = tpu.vector_load %arg8[%get3A_281] {strides = array<i32>} : memref<256xi32, #tpu.memory_space<vmem>>, vector<16xi32>,
      %get3A_283 = vector.shape_cast %get3A_282 : vector<16xi32> to vector<16xi32>
      %get3A_284 = arith.constant 16 : index
      %get3A_285 = tpu.vector_load %arg8[%get3A_284] {strides = array<i32>} : memref<256xi32, #tpu.memory_space<vmem>>, vector<16xi32>,
      %get3A_286 = vector.shape_cast %get3A_285 : vector<16xi32> to vector<16xi32>
      %get3A_287 = arith.constant 32 : index
      %get3A_288 = tpu.vector_load %arg8[%get3A_287] {strides = array<i32>} : memref<256xi32, #tpu.memory_space<vmem>>, vector<16xi32>,
      %get3A_289 = vector.shape_cast %get3A_288 : vector<16xi32> to vector<16xi32>
      %get3A_290 = arith.constant 48 : index
      %get3A_291 = tpu.vector_load %arg8[%get3A_290] {strides = array<i32>} : memref<256xi32, #tpu.memory_space<vmem>>, vector<16xi32>,
      %get3A_292 = vector.shape_cast %get3A_291 : vector<16xi32> to vector<16xi32>
      %get3A_293 = arith.constant 64 : index
      %get3A_294 = tpu.vector_load %arg8[%get3A_293] {strides = array<i32>} : memref<256xi32, #tpu.memory_space<vmem>>, vector<16xi32>,
      %get3A_295 = vector.shape_cast %get3A_294 : vector<16xi32> to vector<16xi32>
      %get3A_296 = arith.constant 80 : index
      %get3A_297 = tpu.vector_load %arg8[%get3A_296] {strides = array<i32>} : memref<256xi32, #tpu.memory_space<vmem>>, vector<16xi32>,
      %get3A_298 = vector.shape_cast %get3A_297 : vector<16xi32> to vector<16xi32>
      %get3A_299 = arith.constant 96 : index
      %get3A_300 = tpu.vector_load %arg8[%get3A_299] {strides = array<i32>} : memref<256xi32, #tpu.memory_space<vmem>>, vector<16xi32>,
      %get3A_301 = vector.shape_cast %get3A_300 : vector<16xi32> to vector<16xi32>
      %get3A_302 = arith.constant 112 : index
      %get3A_303 = tpu.vector_load %arg8[%get3A_302] {strides = array<i32>} : memref<256xi32, #tpu.memory_space<vmem>>, vector<16xi32>,
      %get3A_304 = vector.shape_cast %get3A_303 : vector<16xi32> to vector<16xi32>
      %mul3A_305 = arith.constant 128 : i32
      %mul3A_306 = arith.muli %add3A_247, %mul3A_305 : i32
      %add3A_307 = arith.constant 2304 : i32
      %add3A_308 = arith.addi %add3A_307, %mul3A_306 : i32
      %broadcast_in_dim3A_309 = vector.broadcast %add3A_308 : i32 to vector<16xi32>
      %scan3A_310 = arith.constant 0 : i32
      %scan3A_311 = arith.constant 32 : i32
      %scan3A_312 = arith.addi %scan3A_310, %scan3A_311 : i32
      %scan3A_313 = arith.constant 1 : i32
      %scan3A_314:17 = scf.for %scan3A_767 = %scan3A_310 to %scan3A_312 step %scan3A_313 iter_args(%scan3A_768 = %broadcast_in_dim3A_309, %scan3A_769 = %get3A_259, %scan3A_770 = %get3A_262, %scan3A_771 = %get3A_265, %scan3A_772 = %get3A_268, %scan3A_773 = %get3A_271, %scan3A_774 = %get3A_274, %scan3A_775 = %get3A_277, %scan3A_776 = %get3A_280, %scan3A_777 = %get3A_283, %scan3A_778 = %get3A_286, %scan3A_779 = %get3A_289, %scan3A_780 = %get3A_292, %scan3A_781 = %get3A_295, %scan3A_782 = %get3A_298, %scan3A_783 = %get3A_301, %scan3A_784 = %get3A_304) -> (vector<16xi32>, vector<16xf32>, vector<16xf32>, vector<16xf32>, vector<16xf32>, vector<16xf32>, vector<16xf32>, vector<16xf32>, vector<16xf32>, vector<16xi32>, vector<16xi32>, vector<16xi32>, vector<16xi32>, vector<16xi32>, vector<16xi32>, vector<16xi32>, vector<16xi32>)  : i32 {
        %add3A_785 = arith.addi %scan3A_768, %broadcast_in_dim3A_224 : vector<16xi32>
        %add3A_786 = arith.addi %scan3A_768, %broadcast_in_dim3A_226 : vector<16xi32>
        %add3A_787 = arith.addi %scan3A_768, %broadcast_in_dim3A_228 : vector<16xi32>
        %mul3A_788 = arith.constant 4 : i32
        %mul3A_789 = arith.muli %scan3A_767, %mul3A_788 : i32
        %add3A_790 = arith.constant 0 : i32
        %add3A_791 = arith.addi %mul3A_789, %add3A_790 : i32
        %get3A_792 = arith.index_cast %add3A_791 : i32 to index
        %get3A_793 = arith.constant 0 : index
        %get3A_794 = tpu.vector_load %arg5[%get3A_792, %get3A_793] {strides = array<i32>} : memref<128x256xf32, #tpu.memory_space<vmem>>, vector<1x16xf32>,
        %get3A_795 = vector.shape_cast %get3A_794 : vector<1x16xf32> to vector<16xf32>
        %lt3A_796 = arith.cmpf olt, %get3A_795, %scan3A_769 : vector<16xf32>
        %select_n3A_797 = arith.select %lt3A_796, %get3A_795, %scan3A_769 : vector<16xi1>, vector<16xf32>
        %select_n3A_798 = arith.select %lt3A_796, %scan3A_768, %scan3A_777 : vector<16xi1>, vector<16xi32>
        %get3A_799 = arith.index_cast %add3A_791 : i32 to index
        %get3A_800 = arith.constant 16 : index
        %get3A_801 = tpu.vector_load %arg5[%get3A_799, %get3A_800] {strides = array<i32>} : memref<128x256xf32, #tpu.memory_space<vmem>>, vector<1x16xf32>,
        %get3A_802 = vector.shape_cast %get3A_801 : vector<1x16xf32> to vector<16xf32>
        %lt3A_803 = arith.cmpf olt, %get3A_802, %scan3A_770 : vector<16xf32>
        %select_n3A_804 = arith.select %lt3A_803, %get3A_802, %scan3A_770 : vector<16xi1>, vector<16xf32>
        %select_n3A_805 = arith.select %lt3A_803, %scan3A_768, %scan3A_778 : vector<16xi1>, vector<16xi32>
        %get3A_806 = arith.index_cast %add3A_791 : i32 to index
        %get3A_807 = arith.constant 32 : index
        %get3A_808 = tpu.vector_load %arg5[%get3A_806, %get3A_807] {strides = array<i32>} : memref<128x256xf32, #tpu.memory_space<vmem>>, vector<1x16xf32>,
        %get3A_809 = vector.shape_cast %get3A_808 : vector<1x16xf32> to vector<16xf32>
        %lt3A_810 = arith.cmpf olt, %get3A_809, %scan3A_771 : vector<16xf32>
        %select_n3A_811 = arith.select %lt3A_810, %get3A_809, %scan3A_771 : vector<16xi1>, vector<16xf32>
        %select_n3A_812 = arith.select %lt3A_810, %scan3A_768, %scan3A_779 : vector<16xi1>, vector<16xi32>
        %get3A_813 = arith.index_cast %add3A_791 : i32 to index
        %get3A_814 = arith.constant 48 : index
        %get3A_815 = tpu.vector_load %arg5[%get3A_813, %get3A_814] {strides = array<i32>} : memref<128x256xf32, #tpu.memory_space<vmem>>, vector<1x16xf32>,
        %get3A_816 = vector.shape_cast %get3A_815 : vector<1x16xf32> to vector<16xf32>
        %lt3A_817 = arith.cmpf olt, %get3A_816, %scan3A_772 : vector<16xf32>
        %select_n3A_818 = arith.select %lt3A_817, %get3A_816, %scan3A_772 : vector<16xi1>, vector<16xf32>
        %select_n3A_819 = arith.select %lt3A_817, %scan3A_768, %scan3A_780 : vector<16xi1>, vector<16xi32>
        %get3A_820 = arith.index_cast %add3A_791 : i32 to index
        %get3A_821 = arith.constant 64 : index
        %get3A_822 = tpu.vector_load %arg5[%get3A_820, %get3A_821] {strides = array<i32>} : memref<128x256xf32, #tpu.memory_space<vmem>>, vector<1x16xf32>,
        %get3A_823 = vector.shape_cast %get3A_822 : vector<1x16xf32> to vector<16xf32>
        %lt3A_824 = arith.cmpf olt, %get3A_823, %scan3A_773 : vector<16xf32>
        %select_n3A_825 = arith.select %lt3A_824, %get3A_823, %scan3A_773 : vector<16xi1>, vector<16xf32>
        %select_n3A_826 = arith.select %lt3A_824, %scan3A_768, %scan3A_781 : vector<16xi1>, vector<16xi32>
        %get3A_827 = arith.index_cast %add3A_791 : i32 to index
        %get3A_828 = arith.constant 80 : index
        %get3A_829 = tpu.vector_load %arg5[%get3A_827, %get3A_828] {strides = array<i32>} : memref<128x256xf32, #tpu.memory_space<vmem>>, vector<1x16xf32>,
        %get3A_830 = vector.shape_cast %get3A_829 : vector<1x16xf32> to vector<16xf32>
        %lt3A_831 = arith.cmpf olt, %get3A_830, %scan3A_774 : vector<16xf32>
        %select_n3A_832 = arith.select %lt3A_831, %get3A_830, %scan3A_774 : vector<16xi1>, vector<16xf32>
        %select_n3A_833 = arith.select %lt3A_831, %scan3A_768, %scan3A_782 : vector<16xi1>, vector<16xi32>
        %get3A_834 = arith.index_cast %add3A_791 : i32 to index
        %get3A_835 = arith.constant 96 : index
        %get3A_836 = tpu.vector_load %arg5[%get3A_834, %get3A_835] {strides = array<i32>} : memref<128x256xf32, #tpu.memory_space<vmem>>, vector<1x16xf32>,
        %get3A_837 = vector.shape_cast %get3A_836 : vector<1x16xf32> to vector<16xf32>
        %lt3A_838 = arith.cmpf olt, %get3A_837, %scan3A_775 : vector<16xf32>
        %select_n3A_839 = arith.select %lt3A_838, %get3A_837, %scan3A_775 : vector<16xi1>, vector<16xf32>
        %select_n3A_840 = arith.select %lt3A_838, %scan3A_768, %scan3A_783 : vector<16xi1>, vector<16xi32>
        %get3A_841 = arith.index_cast %add3A_791 : i32 to index
        %get3A_842 = arith.constant 112 : index
        %get3A_843 = tpu.vector_load %arg5[%get3A_841, %get3A_842] {strides = array<i32>} : memref<128x256xf32, #tpu.memory_space<vmem>>, vector<1x16xf32>,
        %get3A_844 = vector.shape_cast %get3A_843 : vector<1x16xf32> to vector<16xf32>
        %lt3A_845 = arith.cmpf olt, %get3A_844, %scan3A_776 : vector<16xf32>
        %select_n3A_846 = arith.select %lt3A_845, %get3A_844, %scan3A_776 : vector<16xi1>, vector<16xf32>
        %select_n3A_847 = arith.select %lt3A_845, %scan3A_768, %scan3A_784 : vector<16xi1>, vector<16xi32>
        %mul3A_848 = arith.constant 4 : i32
        %mul3A_849 = arith.muli %scan3A_767, %mul3A_848 : i32
        %add3A_850 = arith.constant 1 : i32
        %add3A_851 = arith.addi %mul3A_849, %add3A_850 : i32
        %get3A_852 = arith.index_cast %add3A_851 : i32 to index
        %get3A_853 = arith.constant 0 : index
        %get3A_854 = tpu.vector_load %arg5[%get3A_852, %get3A_853] {strides = array<i32>} : memref<128x256xf32, #tpu.memory_space<vmem>>, vector<1x16xf32>,
        %get3A_855 = vector.shape_cast %get3A_854 : vector<1x16xf32> to vector<16xf32>
        %lt3A_856 = arith.cmpf olt, %get3A_855, %select_n3A_797 : vector<16xf32>
        %select_n3A_857 = arith.select %lt3A_856, %get3A_855, %select_n3A_797 : vector<16xi1>, vector<16xf32>
        %select_n3A_858 = arith.select %lt3A_856, %add3A_785, %select_n3A_798 : vector<16xi1>, vector<16xi32>
        %get3A_859 = arith.index_cast %add3A_851 : i32 to index
        %get3A_860 = arith.constant 16 : index
        %get3A_861 = tpu.vector_load %arg5[%get3A_859, %get3A_860] {strides = array<i32>} : memref<128x256xf32, #tpu.memory_space<vmem>>, vector<1x16xf32>,
        %get3A_862 = vector.shape_cast %get3A_861 : vector<1x16xf32> to vector<16xf32>
        %lt3A_863 = arith.cmpf olt, %get3A_862, %select_n3A_804 : vector<16xf32>
        %select_n3A_864 = arith.select %lt3A_863, %get3A_862, %select_n3A_804 : vector<16xi1>, vector<16xf32>
        %select_n3A_865 = arith.select %lt3A_863, %add3A_785, %select_n3A_805 : vector<16xi1>, vector<16xi32>
        %get3A_866 = arith.index_cast %add3A_851 : i32 to index
        %get3A_867 = arith.constant 32 : index
        %get3A_868 = tpu.vector_load %arg5[%get3A_866, %get3A_867] {strides = array<i32>} : memref<128x256xf32, #tpu.memory_space<vmem>>, vector<1x16xf32>,
        %get3A_869 = vector.shape_cast %get3A_868 : vector<1x16xf32> to vector<16xf32>
        %lt3A_870 = arith.cmpf olt, %get3A_869, %select_n3A_811 : vector<16xf32>
        %select_n3A_871 = arith.select %lt3A_870, %get3A_869, %select_n3A_811 : vector<16xi1>, vector<16xf32>
        %select_n3A_872 = arith.select %lt3A_870, %add3A_785, %select_n3A_812 : vector<16xi1>, vector<16xi32>
        %get3A_873 = arith.index_cast %add3A_851 : i32 to index
        %get3A_874 = arith.constant 48 : index
        %get3A_875 = tpu.vector_load %arg5[%get3A_873, %get3A_874] {strides = array<i32>} : memref<128x256xf32, #tpu.memory_space<vmem>>, vector<1x16xf32>,
        %get3A_876 = vector.shape_cast %get3A_875 : vector<1x16xf32> to vector<16xf32>
        %lt3A_877 = arith.cmpf olt, %get3A_876, %select_n3A_818 : vector<16xf32>
        %select_n3A_878 = arith.select %lt3A_877, %get3A_876, %select_n3A_818 : vector<16xi1>, vector<16xf32>
        %select_n3A_879 = arith.select %lt3A_877, %add3A_785, %select_n3A_819 : vector<16xi1>, vector<16xi32>
        %get3A_880 = arith.index_cast %add3A_851 : i32 to index
        %get3A_881 = arith.constant 64 : index
        %get3A_882 = tpu.vector_load %arg5[%get3A_880, %get3A_881] {strides = array<i32>} : memref<128x256xf32, #tpu.memory_space<vmem>>, vector<1x16xf32>,
        %get3A_883 = vector.shape_cast %get3A_882 : vector<1x16xf32> to vector<16xf32>
        %lt3A_884 = arith.cmpf olt, %get3A_883, %select_n3A_825 : vector<16xf32>
        %select_n3A_885 = arith.select %lt3A_884, %get3A_883, %select_n3A_825 : vector<16xi1>, vector<16xf32>
        %select_n3A_886 = arith.select %lt3A_884, %add3A_785, %select_n3A_826 : vector<16xi1>, vector<16xi32>
        %get3A_887 = arith.index_cast %add3A_851 : i32 to index
        %get3A_888 = arith.constant 80 : index
        %get3A_889 = tpu.vector_load %arg5[%get3A_887, %get3A_888] {strides = array<i32>} : memref<128x256xf32, #tpu.memory_space<vmem>>, vector<1x16xf32>,
        %get3A_890 = vector.shape_cast %get3A_889 : vector<1x16xf32> to vector<16xf32>
        %lt3A_891 = arith.cmpf olt, %get3A_890, %select_n3A_832 : vector<16xf32>
        %select_n3A_892 = arith.select %lt3A_891, %get3A_890, %select_n3A_832 : vector<16xi1>, vector<16xf32>
        %select_n3A_893 = arith.select %lt3A_891, %add3A_785, %select_n3A_833 : vector<16xi1>, vector<16xi32>
        %get3A_894 = arith.index_cast %add3A_851 : i32 to index
        %get3A_895 = arith.constant 96 : index
        %get3A_896 = tpu.vector_load %arg5[%get3A_894, %get3A_895] {strides = array<i32>} : memref<128x256xf32, #tpu.memory_space<vmem>>, vector<1x16xf32>,
        %get3A_897 = vector.shape_cast %get3A_896 : vector<1x16xf32> to vector<16xf32>
        %lt3A_898 = arith.cmpf olt, %get3A_897, %select_n3A_839 : vector<16xf32>
        %select_n3A_899 = arith.select %lt3A_898, %get3A_897, %select_n3A_839 : vector<16xi1>, vector<16xf32>
        %select_n3A_900 = arith.select %lt3A_898, %add3A_785, %select_n3A_840 : vector<16xi1>, vector<16xi32>
        %get3A_901 = arith.index_cast %add3A_851 : i32 to index
        %get3A_902 = arith.constant 112 : index
        %get3A_903 = tpu.vector_load %arg5[%get3A_901, %get3A_902] {strides = array<i32>} : memref<128x256xf32, #tpu.memory_space<vmem>>, vector<1x16xf32>,
        %get3A_904 = vector.shape_cast %get3A_903 : vector<1x16xf32> to vector<16xf32>
        %lt3A_905 = arith.cmpf olt, %get3A_904, %select_n3A_846 : vector<16xf32>
        %select_n3A_906 = arith.select %lt3A_905, %get3A_904, %select_n3A_846 : vector<16xi1>, vector<16xf32>
        %select_n3A_907 = arith.select %lt3A_905, %add3A_785, %select_n3A_847 : vector<16xi1>, vector<16xi32>
        %mul3A_908 = arith.constant 4 : i32
        %mul3A_909 = arith.muli %scan3A_767, %mul3A_908 : i32
        %add3A_910 = arith.constant 2 : i32
        %add3A_911 = arith.addi %mul3A_909, %add3A_910 : i32
        %get3A_912 = arith.index_cast %add3A_911 : i32 to index
        %get3A_913 = arith.constant 0 : index
        %get3A_914 = tpu.vector_load %arg5[%get3A_912, %get3A_913] {strides = array<i32>} : memref<128x256xf32, #tpu.memory_space<vmem>>, vector<1x16xf32>,
        %get3A_915 = vector.shape_cast %get3A_914 : vector<1x16xf32> to vector<16xf32>
        %lt3A_916 = arith.cmpf olt, %get3A_915, %select_n3A_857 : vector<16xf32>
        %select_n3A_917 = arith.select %lt3A_916, %get3A_915, %select_n3A_857 : vector<16xi1>, vector<16xf32>
        %select_n3A_918 = arith.select %lt3A_916, %add3A_786, %select_n3A_858 : vector<16xi1>, vector<16xi32>
        %get3A_919 = arith.index_cast %add3A_911 : i32 to index
        %get3A_920 = arith.constant 16 : index
        %get3A_921 = tpu.vector_load %arg5[%get3A_919, %get3A_920] {strides = array<i32>} : memref<128x256xf32, #tpu.memory_space<vmem>>, vector<1x16xf32>,
        %get3A_922 = vector.shape_cast %get3A_921 : vector<1x16xf32> to vector<16xf32>
        %lt3A_923 = arith.cmpf olt, %get3A_922, %select_n3A_864 : vector<16xf32>
        %select_n3A_924 = arith.select %lt3A_923, %get3A_922, %select_n3A_864 : vector<16xi1>, vector<16xf32>
        %select_n3A_925 = arith.select %lt3A_923, %add3A_786, %select_n3A_865 : vector<16xi1>, vector<16xi32>
        %get3A_926 = arith.index_cast %add3A_911 : i32 to index
        %get3A_927 = arith.constant 32 : index
        %get3A_928 = tpu.vector_load %arg5[%get3A_926, %get3A_927] {strides = array<i32>} : memref<128x256xf32, #tpu.memory_space<vmem>>, vector<1x16xf32>,
        %get3A_929 = vector.shape_cast %get3A_928 : vector<1x16xf32> to vector<16xf32>
        %lt3A_930 = arith.cmpf olt, %get3A_929, %select_n3A_871 : vector<16xf32>
        %select_n3A_931 = arith.select %lt3A_930, %get3A_929, %select_n3A_871 : vector<16xi1>, vector<16xf32>
        %select_n3A_932 = arith.select %lt3A_930, %add3A_786, %select_n3A_872 : vector<16xi1>, vector<16xi32>
        %get3A_933 = arith.index_cast %add3A_911 : i32 to index
        %get3A_934 = arith.constant 48 : index
        %get3A_935 = tpu.vector_load %arg5[%get3A_933, %get3A_934] {strides = array<i32>} : memref<128x256xf32, #tpu.memory_space<vmem>>, vector<1x16xf32>,
        %get3A_936 = vector.shape_cast %get3A_935 : vector<1x16xf32> to vector<16xf32>
        %lt3A_937 = arith.cmpf olt, %get3A_936, %select_n3A_878 : vector<16xf32>
        %select_n3A_938 = arith.select %lt3A_937, %get3A_936, %select_n3A_878 : vector<16xi1>, vector<16xf32>
        %select_n3A_939 = arith.select %lt3A_937, %add3A_786, %select_n3A_879 : vector<16xi1>, vector<16xi32>
        %get3A_940 = arith.index_cast %add3A_911 : i32 to index
        %get3A_941 = arith.constant 64 : index
        %get3A_942 = tpu.vector_load %arg5[%get3A_940, %get3A_941] {strides = array<i32>} : memref<128x256xf32, #tpu.memory_space<vmem>>, vector<1x16xf32>,
        %get3A_943 = vector.shape_cast %get3A_942 : vector<1x16xf32> to vector<16xf32>
        %lt3A_944 = arith.cmpf olt, %get3A_943, %select_n3A_885 : vector<16xf32>
        %select_n3A_945 = arith.select %lt3A_944, %get3A_943, %select_n3A_885 : vector<16xi1>, vector<16xf32>
        %select_n3A_946 = arith.select %lt3A_944, %add3A_786, %select_n3A_886 : vector<16xi1>, vector<16xi32>
        %get3A_947 = arith.index_cast %add3A_911 : i32 to index
        %get3A_948 = arith.constant 80 : index
        %get3A_949 = tpu.vector_load %arg5[%get3A_947, %get3A_948] {strides = array<i32>} : memref<128x256xf32, #tpu.memory_space<vmem>>, vector<1x16xf32>,
        %get3A_950 = vector.shape_cast %get3A_949 : vector<1x16xf32> to vector<16xf32>
        %lt3A_951 = arith.cmpf olt, %get3A_950, %select_n3A_892 : vector<16xf32>
        %select_n3A_952 = arith.select %lt3A_951, %get3A_950, %select_n3A_892 : vector<16xi1>, vector<16xf32>
        %select_n3A_953 = arith.select %lt3A_951, %add3A_786, %select_n3A_893 : vector<16xi1>, vector<16xi32>
        %get3A_954 = arith.index_cast %add3A_911 : i32 to index
        %get3A_955 = arith.constant 96 : index
        %get3A_956 = tpu.vector_load %arg5[%get3A_954, %get3A_955] {strides = array<i32>} : memref<128x256xf32, #tpu.memory_space<vmem>>, vector<1x16xf32>,
        %get3A_957 = vector.shape_cast %get3A_956 : vector<1x16xf32> to vector<16xf32>
        %lt3A_958 = arith.cmpf olt, %get3A_957, %select_n3A_899 : vector<16xf32>
        %select_n3A_959 = arith.select %lt3A_958, %get3A_957, %select_n3A_899 : vector<16xi1>, vector<16xf32>
        %select_n3A_960 = arith.select %lt3A_958, %add3A_786, %select_n3A_900 : vector<16xi1>, vector<16xi32>
        %get3A_961 = arith.index_cast %add3A_911 : i32 to index
        %get3A_962 = arith.constant 112 : index
        %get3A_963 = tpu.vector_load %arg5[%get3A_961, %get3A_962] {strides = array<i32>} : memref<128x256xf32, #tpu.memory_space<vmem>>, vector<1x16xf32>,
        %get3A_964 = vector.shape_cast %get3A_963 : vector<1x16xf32> to vector<16xf32>
        %lt3A_965 = arith.cmpf olt, %get3A_964, %select_n3A_906 : vector<16xf32>
        %select_n3A_966 = arith.select %lt3A_965, %get3A_964, %select_n3A_906 : vector<16xi1>, vector<16xf32>
        %select_n3A_967 = arith.select %lt3A_965, %add3A_786, %select_n3A_907 : vector<16xi1>, vector<16xi32>
        %mul3A_968 = arith.constant 4 : i32
        %mul3A_969 = arith.muli %scan3A_767, %mul3A_968 : i32
        %add3A_970 = arith.constant 3 : i32
        %add3A_971 = arith.addi %mul3A_969, %add3A_970 : i32
        %get3A_972 = arith.index_cast %add3A_971 : i32 to index
        %get3A_973 = arith.constant 0 : index
        %get3A_974 = tpu.vector_load %arg5[%get3A_972, %get3A_973] {strides = array<i32>} : memref<128x256xf32, #tpu.memory_space<vmem>>, vector<1x16xf32>,
        %get3A_975 = vector.shape_cast %get3A_974 : vector<1x16xf32> to vector<16xf32>
        %lt3A_976 = arith.cmpf olt, %get3A_975, %select_n3A_917 : vector<16xf32>
        %select_n3A_977 = arith.select %lt3A_976, %get3A_975, %select_n3A_917 : vector<16xi1>, vector<16xf32>
        %select_n3A_978 = arith.select %lt3A_976, %add3A_787, %select_n3A_918 : vector<16xi1>, vector<16xi32>
        %get3A_979 = arith.index_cast %add3A_971 : i32 to index
        %get3A_980 = arith.constant 16 : index
        %get3A_981 = tpu.vector_load %arg5[%get3A_979, %get3A_980] {strides = array<i32>} : memref<128x256xf32, #tpu.memory_space<vmem>>, vector<1x16xf32>,
        %get3A_982 = vector.shape_cast %get3A_981 : vector<1x16xf32> to vector<16xf32>
        %lt3A_983 = arith.cmpf olt, %get3A_982, %select_n3A_924 : vector<16xf32>
        %select_n3A_984 = arith.select %lt3A_983, %get3A_982, %select_n3A_924 : vector<16xi1>, vector<16xf32>
        %select_n3A_985 = arith.select %lt3A_983, %add3A_787, %select_n3A_925 : vector<16xi1>, vector<16xi32>
        %get3A_986 = arith.index_cast %add3A_971 : i32 to index
        %get3A_987 = arith.constant 32 : index
        %get3A_988 = tpu.vector_load %arg5[%get3A_986, %get3A_987] {strides = array<i32>} : memref<128x256xf32, #tpu.memory_space<vmem>>, vector<1x16xf32>,
        %get3A_989 = vector.shape_cast %get3A_988 : vector<1x16xf32> to vector<16xf32>
        %lt3A_990 = arith.cmpf olt, %get3A_989, %select_n3A_931 : vector<16xf32>
        %select_n3A_991 = arith.select %lt3A_990, %get3A_989, %select_n3A_931 : vector<16xi1>, vector<16xf32>
        %select_n3A_992 = arith.select %lt3A_990, %add3A_787, %select_n3A_932 : vector<16xi1>, vector<16xi32>
        %get3A_993 = arith.index_cast %add3A_971 : i32 to index
        %get3A_994 = arith.constant 48 : index
        %get3A_995 = tpu.vector_load %arg5[%get3A_993, %get3A_994] {strides = array<i32>} : memref<128x256xf32, #tpu.memory_space<vmem>>, vector<1x16xf32>,
        %get3A_996 = vector.shape_cast %get3A_995 : vector<1x16xf32> to vector<16xf32>
        %lt3A_997 = arith.cmpf olt, %get3A_996, %select_n3A_938 : vector<16xf32>
        %select_n3A_998 = arith.select %lt3A_997, %get3A_996, %select_n3A_938 : vector<16xi1>, vector<16xf32>
        %select_n3A_999 = arith.select %lt3A_997, %add3A_787, %select_n3A_939 : vector<16xi1>, vector<16xi32>
        %get3A_1000 = arith.index_cast %add3A_971 : i32 to index
        %get3A_1001 = arith.constant 64 : index
        %get3A_1002 = tpu.vector_load %arg5[%get3A_1000, %get3A_1001] {strides = array<i32>} : memref<128x256xf32, #tpu.memory_space<vmem>>, vector<1x16xf32>,
        %get3A_1003 = vector.shape_cast %get3A_1002 : vector<1x16xf32> to vector<16xf32>
        %lt3A_1004 = arith.cmpf olt, %get3A_1003, %select_n3A_945 : vector<16xf32>
        %select_n3A_1005 = arith.select %lt3A_1004, %get3A_1003, %select_n3A_945 : vector<16xi1>, vector<16xf32>
        %select_n3A_1006 = arith.select %lt3A_1004, %add3A_787, %select_n3A_946 : vector<16xi1>, vector<16xi32>
        %get3A_1007 = arith.index_cast %add3A_971 : i32 to index
        %get3A_1008 = arith.constant 80 : index
        %get3A_1009 = tpu.vector_load %arg5[%get3A_1007, %get3A_1008] {strides = array<i32>} : memref<128x256xf32, #tpu.memory_space<vmem>>, vector<1x16xf32>,
        %get3A_1010 = vector.shape_cast %get3A_1009 : vector<1x16xf32> to vector<16xf32>
        %lt3A_1011 = arith.cmpf olt, %get3A_1010, %select_n3A_952 : vector<16xf32>
        %select_n3A_1012 = arith.select %lt3A_1011, %get3A_1010, %select_n3A_952 : vector<16xi1>, vector<16xf32>
        %select_n3A_1013 = arith.select %lt3A_1011, %add3A_787, %select_n3A_953 : vector<16xi1>, vector<16xi32>
        %get3A_1014 = arith.index_cast %add3A_971 : i32 to index
        %get3A_1015 = arith.constant 96 : index
        %get3A_1016 = tpu.vector_load %arg5[%get3A_1014, %get3A_1015] {strides = array<i32>} : memref<128x256xf32, #tpu.memory_space<vmem>>, vector<1x16xf32>,
        %get3A_1017 = vector.shape_cast %get3A_1016 : vector<1x16xf32> to vector<16xf32>
        %lt3A_1018 = arith.cmpf olt, %get3A_1017, %select_n3A_959 : vector<16xf32>
        %select_n3A_1019 = arith.select %lt3A_1018, %get3A_1017, %select_n3A_959 : vector<16xi1>, vector<16xf32>
        %select_n3A_1020 = arith.select %lt3A_1018, %add3A_787, %select_n3A_960 : vector<16xi1>, vector<16xi32>
        %get3A_1021 = arith.index_cast %add3A_971 : i32 to index
        %get3A_1022 = arith.constant 112 : index
        %get3A_1023 = tpu.vector_load %arg5[%get3A_1021, %get3A_1022] {strides = array<i32>} : memref<128x256xf32, #tpu.memory_space<vmem>>, vector<1x16xf32>,
        %get3A_1024 = vector.shape_cast %get3A_1023 : vector<1x16xf32> to vector<16xf32>
        %lt3A_1025 = arith.cmpf olt, %get3A_1024, %select_n3A_966 : vector<16xf32>
        %select_n3A_1026 = arith.select %lt3A_1025, %get3A_1024, %select_n3A_966 : vector<16xi1>, vector<16xf32>
        %select_n3A_1027 = arith.select %lt3A_1025, %add3A_787, %select_n3A_967 : vector<16xi1>, vector<16xi32>
        %add3A_1028 = arith.addi %scan3A_768, %broadcast_in_dim3A_230 : vector<16xi32>
        scf.yield %add3A_1028, %select_n3A_977, %select_n3A_984, %select_n3A_991, %select_n3A_998, %select_n3A_1005, %select_n3A_1012, %select_n3A_1019, %select_n3A_1026, %select_n3A_978, %select_n3A_985, %select_n3A_992, %select_n3A_999, %select_n3A_1006, %select_n3A_1013, %select_n3A_1020, %select_n3A_1027 : vector<16xi32>, vector<16xf32>, vector<16xf32>, vector<16xf32>, vector<16xf32>, vector<16xf32>, vector<16xf32>, vector<16xf32>, vector<16xf32>, vector<16xi32>, vector<16xi32>, vector<16xi32>, vector<16xi32>, vector<16xi32>, vector<16xi32>, vector<16xi32>, vector<16xi32>
      }
      %scan3A_315 = arith.constant 32 : i32
      %swap3A_316 = arith.constant 0 : index
      %swap3A_317 = tpu.vector_load %arg7[%swap3A_316] {strides = array<i32>} : memref<256xf32, #tpu.memory_space<vmem>>, vector<16xf32>,
      %swap3A_318 = vector.shape_cast %swap3A_317 : vector<16xf32> to vector<16xf32>
      %swap3A_319 = vector.shape_cast %scan3A_314#1 : vector<16xf32> to vector<16xf32>
      tpu.vector_store %arg7[%swap3A_316], %swap3A_319 {strides = array<i32>} : memref<256xf32, #tpu.memory_space<vmem>>, vector<16xf32>,
      %swap3A_320 = arith.constant 0 : index
      %swap3A_321 = tpu.vector_load %arg8[%swap3A_320] {strides = array<i32>} : memref<256xi32, #tpu.memory_space<vmem>>, vector<16xi32>,
      %swap3A_322 = vector.shape_cast %swap3A_321 : vector<16xi32> to vector<16xi32>
      %swap3A_323 = vector.shape_cast %scan3A_314#9 : vector<16xi32> to vector<16xi32>
      tpu.vector_store %arg8[%swap3A_320], %swap3A_323 {strides = array<i32>} : memref<256xi32, #tpu.memory_space<vmem>>, vector<16xi32>,
      %swap3A_324 = arith.constant 16 : index
      %swap3A_325 = tpu.vector_load %arg7[%swap3A_324] {strides = array<i32>} : memref<256xf32, #tpu.memory_space<vmem>>, vector<16xf32>,
      %swap3A_326 = vector.shape_cast %swap3A_325 : vector<16xf32> to vector<16xf32>
      %swap3A_327 = vector.shape_cast %scan3A_314#2 : vector<16xf32> to vector<16xf32>
      tpu.vector_store %arg7[%swap3A_324], %swap3A_327 {strides = array<i32>} : memref<256xf32, #tpu.memory_space<vmem>>, vector<16xf32>,
      %swap3A_328 = arith.constant 16 : index
      %swap3A_329 = tpu.vector_load %arg8[%swap3A_328] {strides = array<i32>} : memref<256xi32, #tpu.memory_space<vmem>>, vector<16xi32>,
      %swap3A_330 = vector.shape_cast %swap3A_329 : vector<16xi32> to vector<16xi32>
      %swap3A_331 = vector.shape_cast %scan3A_314#10 : vector<16xi32> to vector<16xi32>
      tpu.vector_store %arg8[%swap3A_328], %swap3A_331 {strides = array<i32>} : memref<256xi32, #tpu.memory_space<vmem>>, vector<16xi32>,
      %swap3A_332 = arith.constant 32 : index
      %swap3A_333 = tpu.vector_load %arg7[%swap3A_332] {strides = array<i32>} : memref<256xf32, #tpu.memory_space<vmem>>, vector<16xf32>,
      %swap3A_334 = vector.shape_cast %swap3A_333 : vector<16xf32> to vector<16xf32>
      %swap3A_335 = vector.shape_cast %scan3A_314#3 : vector<16xf32> to vector<16xf32>
      tpu.vector_store %arg7[%swap3A_332], %swap3A_335 {strides = array<i32>} : memref<256xf32, #tpu.memory_space<vmem>>, vector<16xf32>,
      %swap3A_336 = arith.constant 32 : index
      %swap3A_337 = tpu.vector_load %arg8[%swap3A_336] {strides = array<i32>} : memref<256xi32, #tpu.memory_space<vmem>>, vector<16xi32>,
      %swap3A_338 = vector.shape_cast %swap3A_337 : vector<16xi32> to vector<16xi32>
      %swap3A_339 = vector.shape_cast %scan3A_314#11 : vector<16xi32> to vector<16xi32>
      tpu.vector_store %arg8[%swap3A_336], %swap3A_339 {strides = array<i32>} : memref<256xi32, #tpu.memory_space<vmem>>, vector<16xi32>,
      %swap3A_340 = arith.constant 48 : index
      %swap3A_341 = tpu.vector_load %arg7[%swap3A_340] {strides = array<i32>} : memref<256xf32, #tpu.memory_space<vmem>>, vector<16xf32>,
      %swap3A_342 = vector.shape_cast %swap3A_341 : vector<16xf32> to vector<16xf32>
      %swap3A_343 = vector.shape_cast %scan3A_314#4 : vector<16xf32> to vector<16xf32>
      tpu.vector_store %arg7[%swap3A_340], %swap3A_343 {strides = array<i32>} : memref<256xf32, #tpu.memory_space<vmem>>, vector<16xf32>,
      %swap3A_344 = arith.constant 48 : index
      %swap3A_345 = tpu.vector_load %arg8[%swap3A_344] {strides = array<i32>} : memref<256xi32, #tpu.memory_space<vmem>>, vector<16xi32>,
      %swap3A_346 = vector.shape_cast %swap3A_345 : vector<16xi32> to vector<16xi32>
      %swap3A_347 = vector.shape_cast %scan3A_314#12 : vector<16xi32> to vector<16xi32>
      tpu.vector_store %arg8[%swap3A_344], %swap3A_347 {strides = array<i32>} : memref<256xi32, #tpu.memory_space<vmem>>, vector<16xi32>,
      %swap3A_348 = arith.constant 64 : index
      %swap3A_349 = tpu.vector_load %arg7[%swap3A_348] {strides = array<i32>} : memref<256xf32, #tpu.memory_space<vmem>>, vector<16xf32>,
      %swap3A_350 = vector.shape_cast %swap3A_349 : vector<16xf32> to vector<16xf32>
      %swap3A_351 = vector.shape_cast %scan3A_314#5 : vector<16xf32> to vector<16xf32>
      tpu.vector_store %arg7[%swap3A_348], %swap3A_351 {strides = array<i32>} : memref<256xf32, #tpu.memory_space<vmem>>, vector<16xf32>,
      %swap3A_352 = arith.constant 64 : index
      %swap3A_353 = tpu.vector_load %arg8[%swap3A_352] {strides = array<i32>} : memref<256xi32, #tpu.memory_space<vmem>>, vector<16xi32>,
      %swap3A_354 = vector.shape_cast %swap3A_353 : vector<16xi32> to vector<16xi32>
      %swap3A_355 = vector.shape_cast %scan3A_314#13 : vector<16xi32> to vector<16xi32>
      tpu.vector_store %arg8[%swap3A_352], %swap3A_355 {strides = array<i32>} : memref<256xi32, #tpu.memory_space<vmem>>, vector<16xi32>,
      %swap3A_356 = arith.constant 80 : index
      %swap3A_357 = tpu.vector_load %arg7[%swap3A_356] {strides = array<i32>} : memref<256xf32, #tpu.memory_space<vmem>>, vector<16xf32>,
      %swap3A_358 = vector.shape_cast %swap3A_357 : vector<16xf32> to vector<16xf32>
      %swap3A_359 = vector.shape_cast %scan3A_314#6 : vector<16xf32> to vector<16xf32>
      tpu.vector_store %arg7[%swap3A_356], %swap3A_359 {strides = array<i32>} : memref<256xf32, #tpu.memory_space<vmem>>, vector<16xf32>,
      %swap3A_360 = arith.constant 80 : index
      %swap3A_361 = tpu.vector_load %arg8[%swap3A_360] {strides = array<i32>} : memref<256xi32, #tpu.memory_space<vmem>>, vector<16xi32>,
      %swap3A_362 = vector.shape_cast %swap3A_361 : vector<16xi32> to vector<16xi32>
      %swap3A_363 = vector.shape_cast %scan3A_314#14 : vector<16xi32> to vector<16xi32>
      tpu.vector_store %arg8[%swap3A_360], %swap3A_363 {strides = array<i32>} : memref<256xi32, #tpu.memory_space<vmem>>, vector<16xi32>,
      %swap3A_364 = arith.constant 96 : index
      %swap3A_365 = tpu.vector_load %arg7[%swap3A_364] {strides = array<i32>} : memref<256xf32, #tpu.memory_space<vmem>>, vector<16xf32>,
      %swap3A_366 = vector.shape_cast %swap3A_365 : vector<16xf32> to vector<16xf32>
      %swap3A_367 = vector.shape_cast %scan3A_314#7 : vector<16xf32> to vector<16xf32>
      tpu.vector_store %arg7[%swap3A_364], %swap3A_367 {strides = array<i32>} : memref<256xf32, #tpu.memory_space<vmem>>, vector<16xf32>,
      %swap3A_368 = arith.constant 96 : index
      %swap3A_369 = tpu.vector_load %arg8[%swap3A_368] {strides = array<i32>} : memref<256xi32, #tpu.memory_space<vmem>>, vector<16xi32>,
      %swap3A_370 = vector.shape_cast %swap3A_369 : vector<16xi32> to vector<16xi32>
      %swap3A_371 = vector.shape_cast %scan3A_314#15 : vector<16xi32> to vector<16xi32>
      tpu.vector_store %arg8[%swap3A_368], %swap3A_371 {strides = array<i32>} : memref<256xi32, #tpu.memory_space<vmem>>, vector<16xi32>,
      %swap3A_372 = arith.constant 112 : index
      %swap3A_373 = tpu.vector_load %arg7[%swap3A_372] {strides = array<i32>} : memref<256xf32, #tpu.memory_space<vmem>>, vector<16xf32>,
      %swap3A_374 = vector.shape_cast %swap3A_373 : vector<16xf32> to vector<16xf32>
      %swap3A_375 = vector.shape_cast %scan3A_314#8 : vector<16xf32> to vector<16xf32>
      tpu.vector_store %arg7[%swap3A_372], %swap3A_375 {strides = array<i32>} : memref<256xf32, #tpu.memory_space<vmem>>, vector<16xf32>,
      %swap3A_376 = arith.constant 112 : index
      %swap3A_377 = tpu.vector_load %arg8[%swap3A_376] {strides = array<i32>} : memref<256xi32, #tpu.memory_space<vmem>>, vector<16xi32>,
      %swap3A_378 = vector.shape_cast %swap3A_377 : vector<16xi32> to vector<16xi32>
      %swap3A_379 = vector.shape_cast %scan3A_314#16 : vector<16xi32> to vector<16xi32>
      tpu.vector_store %arg8[%swap3A_376], %swap3A_379 {strides = array<i32>} : memref<256xi32, #tpu.memory_space<vmem>>, vector<16xi32>,
      %get3A_380 = arith.constant 128 : index
      %get3A_381 = tpu.vector_load %arg7[%get3A_380] {strides = array<i32>} : memref<256xf32, #tpu.memory_space<vmem>>, vector<16xf32>,
      %get3A_382 = vector.shape_cast %get3A_381 : vector<16xf32> to vector<16xf32>
      %get3A_383 = arith.constant 144 : index
      %get3A_384 = tpu.vector_load %arg7[%get3A_383] {strides = array<i32>} : memref<256xf32, #tpu.memory_space<vmem>>, vector<16xf32>,
      %get3A_385 = vector.shape_cast %get3A_384 : vector<16xf32> to vector<16xf32>
      %get3A_386 = arith.constant 160 : index
      %get3A_387 = tpu.vector_load %arg7[%get3A_386] {strides = array<i32>} : memref<256xf32, #tpu.memory_space<vmem>>, vector<16xf32>,
      %get3A_388 = vector.shape_cast %get3A_387 : vector<16xf32> to vector<16xf32>
      %get3A_389 = arith.constant 176 : index
      %get3A_390 = tpu.vector_load %arg7[%get3A_389] {strides = array<i32>} : memref<256xf32, #tpu.memory_space<vmem>>, vector<16xf32>,
      %get3A_391 = vector.shape_cast %get3A_390 : vector<16xf32> to vector<16xf32>
      %get3A_392 = arith.constant 192 : index
      %get3A_393 = tpu.vector_load %arg7[%get3A_392] {strides = array<i32>} : memref<256xf32, #tpu.memory_space<vmem>>, vector<16xf32>,
      %get3A_394 = vector.shape_cast %get3A_393 : vector<16xf32> to vector<16xf32>
      %get3A_395 = arith.constant 208 : index
      %get3A_396 = tpu.vector_load %arg7[%get3A_395] {strides = array<i32>} : memref<256xf32, #tpu.memory_space<vmem>>, vector<16xf32>,
      %get3A_397 = vector.shape_cast %get3A_396 : vector<16xf32> to vector<16xf32>
      %get3A_398 = arith.constant 224 : index
      %get3A_399 = tpu.vector_load %arg7[%get3A_398] {strides = array<i32>} : memref<256xf32, #tpu.memory_space<vmem>>, vector<16xf32>,
      %get3A_400 = vector.shape_cast %get3A_399 : vector<16xf32> to vector<16xf32>
      %get3A_401 = arith.constant 240 : index
      %get3A_402 = tpu.vector_load %arg7[%get3A_401] {strides = array<i32>} : memref<256xf32, #tpu.memory_space<vmem>>, vector<16xf32>,
      %get3A_403 = vector.shape_cast %get3A_402 : vector<16xf32> to vector<16xf32>
      %get3A_404 = arith.constant 128 : index
      %get3A_405 = tpu.vector_load %arg8[%get3A_404] {strides = array<i32>} : memref<256xi32, #tpu.memory_space<vmem>>, vector<16xi32>,
      %get3A_406 = vector.shape_cast %get3A_405 : vector<16xi32> to vector<16xi32>
      %get3A_407 = arith.constant 144 : index
      %get3A_408 = tpu.vector_load %arg8[%get3A_407] {strides = array<i32>} : memref<256xi32, #tpu.memory_space<vmem>>, vector<16xi32>,
      %get3A_409 = vector.shape_cast %get3A_408 : vector<16xi32> to vector<16xi32>
      %get3A_410 = arith.constant 160 : index
      %get3A_411 = tpu.vector_load %arg8[%get3A_410] {strides = array<i32>} : memref<256xi32, #tpu.memory_space<vmem>>, vector<16xi32>,
      %get3A_412 = vector.shape_cast %get3A_411 : vector<16xi32> to vector<16xi32>
      %get3A_413 = arith.constant 176 : index
      %get3A_414 = tpu.vector_load %arg8[%get3A_413] {strides = array<i32>} : memref<256xi32, #tpu.memory_space<vmem>>, vector<16xi32>,
      %get3A_415 = vector.shape_cast %get3A_414 : vector<16xi32> to vector<16xi32>
      %get3A_416 = arith.constant 192 : index
      %get3A_417 = tpu.vector_load %arg8[%get3A_416] {strides = array<i32>} : memref<256xi32, #tpu.memory_space<vmem>>, vector<16xi32>,
      %get3A_418 = vector.shape_cast %get3A_417 : vector<16xi32> to vector<16xi32>
      %get3A_419 = arith.constant 208 : index
      %get3A_420 = tpu.vector_load %arg8[%get3A_419] {strides = array<i32>} : memref<256xi32, #tpu.memory_space<vmem>>, vector<16xi32>,
      %get3A_421 = vector.shape_cast %get3A_420 : vector<16xi32> to vector<16xi32>
      %get3A_422 = arith.constant 224 : index
      %get3A_423 = tpu.vector_load %arg8[%get3A_422] {strides = array<i32>} : memref<256xi32, #tpu.memory_space<vmem>>, vector<16xi32>,
      %get3A_424 = vector.shape_cast %get3A_423 : vector<16xi32> to vector<16xi32>
      %get3A_425 = arith.constant 240 : index
      %get3A_426 = tpu.vector_load %arg8[%get3A_425] {strides = array<i32>} : memref<256xi32, #tpu.memory_space<vmem>>, vector<16xi32>,
      %get3A_427 = vector.shape_cast %get3A_426 : vector<16xi32> to vector<16xi32>
      %mul3A_428 = arith.constant 128 : i32
      %mul3A_429 = arith.muli %add3A_247, %mul3A_428 : i32
      %add3A_430 = arith.constant 2304 : i32
      %add3A_431 = arith.addi %add3A_430, %mul3A_429 : i32
      %broadcast_in_dim3A_432 = vector.broadcast %add3A_431 : i32 to vector<16xi32>
      %scan3A_433 = arith.constant 0 : i32
      %scan3A_434 = arith.constant 32 : i32
      %scan3A_435 = arith.addi %scan3A_433, %scan3A_434 : i32
      %scan3A_436 = arith.constant 1 : i32
      %scan3A_437:17 = scf.for %scan3A_767 = %scan3A_433 to %scan3A_435 step %scan3A_436 iter_args(%scan3A_768 = %broadcast_in_dim3A_432, %scan3A_769 = %get3A_382, %scan3A_770 = %get3A_385, %scan3A_771 = %get3A_388, %scan3A_772 = %get3A_391, %scan3A_773 = %get3A_394, %scan3A_774 = %get3A_397, %scan3A_775 = %get3A_400, %scan3A_776 = %get3A_403, %scan3A_777 = %get3A_406, %scan3A_778 = %get3A_409, %scan3A_779 = %get3A_412, %scan3A_780 = %get3A_415, %scan3A_781 = %get3A_418, %scan3A_782 = %get3A_421, %scan3A_783 = %get3A_424, %scan3A_784 = %get3A_427) -> (vector<16xi32>, vector<16xf32>, vector<16xf32>, vector<16xf32>, vector<16xf32>, vector<16xf32>, vector<16xf32>, vector<16xf32>, vector<16xf32>, vector<16xi32>, vector<16xi32>, vector<16xi32>, vector<16xi32>, vector<16xi32>, vector<16xi32>, vector<16xi32>, vector<16xi32>)  : i32 {
        %add3A_785 = arith.addi %scan3A_768, %broadcast_in_dim3A_224 : vector<16xi32>
        %add3A_786 = arith.addi %scan3A_768, %broadcast_in_dim3A_226 : vector<16xi32>
        %add3A_787 = arith.addi %scan3A_768, %broadcast_in_dim3A_228 : vector<16xi32>
        %mul3A_788 = arith.constant 4 : i32
        %mul3A_789 = arith.muli %scan3A_767, %mul3A_788 : i32
        %add3A_790 = arith.constant 0 : i32
        %add3A_791 = arith.addi %mul3A_789, %add3A_790 : i32
        %get3A_792 = arith.index_cast %add3A_791 : i32 to index
        %get3A_793 = arith.constant 128 : index
        %get3A_794 = tpu.vector_load %arg5[%get3A_792, %get3A_793] {strides = array<i32>} : memref<128x256xf32, #tpu.memory_space<vmem>>, vector<1x16xf32>,
        %get3A_795 = vector.shape_cast %get3A_794 : vector<1x16xf32> to vector<16xf32>
        %lt3A_796 = arith.cmpf olt, %get3A_795, %scan3A_769 : vector<16xf32>
        %select_n3A_797 = arith.select %lt3A_796, %get3A_795, %scan3A_769 : vector<16xi1>, vector<16xf32>
        %select_n3A_798 = arith.select %lt3A_796, %scan3A_768, %scan3A_777 : vector<16xi1>, vector<16xi32>
        %get3A_799 = arith.index_cast %add3A_791 : i32 to index
        %get3A_800 = arith.constant 144 : index
        %get3A_801 = tpu.vector_load %arg5[%get3A_799, %get3A_800] {strides = array<i32>} : memref<128x256xf32, #tpu.memory_space<vmem>>, vector<1x16xf32>,
        %get3A_802 = vector.shape_cast %get3A_801 : vector<1x16xf32> to vector<16xf32>
        %lt3A_803 = arith.cmpf olt, %get3A_802, %scan3A_770 : vector<16xf32>
        %select_n3A_804 = arith.select %lt3A_803, %get3A_802, %scan3A_770 : vector<16xi1>, vector<16xf32>
        %select_n3A_805 = arith.select %lt3A_803, %scan3A_768, %scan3A_778 : vector<16xi1>, vector<16xi32>
        %get3A_806 = arith.index_cast %add3A_791 : i32 to index
        %get3A_807 = arith.constant 160 : index
        %get3A_808 = tpu.vector_load %arg5[%get3A_806, %get3A_807] {strides = array<i32>} : memref<128x256xf32, #tpu.memory_space<vmem>>, vector<1x16xf32>,
        %get3A_809 = vector.shape_cast %get3A_808 : vector<1x16xf32> to vector<16xf32>
        %lt3A_810 = arith.cmpf olt, %get3A_809, %scan3A_771 : vector<16xf32>
        %select_n3A_811 = arith.select %lt3A_810, %get3A_809, %scan3A_771 : vector<16xi1>, vector<16xf32>
        %select_n3A_812 = arith.select %lt3A_810, %scan3A_768, %scan3A_779 : vector<16xi1>, vector<16xi32>
        %get3A_813 = arith.index_cast %add3A_791 : i32 to index
        %get3A_814 = arith.constant 176 : index
        %get3A_815 = tpu.vector_load %arg5[%get3A_813, %get3A_814] {strides = array<i32>} : memref<128x256xf32, #tpu.memory_space<vmem>>, vector<1x16xf32>,
        %get3A_816 = vector.shape_cast %get3A_815 : vector<1x16xf32> to vector<16xf32>
        %lt3A_817 = arith.cmpf olt, %get3A_816, %scan3A_772 : vector<16xf32>
        %select_n3A_818 = arith.select %lt3A_817, %get3A_816, %scan3A_772 : vector<16xi1>, vector<16xf32>
        %select_n3A_819 = arith.select %lt3A_817, %scan3A_768, %scan3A_780 : vector<16xi1>, vector<16xi32>
        %get3A_820 = arith.index_cast %add3A_791 : i32 to index
        %get3A_821 = arith.constant 192 : index
        %get3A_822 = tpu.vector_load %arg5[%get3A_820, %get3A_821] {strides = array<i32>} : memref<128x256xf32, #tpu.memory_space<vmem>>, vector<1x16xf32>,
        %get3A_823 = vector.shape_cast %get3A_822 : vector<1x16xf32> to vector<16xf32>
        %lt3A_824 = arith.cmpf olt, %get3A_823, %scan3A_773 : vector<16xf32>
        %select_n3A_825 = arith.select %lt3A_824, %get3A_823, %scan3A_773 : vector<16xi1>, vector<16xf32>
        %select_n3A_826 = arith.select %lt3A_824, %scan3A_768, %scan3A_781 : vector<16xi1>, vector<16xi32>
        %get3A_827 = arith.index_cast %add3A_791 : i32 to index
        %get3A_828 = arith.constant 208 : index
        %get3A_829 = tpu.vector_load %arg5[%get3A_827, %get3A_828] {strides = array<i32>} : memref<128x256xf32, #tpu.memory_space<vmem>>, vector<1x16xf32>,
        %get3A_830 = vector.shape_cast %get3A_829 : vector<1x16xf32> to vector<16xf32>
        %lt3A_831 = arith.cmpf olt, %get3A_830, %scan3A_774 : vector<16xf32>
        %select_n3A_832 = arith.select %lt3A_831, %get3A_830, %scan3A_774 : vector<16xi1>, vector<16xf32>
        %select_n3A_833 = arith.select %lt3A_831, %scan3A_768, %scan3A_782 : vector<16xi1>, vector<16xi32>
        %get3A_834 = arith.index_cast %add3A_791 : i32 to index
        %get3A_835 = arith.constant 224 : index
        %get3A_836 = tpu.vector_load %arg5[%get3A_834, %get3A_835] {strides = array<i32>} : memref<128x256xf32, #tpu.memory_space<vmem>>, vector<1x16xf32>,
        %get3A_837 = vector.shape_cast %get3A_836 : vector<1x16xf32> to vector<16xf32>
        %lt3A_838 = arith.cmpf olt, %get3A_837, %scan3A_775 : vector<16xf32>
        %select_n3A_839 = arith.select %lt3A_838, %get3A_837, %scan3A_775 : vector<16xi1>, vector<16xf32>
        %select_n3A_840 = arith.select %lt3A_838, %scan3A_768, %scan3A_783 : vector<16xi1>, vector<16xi32>
        %get3A_841 = arith.index_cast %add3A_791 : i32 to index
        %get3A_842 = arith.constant 240 : index
        %get3A_843 = tpu.vector_load %arg5[%get3A_841, %get3A_842] {strides = array<i32>} : memref<128x256xf32, #tpu.memory_space<vmem>>, vector<1x16xf32>,
        %get3A_844 = vector.shape_cast %get3A_843 : vector<1x16xf32> to vector<16xf32>
        %lt3A_845 = arith.cmpf olt, %get3A_844, %scan3A_776 : vector<16xf32>
        %select_n3A_846 = arith.select %lt3A_845, %get3A_844, %scan3A_776 : vector<16xi1>, vector<16xf32>
        %select_n3A_847 = arith.select %lt3A_845, %scan3A_768, %scan3A_784 : vector<16xi1>, vector<16xi32>
        %mul3A_848 = arith.constant 4 : i32
        %mul3A_849 = arith.muli %scan3A_767, %mul3A_848 : i32
        %add3A_850 = arith.constant 1 : i32
        %add3A_851 = arith.addi %mul3A_849, %add3A_850 : i32
        %get3A_852 = arith.index_cast %add3A_851 : i32 to index
        %get3A_853 = arith.constant 128 : index
        %get3A_854 = tpu.vector_load %arg5[%get3A_852, %get3A_853] {strides = array<i32>} : memref<128x256xf32, #tpu.memory_space<vmem>>, vector<1x16xf32>,
        %get3A_855 = vector.shape_cast %get3A_854 : vector<1x16xf32> to vector<16xf32>
        %lt3A_856 = arith.cmpf olt, %get3A_855, %select_n3A_797 : vector<16xf32>
        %select_n3A_857 = arith.select %lt3A_856, %get3A_855, %select_n3A_797 : vector<16xi1>, vector<16xf32>
        %select_n3A_858 = arith.select %lt3A_856, %add3A_785, %select_n3A_798 : vector<16xi1>, vector<16xi32>
        %get3A_859 = arith.index_cast %add3A_851 : i32 to index
        %get3A_860 = arith.constant 144 : index
        %get3A_861 = tpu.vector_load %arg5[%get3A_859, %get3A_860] {strides = array<i32>} : memref<128x256xf32, #tpu.memory_space<vmem>>, vector<1x16xf32>,
        %get3A_862 = vector.shape_cast %get3A_861 : vector<1x16xf32> to vector<16xf32>
        %lt3A_863 = arith.cmpf olt, %get3A_862, %select_n3A_804 : vector<16xf32>
        %select_n3A_864 = arith.select %lt3A_863, %get3A_862, %select_n3A_804 : vector<16xi1>, vector<16xf32>
        %select_n3A_865 = arith.select %lt3A_863, %add3A_785, %select_n3A_805 : vector<16xi1>, vector<16xi32>
        %get3A_866 = arith.index_cast %add3A_851 : i32 to index
        %get3A_867 = arith.constant 160 : index
        %get3A_868 = tpu.vector_load %arg5[%get3A_866, %get3A_867] {strides = array<i32>} : memref<128x256xf32, #tpu.memory_space<vmem>>, vector<1x16xf32>,
        %get3A_869 = vector.shape_cast %get3A_868 : vector<1x16xf32> to vector<16xf32>
        %lt3A_870 = arith.cmpf olt, %get3A_869, %select_n3A_811 : vector<16xf32>
        %select_n3A_871 = arith.select %lt3A_870, %get3A_869, %select_n3A_811 : vector<16xi1>, vector<16xf32>
        %select_n3A_872 = arith.select %lt3A_870, %add3A_785, %select_n3A_812 : vector<16xi1>, vector<16xi32>
        %get3A_873 = arith.index_cast %add3A_851 : i32 to index
        %get3A_874 = arith.constant 176 : index
        %get3A_875 = tpu.vector_load %arg5[%get3A_873, %get3A_874] {strides = array<i32>} : memref<128x256xf32, #tpu.memory_space<vmem>>, vector<1x16xf32>,
        %get3A_876 = vector.shape_cast %get3A_875 : vector<1x16xf32> to vector<16xf32>
        %lt3A_877 = arith.cmpf olt, %get3A_876, %select_n3A_818 : vector<16xf32>
        %select_n3A_878 = arith.select %lt3A_877, %get3A_876, %select_n3A_818 : vector<16xi1>, vector<16xf32>
        %select_n3A_879 = arith.select %lt3A_877, %add3A_785, %select_n3A_819 : vector<16xi1>, vector<16xi32>
        %get3A_880 = arith.index_cast %add3A_851 : i32 to index
        %get3A_881 = arith.constant 192 : index
        %get3A_882 = tpu.vector_load %arg5[%get3A_880, %get3A_881] {strides = array<i32>} : memref<128x256xf32, #tpu.memory_space<vmem>>, vector<1x16xf32>,
        %get3A_883 = vector.shape_cast %get3A_882 : vector<1x16xf32> to vector<16xf32>
        %lt3A_884 = arith.cmpf olt, %get3A_883, %select_n3A_825 : vector<16xf32>
        %select_n3A_885 = arith.select %lt3A_884, %get3A_883, %select_n3A_825 : vector<16xi1>, vector<16xf32>
        %select_n3A_886 = arith.select %lt3A_884, %add3A_785, %select_n3A_826 : vector<16xi1>, vector<16xi32>
        %get3A_887 = arith.index_cast %add3A_851 : i32 to index
        %get3A_888 = arith.constant 208 : index
        %get3A_889 = tpu.vector_load %arg5[%get3A_887, %get3A_888] {strides = array<i32>} : memref<128x256xf32, #tpu.memory_space<vmem>>, vector<1x16xf32>,
        %get3A_890 = vector.shape_cast %get3A_889 : vector<1x16xf32> to vector<16xf32>
        %lt3A_891 = arith.cmpf olt, %get3A_890, %select_n3A_832 : vector<16xf32>
        %select_n3A_892 = arith.select %lt3A_891, %get3A_890, %select_n3A_832 : vector<16xi1>, vector<16xf32>
        %select_n3A_893 = arith.select %lt3A_891, %add3A_785, %select_n3A_833 : vector<16xi1>, vector<16xi32>
        %get3A_894 = arith.index_cast %add3A_851 : i32 to index
        %get3A_895 = arith.constant 224 : index
        %get3A_896 = tpu.vector_load %arg5[%get3A_894, %get3A_895] {strides = array<i32>} : memref<128x256xf32, #tpu.memory_space<vmem>>, vector<1x16xf32>,
        %get3A_897 = vector.shape_cast %get3A_896 : vector<1x16xf32> to vector<16xf32>
        %lt3A_898 = arith.cmpf olt, %get3A_897, %select_n3A_839 : vector<16xf32>
        %select_n3A_899 = arith.select %lt3A_898, %get3A_897, %select_n3A_839 : vector<16xi1>, vector<16xf32>
        %select_n3A_900 = arith.select %lt3A_898, %add3A_785, %select_n3A_840 : vector<16xi1>, vector<16xi32>
        %get3A_901 = arith.index_cast %add3A_851 : i32 to index
        %get3A_902 = arith.constant 240 : index
        %get3A_903 = tpu.vector_load %arg5[%get3A_901, %get3A_902] {strides = array<i32>} : memref<128x256xf32, #tpu.memory_space<vmem>>, vector<1x16xf32>,
        %get3A_904 = vector.shape_cast %get3A_903 : vector<1x16xf32> to vector<16xf32>
        %lt3A_905 = arith.cmpf olt, %get3A_904, %select_n3A_846 : vector<16xf32>
        %select_n3A_906 = arith.select %lt3A_905, %get3A_904, %select_n3A_846 : vector<16xi1>, vector<16xf32>
        %select_n3A_907 = arith.select %lt3A_905, %add3A_785, %select_n3A_847 : vector<16xi1>, vector<16xi32>
        %mul3A_908 = arith.constant 4 : i32
        %mul3A_909 = arith.muli %scan3A_767, %mul3A_908 : i32
        %add3A_910 = arith.constant 2 : i32
        %add3A_911 = arith.addi %mul3A_909, %add3A_910 : i32
        %get3A_912 = arith.index_cast %add3A_911 : i32 to index
        %get3A_913 = arith.constant 128 : index
        %get3A_914 = tpu.vector_load %arg5[%get3A_912, %get3A_913] {strides = array<i32>} : memref<128x256xf32, #tpu.memory_space<vmem>>, vector<1x16xf32>,
        %get3A_915 = vector.shape_cast %get3A_914 : vector<1x16xf32> to vector<16xf32>
        %lt3A_916 = arith.cmpf olt, %get3A_915, %select_n3A_857 : vector<16xf32>
        %select_n3A_917 = arith.select %lt3A_916, %get3A_915, %select_n3A_857 : vector<16xi1>, vector<16xf32>
        %select_n3A_918 = arith.select %lt3A_916, %add3A_786, %select_n3A_858 : vector<16xi1>, vector<16xi32>
        %get3A_919 = arith.index_cast %add3A_911 : i32 to index
        %get3A_920 = arith.constant 144 : index
        %get3A_921 = tpu.vector_load %arg5[%get3A_919, %get3A_920] {strides = array<i32>} : memref<128x256xf32, #tpu.memory_space<vmem>>, vector<1x16xf32>,
        %get3A_922 = vector.shape_cast %get3A_921 : vector<1x16xf32> to vector<16xf32>
        %lt3A_923 = arith.cmpf olt, %get3A_922, %select_n3A_864 : vector<16xf32>
        %select_n3A_924 = arith.select %lt3A_923, %get3A_922, %select_n3A_864 : vector<16xi1>, vector<16xf32>
        %select_n3A_925 = arith.select %lt3A_923, %add3A_786, %select_n3A_865 : vector<16xi1>, vector<16xi32>
        %get3A_926 = arith.index_cast %add3A_911 : i32 to index
        %get3A_927 = arith.constant 160 : index
        %get3A_928 = tpu.vector_load %arg5[%get3A_926, %get3A_927] {strides = array<i32>} : memref<128x256xf32, #tpu.memory_space<vmem>>, vector<1x16xf32>,
        %get3A_929 = vector.shape_cast %get3A_928 : vector<1x16xf32> to vector<16xf32>
        %lt3A_930 = arith.cmpf olt, %get3A_929, %select_n3A_871 : vector<16xf32>
        %select_n3A_931 = arith.select %lt3A_930, %get3A_929, %select_n3A_871 : vector<16xi1>, vector<16xf32>
        %select_n3A_932 = arith.select %lt3A_930, %add3A_786, %select_n3A_872 : vector<16xi1>, vector<16xi32>
        %get3A_933 = arith.index_cast %add3A_911 : i32 to index
        %get3A_934 = arith.constant 176 : index
        %get3A_935 = tpu.vector_load %arg5[%get3A_933, %get3A_934] {strides = array<i32>} : memref<128x256xf32, #tpu.memory_space<vmem>>, vector<1x16xf32>,
        %get3A_936 = vector.shape_cast %get3A_935 : vector<1x16xf32> to vector<16xf32>
        %lt3A_937 = arith.cmpf olt, %get3A_936, %select_n3A_878 : vector<16xf32>
        %select_n3A_938 = arith.select %lt3A_937, %get3A_936, %select_n3A_878 : vector<16xi1>, vector<16xf32>
        %select_n3A_939 = arith.select %lt3A_937, %add3A_786, %select_n3A_879 : vector<16xi1>, vector<16xi32>
        %get3A_940 = arith.index_cast %add3A_911 : i32 to index
        %get3A_941 = arith.constant 192 : index
        %get3A_942 = tpu.vector_load %arg5[%get3A_940, %get3A_941] {strides = array<i32>} : memref<128x256xf32, #tpu.memory_space<vmem>>, vector<1x16xf32>,
        %get3A_943 = vector.shape_cast %get3A_942 : vector<1x16xf32> to vector<16xf32>
        %lt3A_944 = arith.cmpf olt, %get3A_943, %select_n3A_885 : vector<16xf32>
        %select_n3A_945 = arith.select %lt3A_944, %get3A_943, %select_n3A_885 : vector<16xi1>, vector<16xf32>
        %select_n3A_946 = arith.select %lt3A_944, %add3A_786, %select_n3A_886 : vector<16xi1>, vector<16xi32>
        %get3A_947 = arith.index_cast %add3A_911 : i32 to index
        %get3A_948 = arith.constant 208 : index
        %get3A_949 = tpu.vector_load %arg5[%get3A_947, %get3A_948] {strides = array<i32>} : memref<128x256xf32, #tpu.memory_space<vmem>>, vector<1x16xf32>,
        %get3A_950 = vector.shape_cast %get3A_949 : vector<1x16xf32> to vector<16xf32>
        %lt3A_951 = arith.cmpf olt, %get3A_950, %select_n3A_892 : vector<16xf32>
        %select_n3A_952 = arith.select %lt3A_951, %get3A_950, %select_n3A_892 : vector<16xi1>, vector<16xf32>
        %select_n3A_953 = arith.select %lt3A_951, %add3A_786, %select_n3A_893 : vector<16xi1>, vector<16xi32>
        %get3A_954 = arith.index_cast %add3A_911 : i32 to index
        %get3A_955 = arith.constant 224 : index
        %get3A_956 = tpu.vector_load %arg5[%get3A_954, %get3A_955] {strides = array<i32>} : memref<128x256xf32, #tpu.memory_space<vmem>>, vector<1x16xf32>,
        %get3A_957 = vector.shape_cast %get3A_956 : vector<1x16xf32> to vector<16xf32>
        %lt3A_958 = arith.cmpf olt, %get3A_957, %select_n3A_899 : vector<16xf32>
        %select_n3A_959 = arith.select %lt3A_958, %get3A_957, %select_n3A_899 : vector<16xi1>, vector<16xf32>
        %select_n3A_960 = arith.select %lt3A_958, %add3A_786, %select_n3A_900 : vector<16xi1>, vector<16xi32>
        %get3A_961 = arith.index_cast %add3A_911 : i32 to index
        %get3A_962 = arith.constant 240 : index
        %get3A_963 = tpu.vector_load %arg5[%get3A_961, %get3A_962] {strides = array<i32>} : memref<128x256xf32, #tpu.memory_space<vmem>>, vector<1x16xf32>,
        %get3A_964 = vector.shape_cast %get3A_963 : vector<1x16xf32> to vector<16xf32>
        %lt3A_965 = arith.cmpf olt, %get3A_964, %select_n3A_906 : vector<16xf32>
        %select_n3A_966 = arith.select %lt3A_965, %get3A_964, %select_n3A_906 : vector<16xi1>, vector<16xf32>
        %select_n3A_967 = arith.select %lt3A_965, %add3A_786, %select_n3A_907 : vector<16xi1>, vector<16xi32>
        %mul3A_968 = arith.constant 4 : i32
        %mul3A_969 = arith.muli %scan3A_767, %mul3A_968 : i32
        %add3A_970 = arith.constant 3 : i32
        %add3A_971 = arith.addi %mul3A_969, %add3A_970 : i32
        %get3A_972 = arith.index_cast %add3A_971 : i32 to index
        %get3A_973 = arith.constant 128 : index
        %get3A_974 = tpu.vector_load %arg5[%get3A_972, %get3A_973] {strides = array<i32>} : memref<128x256xf32, #tpu.memory_space<vmem>>, vector<1x16xf32>,
        %get3A_975 = vector.shape_cast %get3A_974 : vector<1x16xf32> to vector<16xf32>
        %lt3A_976 = arith.cmpf olt, %get3A_975, %select_n3A_917 : vector<16xf32>
        %select_n3A_977 = arith.select %lt3A_976, %get3A_975, %select_n3A_917 : vector<16xi1>, vector<16xf32>
        %select_n3A_978 = arith.select %lt3A_976, %add3A_787, %select_n3A_918 : vector<16xi1>, vector<16xi32>
        %get3A_979 = arith.index_cast %add3A_971 : i32 to index
        %get3A_980 = arith.constant 144 : index
        %get3A_981 = tpu.vector_load %arg5[%get3A_979, %get3A_980] {strides = array<i32>} : memref<128x256xf32, #tpu.memory_space<vmem>>, vector<1x16xf32>,
        %get3A_982 = vector.shape_cast %get3A_981 : vector<1x16xf32> to vector<16xf32>
        %lt3A_983 = arith.cmpf olt, %get3A_982, %select_n3A_924 : vector<16xf32>
        %select_n3A_984 = arith.select %lt3A_983, %get3A_982, %select_n3A_924 : vector<16xi1>, vector<16xf32>
        %select_n3A_985 = arith.select %lt3A_983, %add3A_787, %select_n3A_925 : vector<16xi1>, vector<16xi32>
        %get3A_986 = arith.index_cast %add3A_971 : i32 to index
        %get3A_987 = arith.constant 160 : index
        %get3A_988 = tpu.vector_load %arg5[%get3A_986, %get3A_987] {strides = array<i32>} : memref<128x256xf32, #tpu.memory_space<vmem>>, vector<1x16xf32>,
        %get3A_989 = vector.shape_cast %get3A_988 : vector<1x16xf32> to vector<16xf32>
        %lt3A_990 = arith.cmpf olt, %get3A_989, %select_n3A_931 : vector<16xf32>
        %select_n3A_991 = arith.select %lt3A_990, %get3A_989, %select_n3A_931 : vector<16xi1>, vector<16xf32>
        %select_n3A_992 = arith.select %lt3A_990, %add3A_787, %select_n3A_932 : vector<16xi1>, vector<16xi32>
        %get3A_993 = arith.index_cast %add3A_971 : i32 to index
        %get3A_994 = arith.constant 176 : index
        %get3A_995 = tpu.vector_load %arg5[%get3A_993, %get3A_994] {strides = array<i32>} : memref<128x256xf32, #tpu.memory_space<vmem>>, vector<1x16xf32>,
        %get3A_996 = vector.shape_cast %get3A_995 : vector<1x16xf32> to vector<16xf32>
        %lt3A_997 = arith.cmpf olt, %get3A_996, %select_n3A_938 : vector<16xf32>
        %select_n3A_998 = arith.select %lt3A_997, %get3A_996, %select_n3A_938 : vector<16xi1>, vector<16xf32>
        %select_n3A_999 = arith.select %lt3A_997, %add3A_787, %select_n3A_939 : vector<16xi1>, vector<16xi32>
        %get3A_1000 = arith.index_cast %add3A_971 : i32 to index
        %get3A_1001 = arith.constant 192 : index
        %get3A_1002 = tpu.vector_load %arg5[%get3A_1000, %get3A_1001] {strides = array<i32>} : memref<128x256xf32, #tpu.memory_space<vmem>>, vector<1x16xf32>,
        %get3A_1003 = vector.shape_cast %get3A_1002 : vector<1x16xf32> to vector<16xf32>
        %lt3A_1004 = arith.cmpf olt, %get3A_1003, %select_n3A_945 : vector<16xf32>
        %select_n3A_1005 = arith.select %lt3A_1004, %get3A_1003, %select_n3A_945 : vector<16xi1>, vector<16xf32>
        %select_n3A_1006 = arith.select %lt3A_1004, %add3A_787, %select_n3A_946 : vector<16xi1>, vector<16xi32>
        %get3A_1007 = arith.index_cast %add3A_971 : i32 to index
        %get3A_1008 = arith.constant 208 : index
        %get3A_1009 = tpu.vector_load %arg5[%get3A_1007, %get3A_1008] {strides = array<i32>} : memref<128x256xf32, #tpu.memory_space<vmem>>, vector<1x16xf32>,
        %get3A_1010 = vector.shape_cast %get3A_1009 : vector<1x16xf32> to vector<16xf32>
        %lt3A_1011 = arith.cmpf olt, %get3A_1010, %select_n3A_952 : vector<16xf32>
        %select_n3A_1012 = arith.select %lt3A_1011, %get3A_1010, %select_n3A_952 : vector<16xi1>, vector<16xf32>
        %select_n3A_1013 = arith.select %lt3A_1011, %add3A_787, %select_n3A_953 : vector<16xi1>, vector<16xi32>
        %get3A_1014 = arith.index_cast %add3A_971 : i32 to index
        %get3A_1015 = arith.constant 224 : index
        %get3A_1016 = tpu.vector_load %arg5[%get3A_1014, %get3A_1015] {strides = array<i32>} : memref<128x256xf32, #tpu.memory_space<vmem>>, vector<1x16xf32>,
        %get3A_1017 = vector.shape_cast %get3A_1016 : vector<1x16xf32> to vector<16xf32>
        %lt3A_1018 = arith.cmpf olt, %get3A_1017, %select_n3A_959 : vector<16xf32>
        %select_n3A_1019 = arith.select %lt3A_1018, %get3A_1017, %select_n3A_959 : vector<16xi1>, vector<16xf32>
        %select_n3A_1020 = arith.select %lt3A_1018, %add3A_787, %select_n3A_960 : vector<16xi1>, vector<16xi32>
        %get3A_1021 = arith.index_cast %add3A_971 : i32 to index
        %get3A_1022 = arith.constant 240 : index
        %get3A_1023 = tpu.vector_load %arg5[%get3A_1021, %get3A_1022] {strides = array<i32>} : memref<128x256xf32, #tpu.memory_space<vmem>>, vector<1x16xf32>,
        %get3A_1024 = vector.shape_cast %get3A_1023 : vector<1x16xf32> to vector<16xf32>
        %lt3A_1025 = arith.cmpf olt, %get3A_1024, %select_n3A_966 : vector<16xf32>
        %select_n3A_1026 = arith.select %lt3A_1025, %get3A_1024, %select_n3A_966 : vector<16xi1>, vector<16xf32>
        %select_n3A_1027 = arith.select %lt3A_1025, %add3A_787, %select_n3A_967 : vector<16xi1>, vector<16xi32>
        %add3A_1028 = arith.addi %scan3A_768, %broadcast_in_dim3A_230 : vector<16xi32>
        scf.yield %add3A_1028, %select_n3A_977, %select_n3A_984, %select_n3A_991, %select_n3A_998, %select_n3A_1005, %select_n3A_1012, %select_n3A_1019, %select_n3A_1026, %select_n3A_978, %select_n3A_985, %select_n3A_992, %select_n3A_999, %select_n3A_1006, %select_n3A_1013, %select_n3A_1020, %select_n3A_1027 : vector<16xi32>, vector<16xf32>, vector<16xf32>, vector<16xf32>, vector<16xf32>, vector<16xf32>, vector<16xf32>, vector<16xf32>, vector<16xf32>, vector<16xi32>, vector<16xi32>, vector<16xi32>, vector<16xi32>, vector<16xi32>, vector<16xi32>, vector<16xi32>, vector<16xi32>
      }
      %scan3A_438 = arith.constant 32 : i32
      %swap3A_439 = arith.constant 128 : index
      %swap3A_440 = tpu.vector_load %arg7[%swap3A_439] {strides = array<i32>} : memref<256xf32, #tpu.memory_space<vmem>>, vector<16xf32>,
      %swap3A_441 = vector.shape_cast %swap3A_440 : vector<16xf32> to vector<16xf32>
      %swap3A_442 = vector.shape_cast %scan3A_437#1 : vector<16xf32> to vector<16xf32>
      tpu.vector_store %arg7[%swap3A_439], %swap3A_442 {strides = array<i32>} : memref<256xf32, #tpu.memory_space<vmem>>, vector<16xf32>,
      %swap3A_443 = arith.constant 128 : index
      %swap3A_444 = tpu.vector_load %arg8[%swap3A_443] {strides = array<i32>} : memref<256xi32, #tpu.memory_space<vmem>>, vector<16xi32>,
      %swap3A_445 = vector.shape_cast %swap3A_444 : vector<16xi32> to vector<16xi32>
      %swap3A_446 = vector.shape_cast %scan3A_437#9 : vector<16xi32> to vector<16xi32>
      tpu.vector_store %arg8[%swap3A_443], %swap3A_446 {strides = array<i32>} : memref<256xi32, #tpu.memory_space<vmem>>, vector<16xi32>,
      %swap3A_447 = arith.constant 144 : index
      %swap3A_448 = tpu.vector_load %arg7[%swap3A_447] {strides = array<i32>} : memref<256xf32, #tpu.memory_space<vmem>>, vector<16xf32>,
      %swap3A_449 = vector.shape_cast %swap3A_448 : vector<16xf32> to vector<16xf32>
      %swap3A_450 = vector.shape_cast %scan3A_437#2 : vector<16xf32> to vector<16xf32>
      tpu.vector_store %arg7[%swap3A_447], %swap3A_450 {strides = array<i32>} : memref<256xf32, #tpu.memory_space<vmem>>, vector<16xf32>,
      %swap3A_451 = arith.constant 144 : index
      %swap3A_452 = tpu.vector_load %arg8[%swap3A_451] {strides = array<i32>} : memref<256xi32, #tpu.memory_space<vmem>>, vector<16xi32>,
      %swap3A_453 = vector.shape_cast %swap3A_452 : vector<16xi32> to vector<16xi32>
      %swap3A_454 = vector.shape_cast %scan3A_437#10 : vector<16xi32> to vector<16xi32>
      tpu.vector_store %arg8[%swap3A_451], %swap3A_454 {strides = array<i32>} : memref<256xi32, #tpu.memory_space<vmem>>, vector<16xi32>,
      %swap3A_455 = arith.constant 160 : index
      %swap3A_456 = tpu.vector_load %arg7[%swap3A_455] {strides = array<i32>} : memref<256xf32, #tpu.memory_space<vmem>>, vector<16xf32>,
      %swap3A_457 = vector.shape_cast %swap3A_456 : vector<16xf32> to vector<16xf32>
      %swap3A_458 = vector.shape_cast %scan3A_437#3 : vector<16xf32> to vector<16xf32>
      tpu.vector_store %arg7[%swap3A_455], %swap3A_458 {strides = array<i32>} : memref<256xf32, #tpu.memory_space<vmem>>, vector<16xf32>,
      %swap3A_459 = arith.constant 160 : index
      %swap3A_460 = tpu.vector_load %arg8[%swap3A_459] {strides = array<i32>} : memref<256xi32, #tpu.memory_space<vmem>>, vector<16xi32>,
      %swap3A_461 = vector.shape_cast %swap3A_460 : vector<16xi32> to vector<16xi32>
      %swap3A_462 = vector.shape_cast %scan3A_437#11 : vector<16xi32> to vector<16xi32>
      tpu.vector_store %arg8[%swap3A_459], %swap3A_462 {strides = array<i32>} : memref<256xi32, #tpu.memory_space<vmem>>, vector<16xi32>,
      %swap3A_463 = arith.constant 176 : index
      %swap3A_464 = tpu.vector_load %arg7[%swap3A_463] {strides = array<i32>} : memref<256xf32, #tpu.memory_space<vmem>>, vector<16xf32>,
      %swap3A_465 = vector.shape_cast %swap3A_464 : vector<16xf32> to vector<16xf32>
      %swap3A_466 = vector.shape_cast %scan3A_437#4 : vector<16xf32> to vector<16xf32>
      tpu.vector_store %arg7[%swap3A_463], %swap3A_466 {strides = array<i32>} : memref<256xf32, #tpu.memory_space<vmem>>, vector<16xf32>,
      %swap3A_467 = arith.constant 176 : index
      %swap3A_468 = tpu.vector_load %arg8[%swap3A_467] {strides = array<i32>} : memref<256xi32, #tpu.memory_space<vmem>>, vector<16xi32>,
      %swap3A_469 = vector.shape_cast %swap3A_468 : vector<16xi32> to vector<16xi32>
      %swap3A_470 = vector.shape_cast %scan3A_437#12 : vector<16xi32> to vector<16xi32>
      tpu.vector_store %arg8[%swap3A_467], %swap3A_470 {strides = array<i32>} : memref<256xi32, #tpu.memory_space<vmem>>, vector<16xi32>,
      %swap3A_471 = arith.constant 192 : index
      %swap3A_472 = tpu.vector_load %arg7[%swap3A_471] {strides = array<i32>} : memref<256xf32, #tpu.memory_space<vmem>>, vector<16xf32>,
      %swap3A_473 = vector.shape_cast %swap3A_472 : vector<16xf32> to vector<16xf32>
      %swap3A_474 = vector.shape_cast %scan3A_437#5 : vector<16xf32> to vector<16xf32>
      tpu.vector_store %arg7[%swap3A_471], %swap3A_474 {strides = array<i32>} : memref<256xf32, #tpu.memory_space<vmem>>, vector<16xf32>,
      %swap3A_475 = arith.constant 192 : index
      %swap3A_476 = tpu.vector_load %arg8[%swap3A_475] {strides = array<i32>} : memref<256xi32, #tpu.memory_space<vmem>>, vector<16xi32>,
      %swap3A_477 = vector.shape_cast %swap3A_476 : vector<16xi32> to vector<16xi32>
      %swap3A_478 = vector.shape_cast %scan3A_437#13 : vector<16xi32> to vector<16xi32>
      tpu.vector_store %arg8[%swap3A_475], %swap3A_478 {strides = array<i32>} : memref<256xi32, #tpu.memory_space<vmem>>, vector<16xi32>,
      %swap3A_479 = arith.constant 208 : index
      %swap3A_480 = tpu.vector_load %arg7[%swap3A_479] {strides = array<i32>} : memref<256xf32, #tpu.memory_space<vmem>>, vector<16xf32>,
      %swap3A_481 = vector.shape_cast %swap3A_480 : vector<16xf32> to vector<16xf32>
      %swap3A_482 = vector.shape_cast %scan3A_437#6 : vector<16xf32> to vector<16xf32>
      tpu.vector_store %arg7[%swap3A_479], %swap3A_482 {strides = array<i32>} : memref<256xf32, #tpu.memory_space<vmem>>, vector<16xf32>,
      %swap3A_483 = arith.constant 208 : index
      %swap3A_484 = tpu.vector_load %arg8[%swap3A_483] {strides = array<i32>} : memref<256xi32, #tpu.memory_space<vmem>>, vector<16xi32>,
      %swap3A_485 = vector.shape_cast %swap3A_484 : vector<16xi32> to vector<16xi32>
      %swap3A_486 = vector.shape_cast %scan3A_437#14 : vector<16xi32> to vector<16xi32>
      tpu.vector_store %arg8[%swap3A_483], %swap3A_486 {strides = array<i32>} : memref<256xi32, #tpu.memory_space<vmem>>, vector<16xi32>,
      %swap3A_487 = arith.constant 224 : index
      %swap3A_488 = tpu.vector_load %arg7[%swap3A_487] {strides = array<i32>} : memref<256xf32, #tpu.memory_space<vmem>>, vector<16xf32>,
      %swap3A_489 = vector.shape_cast %swap3A_488 : vector<16xf32> to vector<16xf32>
      %swap3A_490 = vector.shape_cast %scan3A_437#7 : vector<16xf32> to vector<16xf32>
      tpu.vector_store %arg7[%swap3A_487], %swap3A_490 {strides = array<i32>} : memref<256xf32, #tpu.memory_space<vmem>>, vector<16xf32>,
      %swap3A_491 = arith.constant 224 : index
      %swap3A_492 = tpu.vector_load %arg8[%swap3A_491] {strides = array<i32>} : memref<256xi32, #tpu.memory_space<vmem>>, vector<16xi32>,
      %swap3A_493 = vector.shape_cast %swap3A_492 : vector<16xi32> to vector<16xi32>
      %swap3A_494 = vector.shape_cast %scan3A_437#15 : vector<16xi32> to vector<16xi32>
      tpu.vector_store %arg8[%swap3A_491], %swap3A_494 {strides = array<i32>} : memref<256xi32, #tpu.memory_space<vmem>>, vector<16xi32>,
      %swap3A_495 = arith.constant 240 : index
      %swap3A_496 = tpu.vector_load %arg7[%swap3A_495] {strides = array<i32>} : memref<256xf32, #tpu.memory_space<vmem>>, vector<16xf32>,
      %swap3A_497 = vector.shape_cast %swap3A_496 : vector<16xf32> to vector<16xf32>
      %swap3A_498 = vector.shape_cast %scan3A_437#8 : vector<16xf32> to vector<16xf32>
      tpu.vector_store %arg7[%swap3A_495], %swap3A_498 {strides = array<i32>} : memref<256xf32, #tpu.memory_space<vmem>>, vector<16xf32>,
      %swap3A_499 = arith.constant 240 : index
      %swap3A_500 = tpu.vector_load %arg8[%swap3A_499] {strides = array<i32>} : memref<256xi32, #tpu.memory_space<vmem>>, vector<16xi32>,
      %swap3A_501 = vector.shape_cast %swap3A_500 : vector<16xi32> to vector<16xi32>
      %swap3A_502 = vector.shape_cast %scan3A_437#16 : vector<16xi32> to vector<16xi32>
      tpu.vector_store %arg8[%swap3A_499], %swap3A_502 {strides = array<i32>} : memref<256xi32, #tpu.memory_space<vmem>>, vector<16xi32>,
      %mul3A_503 = arith.constant 2 : i32
      %mul3A_504 = arith.muli %scan3A_242, %mul3A_503 : i32
      %add3A_505 = arith.constant 1 : i32
      %add3A_506 = arith.addi %mul3A_504, %add3A_505 : i32
      %add3A_507 = arith.constant 1 : i32
      %add3A_508 = arith.addi %add3A_506, %add3A_507 : i32
      %lt3A_509 = arith.constant 14 : i32
      %lt3A_510 = arith.cmpi slt, %add3A_508, %lt3A_509 : i32
      %convert_element_type3A_511 = arith.extui %lt3A_510 : i1 to i32
      %cond3A_512 = arith.constant 0 : i32
      %cond3A_513 = arith.cmpi ne, %convert_element_type3A_511, %cond3A_512 : i32
      scf.if %cond3A_513 {
        %add3A_767 = arith.constant 1 : i32
        %add3A_768 = arith.addi %add3A_506, %add3A_767 : i32
        %mul3A_769 = arith.constant 128 : i32
        %mul3A_770 = arith.muli %add3A_768, %mul3A_769 : i32
        %add3A_771 = arith.constant 2304 : i32
        %add3A_772 = arith.addi %add3A_771, %mul3A_770 : i32
        %dma_start3A_773 = tpu.memref_slice %arg2[%select_n3A, %add3A_772, %mul3A_32] : memref<4x4096x2048xf32, #tpu.memory_space<hbm>> -> memref<1x128x256xf32, #tpu.memory_space<hbm>>
        %dma_start3A_774 = tpu.memref_squeeze %dma_start3A_773 : memref<1x128x256xf32, #tpu.memory_space<hbm>> -> memref<128x256xf32, #tpu.memory_space<hbm>>
        %dma_start3A_775 = tpu.memref_slice %arg2[%select_n3A, %add3A_772, %mul3A_32] : memref<4x4096x2048xf32, #tpu.memory_space<hbm>> -> memref<1x128x256xf32, #tpu.memory_space<hbm>>
        %dma_start3A_776 = tpu.memref_squeeze %dma_start3A_775 : memref<1x128x256xf32, #tpu.memory_space<hbm>> -> memref<128x256xf32, #tpu.memory_space<hbm>>
        tpu.enqueue_dma source(%dma_start3A_776 : memref<128x256xf32, #tpu.memory_space<hbm>>) target(%arg5 : memref<128x256xf32, #tpu.memory_space<vmem>>) target_semaphore(%arg9 : memref<!tpu.dma_semaphore, #tpu.memory_space<semaphore_mem>>)
      } else {
      }
      %dma_wait3A_514 = arith.constant 2304 : i32
      %dma_wait3A_515 = tpu.memref_slice %arg2[%select_n3A, %dma_wait3A_514, %mul3A_32] : memref<4x4096x2048xf32, #tpu.memory_space<hbm>> -> memref<1x128x256xf32, #tpu.memory_space<hbm>>
      %dma_wait3A_516 = tpu.memref_squeeze %dma_wait3A_515 : memref<1x128x256xf32, #tpu.memory_space<hbm>> -> memref<128x256xf32, #tpu.memory_space<hbm>>
      %dma_wait3A_517 = arith.constant 2304 : i32
      %dma_wait3A_518 = tpu.memref_slice %arg2[%select_n3A, %dma_wait3A_517, %mul3A_32] : memref<4x4096x2048xf32, #tpu.memory_space<hbm>> -> memref<1x128x256xf32, #tpu.memory_space<hbm>>
      %dma_wait3A_519 = tpu.memref_squeeze %dma_wait3A_518 : memref<1x128x256xf32, #tpu.memory_space<hbm>> -> memref<128x256xf32, #tpu.memory_space<hbm>>
      tpu.wait_dma2 semaphore(%arg10 : memref<!tpu.dma_semaphore, #tpu.memory_space<semaphore_mem>>) src(%dma_wait3A_519 : memref<128x256xf32, #tpu.memory_space<hbm>>) dst(%arg6 : memref<128x256xf32, #tpu.memory_space<vmem>>)
      %get3A_520 = arith.constant 0 : index
      %get3A_521 = tpu.vector_load %arg7[%get3A_520] {strides = array<i32>} : memref<256xf32, #tpu.memory_space<vmem>>, vector<16xf32>,
      %get3A_522 = vector.shape_cast %get3A_521 : vector<16xf32> to vector<16xf32>
      %get3A_523 = arith.constant 16 : index
      %get3A_524 = tpu.vector_load %arg7[%get3A_523] {strides = array<i32>} : memref<256xf32, #tpu.memory_space<vmem>>, vector<16xf32>,
      %get3A_525 = vector.shape_cast %get3A_524 : vector<16xf32> to vector<16xf32>
      %get3A_526 = arith.constant 32 : index
      %get3A_527 = tpu.vector_load %arg7[%get3A_526] {strides = array<i32>} : memref<256xf32, #tpu.memory_space<vmem>>, vector<16xf32>,
      %get3A_528 = vector.shape_cast %get3A_527 : vector<16xf32> to vector<16xf32>
      %get3A_529 = arith.constant 48 : index
      %get3A_530 = tpu.vector_load %arg7[%get3A_529] {strides = array<i32>} : memref<256xf32, #tpu.memory_space<vmem>>, vector<16xf32>,
      %get3A_531 = vector.shape_cast %get3A_530 : vector<16xf32> to vector<16xf32>
      %get3A_532 = arith.constant 64 : index
      %get3A_533 = tpu.vector_load %arg7[%get3A_532] {strides = array<i32>} : memref<256xf32, #tpu.memory_space<vmem>>, vector<16xf32>,
      %get3A_534 = vector.shape_cast %get3A_533 : vector<16xf32> to vector<16xf32>
      %get3A_535 = arith.constant 80 : index
      %get3A_536 = tpu.vector_load %arg7[%get3A_535] {strides = array<i32>} : memref<256xf32, #tpu.memory_space<vmem>>, vector<16xf32>,
      %get3A_537 = vector.shape_cast %get3A_536 : vector<16xf32> to vector<16xf32>
      %get3A_538 = arith.constant 96 : index
      %get3A_539 = tpu.vector_load %arg7[%get3A_538] {strides = array<i32>} : memref<256xf32, #tpu.memory_space<vmem>>, vector<16xf32>,
      %get3A_540 = vector.shape_cast %get3A_539 : vector<16xf32> to vector<16xf32>
      %get3A_541 = arith.constant 112 : index
      %get3A_542 = tpu.vector_load %arg7[%get3A_541] {strides = array<i32>} : memref<256xf32, #tpu.memory_space<vmem>>, vector<16xf32>,
      %get3A_543 = vector.shape_cast %get3A_542 : vector<16xf32> to vector<16xf32>
      %get3A_544 = arith.constant 0 : index
      %get3A_545 = tpu.vector_load %arg8[%get3A_544] {strides = array<i32>} : memref<256xi32, #tpu.memory_space<vmem>>, vector<16xi32>,
      %get3A_546 = vector.shape_cast %get3A_545 : vector<16xi32> to vector<16xi32>
      %get3A_547 = arith.constant 16 : index
      %get3A_548 = tpu.vector_load %arg8[%get3A_547] {strides = array<i32>} : memref<256xi32, #tpu.memory_space<vmem>>, vector<16xi32>,
      %get3A_549 = vector.shape_cast %get3A_548 : vector<16xi32> to vector<16xi32>
      %get3A_550 = arith.constant 32 : index
      %get3A_551 = tpu.vector_load %arg8[%get3A_550] {strides = array<i32>} : memref<256xi32, #tpu.memory_space<vmem>>, vector<16xi32>,
      %get3A_552 = vector.shape_cast %get3A_551 : vector<16xi32> to vector<16xi32>
      %get3A_553 = arith.constant 48 : index
      %get3A_554 = tpu.vector_load %arg8[%get3A_553] {strides = array<i32>} : memref<256xi32, #tpu.memory_space<vmem>>, vector<16xi32>,
      %get3A_555 = vector.shape_cast %get3A_554 : vector<16xi32> to vector<16xi32>
      %get3A_556 = arith.constant 64 : index
      %get3A_557 = tpu.vector_load %arg8[%get3A_556] {strides = array<i32>} : memref<256xi32, #tpu.memory_space<vmem>>, vector<16xi32>,
      %get3A_558 = vector.shape_cast %get3A_557 : vector<16xi32> to vector<16xi32>
      %get3A_559 = arith.constant 80 : index
      %get3A_560 = tpu.vector_load %arg8[%get3A_559] {strides = array<i32>} : memref<256xi32, #tpu.memory_space<vmem>>, vector<16xi32>,
      %get3A_561 = vector.shape_cast %get3A_560 : vector<16xi32> to vector<16xi32>
      %get3A_562 = arith.constant 96 : index
      %get3A_563 = tpu.vector_load %arg8[%get3A_562] {strides = array<i32>} : memref<256xi32, #tpu.memory_space<vmem>>, vector<16xi32>,
      %get3A_564 = vector.shape_cast %get3A_563 : vector<16xi32> to vector<16xi32>
      %get3A_565 = arith.constant 112 : index
      %get3A_566 = tpu.vector_load %arg8[%get3A_565] {strides = array<i32>} : memref<256xi32, #tpu.memory_space<vmem>>, vector<16xi32>,
      %get3A_567 = vector.shape_cast %get3A_566 : vector<16xi32> to vector<16xi32>
      %mul3A_568 = arith.constant 128 : i32
      %mul3A_569 = arith.muli %add3A_506, %mul3A_568 : i32
      %add3A_570 = arith.constant 2304 : i32
      %add3A_571 = arith.addi %add3A_570, %mul3A_569 : i32
      %broadcast_in_dim3A_572 = vector.broadcast %add3A_571 : i32 to vector<16xi32>
      %scan3A_573 = arith.constant 0 : i32
      %scan3A_574 = arith.constant 32 : i32
      %scan3A_575 = arith.addi %scan3A_573, %scan3A_574 : i32
      %scan3A_576 = arith.constant 1 : i32
      %scan3A_577:17 = scf.for %scan3A_767 = %scan3A_573 to %scan3A_575 step %scan3A_576 iter_args(%scan3A_768 = %broadcast_in_dim3A_572, %scan3A_769 = %get3A_522, %scan3A_770 = %get3A_525, %scan3A_771 = %get3A_528, %scan3A_772 = %get3A_531, %scan3A_773 = %get3A_534, %scan3A_774 = %get3A_537, %scan3A_775 = %get3A_540, %scan3A_776 = %get3A_543, %scan3A_777 = %get3A_546, %scan3A_778 = %get3A_549, %scan3A_779 = %get3A_552, %scan3A_780 = %get3A_555, %scan3A_781 = %get3A_558, %scan3A_782 = %get3A_561, %scan3A_783 = %get3A_564, %scan3A_784 = %get3A_567) -> (vector<16xi32>, vector<16xf32>, vector<16xf32>, vector<16xf32>, vector<16xf32>, vector<16xf32>, vector<16xf32>, vector<16xf32>, vector<16xf32>, vector<16xi32>, vector<16xi32>, vector<16xi32>, vector<16xi32>, vector<16xi32>, vector<16xi32>, vector<16xi32>, vector<16xi32>)  : i32 {
        %add3A_785 = arith.addi %scan3A_768, %broadcast_in_dim3A_224 : vector<16xi32>
        %add3A_786 = arith.addi %scan3A_768, %broadcast_in_dim3A_226 : vector<16xi32>
        %add3A_787 = arith.addi %scan3A_768, %broadcast_in_dim3A_228 : vector<16xi32>
        %mul3A_788 = arith.constant 4 : i32
        %mul3A_789 = arith.muli %scan3A_767, %mul3A_788 : i32
        %add3A_790 = arith.constant 0 : i32
        %add3A_791 = arith.addi %mul3A_789, %add3A_790 : i32
        %get3A_792 = arith.index_cast %add3A_791 : i32 to index
        %get3A_793 = arith.constant 0 : index
        %get3A_794 = tpu.vector_load %arg6[%get3A_792, %get3A_793] {strides = array<i32>} : memref<128x256xf32, #tpu.memory_space<vmem>>, vector<1x16xf32>,
        %get3A_795 = vector.shape_cast %get3A_794 : vector<1x16xf32> to vector<16xf32>
        %lt3A_796 = arith.cmpf olt, %get3A_795, %scan3A_769 : vector<16xf32>
        %select_n3A_797 = arith.select %lt3A_796, %get3A_795, %scan3A_769 : vector<16xi1>, vector<16xf32>
        %select_n3A_798 = arith.select %lt3A_796, %scan3A_768, %scan3A_777 : vector<16xi1>, vector<16xi32>
        %get3A_799 = arith.index_cast %add3A_791 : i32 to index
        %get3A_800 = arith.constant 16 : index
        %get3A_801 = tpu.vector_load %arg6[%get3A_799, %get3A_800] {strides = array<i32>} : memref<128x256xf32, #tpu.memory_space<vmem>>, vector<1x16xf32>,
        %get3A_802 = vector.shape_cast %get3A_801 : vector<1x16xf32> to vector<16xf32>
        %lt3A_803 = arith.cmpf olt, %get3A_802, %scan3A_770 : vector<16xf32>
        %select_n3A_804 = arith.select %lt3A_803, %get3A_802, %scan3A_770 : vector<16xi1>, vector<16xf32>
        %select_n3A_805 = arith.select %lt3A_803, %scan3A_768, %scan3A_778 : vector<16xi1>, vector<16xi32>
        %get3A_806 = arith.index_cast %add3A_791 : i32 to index
        %get3A_807 = arith.constant 32 : index
        %get3A_808 = tpu.vector_load %arg6[%get3A_806, %get3A_807] {strides = array<i32>} : memref<128x256xf32, #tpu.memory_space<vmem>>, vector<1x16xf32>,
        %get3A_809 = vector.shape_cast %get3A_808 : vector<1x16xf32> to vector<16xf32>
        %lt3A_810 = arith.cmpf olt, %get3A_809, %scan3A_771 : vector<16xf32>
        %select_n3A_811 = arith.select %lt3A_810, %get3A_809, %scan3A_771 : vector<16xi1>, vector<16xf32>
        %select_n3A_812 = arith.select %lt3A_810, %scan3A_768, %scan3A_779 : vector<16xi1>, vector<16xi32>
        %get3A_813 = arith.index_cast %add3A_791 : i32 to index
        %get3A_814 = arith.constant 48 : index
        %get3A_815 = tpu.vector_load %arg6[%get3A_813, %get3A_814] {strides = array<i32>} : memref<128x256xf32, #tpu.memory_space<vmem>>, vector<1x16xf32>,
        %get3A_816 = vector.shape_cast %get3A_815 : vector<1x16xf32> to vector<16xf32>
        %lt3A_817 = arith.cmpf olt, %get3A_816, %scan3A_772 : vector<16xf32>
        %select_n3A_818 = arith.select %lt3A_817, %get3A_816, %scan3A_772 : vector<16xi1>, vector<16xf32>
        %select_n3A_819 = arith.select %lt3A_817, %scan3A_768, %scan3A_780 : vector<16xi1>, vector<16xi32>
        %get3A_820 = arith.index_cast %add3A_791 : i32 to index
        %get3A_821 = arith.constant 64 : index
        %get3A_822 = tpu.vector_load %arg6[%get3A_820, %get3A_821] {strides = array<i32>} : memref<128x256xf32, #tpu.memory_space<vmem>>, vector<1x16xf32>,
        %get3A_823 = vector.shape_cast %get3A_822 : vector<1x16xf32> to vector<16xf32>
        %lt3A_824 = arith.cmpf olt, %get3A_823, %scan3A_773 : vector<16xf32>
        %select_n3A_825 = arith.select %lt3A_824, %get3A_823, %scan3A_773 : vector<16xi1>, vector<16xf32>
        %select_n3A_826 = arith.select %lt3A_824, %scan3A_768, %scan3A_781 : vector<16xi1>, vector<16xi32>
        %get3A_827 = arith.index_cast %add3A_791 : i32 to index
        %get3A_828 = arith.constant 80 : index
        %get3A_829 = tpu.vector_load %arg6[%get3A_827, %get3A_828] {strides = array<i32>} : memref<128x256xf32, #tpu.memory_space<vmem>>, vector<1x16xf32>,
        %get3A_830 = vector.shape_cast %get3A_829 : vector<1x16xf32> to vector<16xf32>
        %lt3A_831 = arith.cmpf olt, %get3A_830, %scan3A_774 : vector<16xf32>
        %select_n3A_832 = arith.select %lt3A_831, %get3A_830, %scan3A_774 : vector<16xi1>, vector<16xf32>
        %select_n3A_833 = arith.select %lt3A_831, %scan3A_768, %scan3A_782 : vector<16xi1>, vector<16xi32>
        %get3A_834 = arith.index_cast %add3A_791 : i32 to index
        %get3A_835 = arith.constant 96 : index
        %get3A_836 = tpu.vector_load %arg6[%get3A_834, %get3A_835] {strides = array<i32>} : memref<128x256xf32, #tpu.memory_space<vmem>>, vector<1x16xf32>,
        %get3A_837 = vector.shape_cast %get3A_836 : vector<1x16xf32> to vector<16xf32>
        %lt3A_838 = arith.cmpf olt, %get3A_837, %scan3A_775 : vector<16xf32>
        %select_n3A_839 = arith.select %lt3A_838, %get3A_837, %scan3A_775 : vector<16xi1>, vector<16xf32>
        %select_n3A_840 = arith.select %lt3A_838, %scan3A_768, %scan3A_783 : vector<16xi1>, vector<16xi32>
        %get3A_841 = arith.index_cast %add3A_791 : i32 to index
        %get3A_842 = arith.constant 112 : index
        %get3A_843 = tpu.vector_load %arg6[%get3A_841, %get3A_842] {strides = array<i32>} : memref<128x256xf32, #tpu.memory_space<vmem>>, vector<1x16xf32>,
        %get3A_844 = vector.shape_cast %get3A_843 : vector<1x16xf32> to vector<16xf32>
        %lt3A_845 = arith.cmpf olt, %get3A_844, %scan3A_776 : vector<16xf32>
        %select_n3A_846 = arith.select %lt3A_845, %get3A_844, %scan3A_776 : vector<16xi1>, vector<16xf32>
        %select_n3A_847 = arith.select %lt3A_845, %scan3A_768, %scan3A_784 : vector<16xi1>, vector<16xi32>
        %mul3A_848 = arith.constant 4 : i32
        %mul3A_849 = arith.muli %scan3A_767, %mul3A_848 : i32
        %add3A_850 = arith.constant 1 : i32
        %add3A_851 = arith.addi %mul3A_849, %add3A_850 : i32
        %get3A_852 = arith.index_cast %add3A_851 : i32 to index
        %get3A_853 = arith.constant 0 : index
        %get3A_854 = tpu.vector_load %arg6[%get3A_852, %get3A_853] {strides = array<i32>} : memref<128x256xf32, #tpu.memory_space<vmem>>, vector<1x16xf32>,
        %get3A_855 = vector.shape_cast %get3A_854 : vector<1x16xf32> to vector<16xf32>
        %lt3A_856 = arith.cmpf olt, %get3A_855, %select_n3A_797 : vector<16xf32>
        %select_n3A_857 = arith.select %lt3A_856, %get3A_855, %select_n3A_797 : vector<16xi1>, vector<16xf32>
        %select_n3A_858 = arith.select %lt3A_856, %add3A_785, %select_n3A_798 : vector<16xi1>, vector<16xi32>
        %get3A_859 = arith.index_cast %add3A_851 : i32 to index
        %get3A_860 = arith.constant 16 : index
        %get3A_861 = tpu.vector_load %arg6[%get3A_859, %get3A_860] {strides = array<i32>} : memref<128x256xf32, #tpu.memory_space<vmem>>, vector<1x16xf32>,
        %get3A_862 = vector.shape_cast %get3A_861 : vector<1x16xf32> to vector<16xf32>
        %lt3A_863 = arith.cmpf olt, %get3A_862, %select_n3A_804 : vector<16xf32>
        %select_n3A_864 = arith.select %lt3A_863, %get3A_862, %select_n3A_804 : vector<16xi1>, vector<16xf32>
        %select_n3A_865 = arith.select %lt3A_863, %add3A_785, %select_n3A_805 : vector<16xi1>, vector<16xi32>
        %get3A_866 = arith.index_cast %add3A_851 : i32 to index
        %get3A_867 = arith.constant 32 : index
        %get3A_868 = tpu.vector_load %arg6[%get3A_866, %get3A_867] {strides = array<i32>} : memref<128x256xf32, #tpu.memory_space<vmem>>, vector<1x16xf32>,
        %get3A_869 = vector.shape_cast %get3A_868 : vector<1x16xf32> to vector<16xf32>
        %lt3A_870 = arith.cmpf olt, %get3A_869, %select_n3A_811 : vector<16xf32>
        %select_n3A_871 = arith.select %lt3A_870, %get3A_869, %select_n3A_811 : vector<16xi1>, vector<16xf32>
        %select_n3A_872 = arith.select %lt3A_870, %add3A_785, %select_n3A_812 : vector<16xi1>, vector<16xi32>
        %get3A_873 = arith.index_cast %add3A_851 : i32 to index
        %get3A_874 = arith.constant 48 : index
        %get3A_875 = tpu.vector_load %arg6[%get3A_873, %get3A_874] {strides = array<i32>} : memref<128x256xf32, #tpu.memory_space<vmem>>, vector<1x16xf32>,
        %get3A_876 = vector.shape_cast %get3A_875 : vector<1x16xf32> to vector<16xf32>
        %lt3A_877 = arith.cmpf olt, %get3A_876, %select_n3A_818 : vector<16xf32>
        %select_n3A_878 = arith.select %lt3A_877, %get3A_876, %select_n3A_818 : vector<16xi1>, vector<16xf32>
        %select_n3A_879 = arith.select %lt3A_877, %add3A_785, %select_n3A_819 : vector<16xi1>, vector<16xi32>
        %get3A_880 = arith.index_cast %add3A_851 : i32 to index
        %get3A_881 = arith.constant 64 : index
        %get3A_882 = tpu.vector_load %arg6[%get3A_880, %get3A_881] {strides = array<i32>} : memref<128x256xf32, #tpu.memory_space<vmem>>, vector<1x16xf32>,
        %get3A_883 = vector.shape_cast %get3A_882 : vector<1x16xf32> to vector<16xf32>
        %lt3A_884 = arith.cmpf olt, %get3A_883, %select_n3A_825 : vector<16xf32>
        %select_n3A_885 = arith.select %lt3A_884, %get3A_883, %select_n3A_825 : vector<16xi1>, vector<16xf32>
        %select_n3A_886 = arith.select %lt3A_884, %add3A_785, %select_n3A_826 : vector<16xi1>, vector<16xi32>
        %get3A_887 = arith.index_cast %add3A_851 : i32 to index
        %get3A_888 = arith.constant 80 : index
        %get3A_889 = tpu.vector_load %arg6[%get3A_887, %get3A_888] {strides = array<i32>} : memref<128x256xf32, #tpu.memory_space<vmem>>, vector<1x16xf32>,
        %get3A_890 = vector.shape_cast %get3A_889 : vector<1x16xf32> to vector<16xf32>
        %lt3A_891 = arith.cmpf olt, %get3A_890, %select_n3A_832 : vector<16xf32>
        %select_n3A_892 = arith.select %lt3A_891, %get3A_890, %select_n3A_832 : vector<16xi1>, vector<16xf32>
        %select_n3A_893 = arith.select %lt3A_891, %add3A_785, %select_n3A_833 : vector<16xi1>, vector<16xi32>
        %get3A_894 = arith.index_cast %add3A_851 : i32 to index
        %get3A_895 = arith.constant 96 : index
        %get3A_896 = tpu.vector_load %arg6[%get3A_894, %get3A_895] {strides = array<i32>} : memref<128x256xf32, #tpu.memory_space<vmem>>, vector<1x16xf32>,
        %get3A_897 = vector.shape_cast %get3A_896 : vector<1x16xf32> to vector<16xf32>
        %lt3A_898 = arith.cmpf olt, %get3A_897, %select_n3A_839 : vector<16xf32>
        %select_n3A_899 = arith.select %lt3A_898, %get3A_897, %select_n3A_839 : vector<16xi1>, vector<16xf32>
        %select_n3A_900 = arith.select %lt3A_898, %add3A_785, %select_n3A_840 : vector<16xi1>, vector<16xi32>
        %get3A_901 = arith.index_cast %add3A_851 : i32 to index
        %get3A_902 = arith.constant 112 : index
        %get3A_903 = tpu.vector_load %arg6[%get3A_901, %get3A_902] {strides = array<i32>} : memref<128x256xf32, #tpu.memory_space<vmem>>, vector<1x16xf32>,
        %get3A_904 = vector.shape_cast %get3A_903 : vector<1x16xf32> to vector<16xf32>
        %lt3A_905 = arith.cmpf olt, %get3A_904, %select_n3A_846 : vector<16xf32>
        %select_n3A_906 = arith.select %lt3A_905, %get3A_904, %select_n3A_846 : vector<16xi1>, vector<16xf32>
        %select_n3A_907 = arith.select %lt3A_905, %add3A_785, %select_n3A_847 : vector<16xi1>, vector<16xi32>
        %mul3A_908 = arith.constant 4 : i32
        %mul3A_909 = arith.muli %scan3A_767, %mul3A_908 : i32
        %add3A_910 = arith.constant 2 : i32
        %add3A_911 = arith.addi %mul3A_909, %add3A_910 : i32
        %get3A_912 = arith.index_cast %add3A_911 : i32 to index
        %get3A_913 = arith.constant 0 : index
        %get3A_914 = tpu.vector_load %arg6[%get3A_912, %get3A_913] {strides = array<i32>} : memref<128x256xf32, #tpu.memory_space<vmem>>, vector<1x16xf32>,
        %get3A_915 = vector.shape_cast %get3A_914 : vector<1x16xf32> to vector<16xf32>
        %lt3A_916 = arith.cmpf olt, %get3A_915, %select_n3A_857 : vector<16xf32>
        %select_n3A_917 = arith.select %lt3A_916, %get3A_915, %select_n3A_857 : vector<16xi1>, vector<16xf32>
        %select_n3A_918 = arith.select %lt3A_916, %add3A_786, %select_n3A_858 : vector<16xi1>, vector<16xi32>
        %get3A_919 = arith.index_cast %add3A_911 : i32 to index
        %get3A_920 = arith.constant 16 : index
        %get3A_921 = tpu.vector_load %arg6[%get3A_919, %get3A_920] {strides = array<i32>} : memref<128x256xf32, #tpu.memory_space<vmem>>, vector<1x16xf32>,
        %get3A_922 = vector.shape_cast %get3A_921 : vector<1x16xf32> to vector<16xf32>
        %lt3A_923 = arith.cmpf olt, %get3A_922, %select_n3A_864 : vector<16xf32>
        %select_n3A_924 = arith.select %lt3A_923, %get3A_922, %select_n3A_864 : vector<16xi1>, vector<16xf32>
        %select_n3A_925 = arith.select %lt3A_923, %add3A_786, %select_n3A_865 : vector<16xi1>, vector<16xi32>
        %get3A_926 = arith.index_cast %add3A_911 : i32 to index
        %get3A_927 = arith.constant 32 : index
        %get3A_928 = tpu.vector_load %arg6[%get3A_926, %get3A_927] {strides = array<i32>} : memref<128x256xf32, #tpu.memory_space<vmem>>, vector<1x16xf32>,
        %get3A_929 = vector.shape_cast %get3A_928 : vector<1x16xf32> to vector<16xf32>
        %lt3A_930 = arith.cmpf olt, %get3A_929, %select_n3A_871 : vector<16xf32>
        %select_n3A_931 = arith.select %lt3A_930, %get3A_929, %select_n3A_871 : vector<16xi1>, vector<16xf32>
        %select_n3A_932 = arith.select %lt3A_930, %add3A_786, %select_n3A_872 : vector<16xi1>, vector<16xi32>
        %get3A_933 = arith.index_cast %add3A_911 : i32 to index
        %get3A_934 = arith.constant 48 : index
        %get3A_935 = tpu.vector_load %arg6[%get3A_933, %get3A_934] {strides = array<i32>} : memref<128x256xf32, #tpu.memory_space<vmem>>, vector<1x16xf32>,
        %get3A_936 = vector.shape_cast %get3A_935 : vector<1x16xf32> to vector<16xf32>
        %lt3A_937 = arith.cmpf olt, %get3A_936, %select_n3A_878 : vector<16xf32>
        %select_n3A_938 = arith.select %lt3A_937, %get3A_936, %select_n3A_878 : vector<16xi1>, vector<16xf32>
        %select_n3A_939 = arith.select %lt3A_937, %add3A_786, %select_n3A_879 : vector<16xi1>, vector<16xi32>
        %get3A_940 = arith.index_cast %add3A_911 : i32 to index
        %get3A_941 = arith.constant 64 : index
        %get3A_942 = tpu.vector_load %arg6[%get3A_940, %get3A_941] {strides = array<i32>} : memref<128x256xf32, #tpu.memory_space<vmem>>, vector<1x16xf32>,
        %get3A_943 = vector.shape_cast %get3A_942 : vector<1x16xf32> to vector<16xf32>
        %lt3A_944 = arith.cmpf olt, %get3A_943, %select_n3A_885 : vector<16xf32>
        %select_n3A_945 = arith.select %lt3A_944, %get3A_943, %select_n3A_885 : vector<16xi1>, vector<16xf32>
        %select_n3A_946 = arith.select %lt3A_944, %add3A_786, %select_n3A_886 : vector<16xi1>, vector<16xi32>
        %get3A_947 = arith.index_cast %add3A_911 : i32 to index
        %get3A_948 = arith.constant 80 : index
        %get3A_949 = tpu.vector_load %arg6[%get3A_947, %get3A_948] {strides = array<i32>} : memref<128x256xf32, #tpu.memory_space<vmem>>, vector<1x16xf32>,
        %get3A_950 = vector.shape_cast %get3A_949 : vector<1x16xf32> to vector<16xf32>
        %lt3A_951 = arith.cmpf olt, %get3A_950, %select_n3A_892 : vector<16xf32>
        %select_n3A_952 = arith.select %lt3A_951, %get3A_950, %select_n3A_892 : vector<16xi1>, vector<16xf32>
        %select_n3A_953 = arith.select %lt3A_951, %add3A_786, %select_n3A_893 : vector<16xi1>, vector<16xi32>
        %get3A_954 = arith.index_cast %add3A_911 : i32 to index
        %get3A_955 = arith.constant 96 : index
        %get3A_956 = tpu.vector_load %arg6[%get3A_954, %get3A_955] {strides = array<i32>} : memref<128x256xf32, #tpu.memory_space<vmem>>, vector<1x16xf32>,
        %get3A_957 = vector.shape_cast %get3A_956 : vector<1x16xf32> to vector<16xf32>
        %lt3A_958 = arith.cmpf olt, %get3A_957, %select_n3A_899 : vector<16xf32>
        %select_n3A_959 = arith.select %lt3A_958, %get3A_957, %select_n3A_899 : vector<16xi1>, vector<16xf32>
        %select_n3A_960 = arith.select %lt3A_958, %add3A_786, %select_n3A_900 : vector<16xi1>, vector<16xi32>
        %get3A_961 = arith.index_cast %add3A_911 : i32 to index
        %get3A_962 = arith.constant 112 : index
        %get3A_963 = tpu.vector_load %arg6[%get3A_961, %get3A_962] {strides = array<i32>} : memref<128x256xf32, #tpu.memory_space<vmem>>, vector<1x16xf32>,
        %get3A_964 = vector.shape_cast %get3A_963 : vector<1x16xf32> to vector<16xf32>
        %lt3A_965 = arith.cmpf olt, %get3A_964, %select_n3A_906 : vector<16xf32>
        %select_n3A_966 = arith.select %lt3A_965, %get3A_964, %select_n3A_906 : vector<16xi1>, vector<16xf32>
        %select_n3A_967 = arith.select %lt3A_965, %add3A_786, %select_n3A_907 : vector<16xi1>, vector<16xi32>
        %mul3A_968 = arith.constant 4 : i32
        %mul3A_969 = arith.muli %scan3A_767, %mul3A_968 : i32
        %add3A_970 = arith.constant 3 : i32
        %add3A_971 = arith.addi %mul3A_969, %add3A_970 : i32
        %get3A_972 = arith.index_cast %add3A_971 : i32 to index
        %get3A_973 = arith.constant 0 : index
        %get3A_974 = tpu.vector_load %arg6[%get3A_972, %get3A_973] {strides = array<i32>} : memref<128x256xf32, #tpu.memory_space<vmem>>, vector<1x16xf32>,
        %get3A_975 = vector.shape_cast %get3A_974 : vector<1x16xf32> to vector<16xf32>
        %lt3A_976 = arith.cmpf olt, %get3A_975, %select_n3A_917 : vector<16xf32>
        %select_n3A_977 = arith.select %lt3A_976, %get3A_975, %select_n3A_917 : vector<16xi1>, vector<16xf32>
        %select_n3A_978 = arith.select %lt3A_976, %add3A_787, %select_n3A_918 : vector<16xi1>, vector<16xi32>
        %get3A_979 = arith.index_cast %add3A_971 : i32 to index
        %get3A_980 = arith.constant 16 : index
        %get3A_981 = tpu.vector_load %arg6[%get3A_979, %get3A_980] {strides = array<i32>} : memref<128x256xf32, #tpu.memory_space<vmem>>, vector<1x16xf32>,
        %get3A_982 = vector.shape_cast %get3A_981 : vector<1x16xf32> to vector<16xf32>
        %lt3A_983 = arith.cmpf olt, %get3A_982, %select_n3A_924 : vector<16xf32>
        %select_n3A_984 = arith.select %lt3A_983, %get3A_982, %select_n3A_924 : vector<16xi1>, vector<16xf32>
        %select_n3A_985 = arith.select %lt3A_983, %add3A_787, %select_n3A_925 : vector<16xi1>, vector<16xi32>
        %get3A_986 = arith.index_cast %add3A_971 : i32 to index
        %get3A_987 = arith.constant 32 : index
        %get3A_988 = tpu.vector_load %arg6[%get3A_986, %get3A_987] {strides = array<i32>} : memref<128x256xf32, #tpu.memory_space<vmem>>, vector<1x16xf32>,
        %get3A_989 = vector.shape_cast %get3A_988 : vector<1x16xf32> to vector<16xf32>
        %lt3A_990 = arith.cmpf olt, %get3A_989, %select_n3A_931 : vector<16xf32>
        %select_n3A_991 = arith.select %lt3A_990, %get3A_989, %select_n3A_931 : vector<16xi1>, vector<16xf32>
        %select_n3A_992 = arith.select %lt3A_990, %add3A_787, %select_n3A_932 : vector<16xi1>, vector<16xi32>
        %get3A_993 = arith.index_cast %add3A_971 : i32 to index
        %get3A_994 = arith.constant 48 : index
        %get3A_995 = tpu.vector_load %arg6[%get3A_993, %get3A_994] {strides = array<i32>} : memref<128x256xf32, #tpu.memory_space<vmem>>, vector<1x16xf32>,
        %get3A_996 = vector.shape_cast %get3A_995 : vector<1x16xf32> to vector<16xf32>
        %lt3A_997 = arith.cmpf olt, %get3A_996, %select_n3A_938 : vector<16xf32>
        %select_n3A_998 = arith.select %lt3A_997, %get3A_996, %select_n3A_938 : vector<16xi1>, vector<16xf32>
        %select_n3A_999 = arith.select %lt3A_997, %add3A_787, %select_n3A_939 : vector<16xi1>, vector<16xi32>
        %get3A_1000 = arith.index_cast %add3A_971 : i32 to index
        %get3A_1001 = arith.constant 64 : index
        %get3A_1002 = tpu.vector_load %arg6[%get3A_1000, %get3A_1001] {strides = array<i32>} : memref<128x256xf32, #tpu.memory_space<vmem>>, vector<1x16xf32>,
        %get3A_1003 = vector.shape_cast %get3A_1002 : vector<1x16xf32> to vector<16xf32>
        %lt3A_1004 = arith.cmpf olt, %get3A_1003, %select_n3A_945 : vector<16xf32>
        %select_n3A_1005 = arith.select %lt3A_1004, %get3A_1003, %select_n3A_945 : vector<16xi1>, vector<16xf32>
        %select_n3A_1006 = arith.select %lt3A_1004, %add3A_787, %select_n3A_946 : vector<16xi1>, vector<16xi32>
        %get3A_1007 = arith.index_cast %add3A_971 : i32 to index
        %get3A_1008 = arith.constant 80 : index
        %get3A_1009 = tpu.vector_load %arg6[%get3A_1007, %get3A_1008] {strides = array<i32>} : memref<128x256xf32, #tpu.memory_space<vmem>>, vector<1x16xf32>,
        %get3A_1010 = vector.shape_cast %get3A_1009 : vector<1x16xf32> to vector<16xf32>
        %lt3A_1011 = arith.cmpf olt, %get3A_1010, %select_n3A_952 : vector<16xf32>
        %select_n3A_1012 = arith.select %lt3A_1011, %get3A_1010, %select_n3A_952 : vector<16xi1>, vector<16xf32>
        %select_n3A_1013 = arith.select %lt3A_1011, %add3A_787, %select_n3A_953 : vector<16xi1>, vector<16xi32>
        %get3A_1014 = arith.index_cast %add3A_971 : i32 to index
        %get3A_1015 = arith.constant 96 : index
        %get3A_1016 = tpu.vector_load %arg6[%get3A_1014, %get3A_1015] {strides = array<i32>} : memref<128x256xf32, #tpu.memory_space<vmem>>, vector<1x16xf32>,
        %get3A_1017 = vector.shape_cast %get3A_1016 : vector<1x16xf32> to vector<16xf32>
        %lt3A_1018 = arith.cmpf olt, %get3A_1017, %select_n3A_959 : vector<16xf32>
        %select_n3A_1019 = arith.select %lt3A_1018, %get3A_1017, %select_n3A_959 : vector<16xi1>, vector<16xf32>
        %select_n3A_1020 = arith.select %lt3A_1018, %add3A_787, %select_n3A_960 : vector<16xi1>, vector<16xi32>
        %get3A_1021 = arith.index_cast %add3A_971 : i32 to index
        %get3A_1022 = arith.constant 112 : index
        %get3A_1023 = tpu.vector_load %arg6[%get3A_1021, %get3A_1022] {strides = array<i32>} : memref<128x256xf32, #tpu.memory_space<vmem>>, vector<1x16xf32>,
        %get3A_1024 = vector.shape_cast %get3A_1023 : vector<1x16xf32> to vector<16xf32>
        %lt3A_1025 = arith.cmpf olt, %get3A_1024, %select_n3A_966 : vector<16xf32>
        %select_n3A_1026 = arith.select %lt3A_1025, %get3A_1024, %select_n3A_966 : vector<16xi1>, vector<16xf32>
        %select_n3A_1027 = arith.select %lt3A_1025, %add3A_787, %select_n3A_967 : vector<16xi1>, vector<16xi32>
        %add3A_1028 = arith.addi %scan3A_768, %broadcast_in_dim3A_230 : vector<16xi32>
        scf.yield %add3A_1028, %select_n3A_977, %select_n3A_984, %select_n3A_991, %select_n3A_998, %select_n3A_1005, %select_n3A_1012, %select_n3A_1019, %select_n3A_1026, %select_n3A_978, %select_n3A_985, %select_n3A_992, %select_n3A_999, %select_n3A_1006, %select_n3A_1013, %select_n3A_1020, %select_n3A_1027 : vector<16xi32>, vector<16xf32>, vector<16xf32>, vector<16xf32>, vector<16xf32>, vector<16xf32>, vector<16xf32>, vector<16xf32>, vector<16xf32>, vector<16xi32>, vector<16xi32>, vector<16xi32>, vector<16xi32>, vector<16xi32>, vector<16xi32>, vector<16xi32>, vector<16xi32>
      }
      %scan3A_578 = arith.constant 32 : i32
      %swap3A_579 = arith.constant 0 : index
      %swap3A_580 = tpu.vector_load %arg7[%swap3A_579] {strides = array<i32>} : memref<256xf32, #tpu.memory_space<vmem>>, vector<16xf32>,
      %swap3A_581 = vector.shape_cast %swap3A_580 : vector<16xf32> to vector<16xf32>
      %swap3A_582 = vector.shape_cast %scan3A_577#1 : vector<16xf32> to vector<16xf32>
      tpu.vector_store %arg7[%swap3A_579], %swap3A_582 {strides = array<i32>} : memref<256xf32, #tpu.memory_space<vmem>>, vector<16xf32>,
      %swap3A_583 = arith.constant 0 : index
      %swap3A_584 = tpu.vector_load %arg8[%swap3A_583] {strides = array<i32>} : memref<256xi32, #tpu.memory_space<vmem>>, vector<16xi32>,
      %swap3A_585 = vector.shape_cast %swap3A_584 : vector<16xi32> to vector<16xi32>
      %swap3A_586 = vector.shape_cast %scan3A_577#9 : vector<16xi32> to vector<16xi32>
      tpu.vector_store %arg8[%swap3A_583], %swap3A_586 {strides = array<i32>} : memref<256xi32, #tpu.memory_space<vmem>>, vector<16xi32>,
      %swap3A_587 = arith.constant 16 : index
      %swap3A_588 = tpu.vector_load %arg7[%swap3A_587] {strides = array<i32>} : memref<256xf32, #tpu.memory_space<vmem>>, vector<16xf32>,
      %swap3A_589 = vector.shape_cast %swap3A_588 : vector<16xf32> to vector<16xf32>
      %swap3A_590 = vector.shape_cast %scan3A_577#2 : vector<16xf32> to vector<16xf32>
      tpu.vector_store %arg7[%swap3A_587], %swap3A_590 {strides = array<i32>} : memref<256xf32, #tpu.memory_space<vmem>>, vector<16xf32>,
      %swap3A_591 = arith.constant 16 : index
      %swap3A_592 = tpu.vector_load %arg8[%swap3A_591] {strides = array<i32>} : memref<256xi32, #tpu.memory_space<vmem>>, vector<16xi32>,
      %swap3A_593 = vector.shape_cast %swap3A_592 : vector<16xi32> to vector<16xi32>
      %swap3A_594 = vector.shape_cast %scan3A_577#10 : vector<16xi32> to vector<16xi32>
      tpu.vector_store %arg8[%swap3A_591], %swap3A_594 {strides = array<i32>} : memref<256xi32, #tpu.memory_space<vmem>>, vector<16xi32>,
      %swap3A_595 = arith.constant 32 : index
      %swap3A_596 = tpu.vector_load %arg7[%swap3A_595] {strides = array<i32>} : memref<256xf32, #tpu.memory_space<vmem>>, vector<16xf32>,
      %swap3A_597 = vector.shape_cast %swap3A_596 : vector<16xf32> to vector<16xf32>
      %swap3A_598 = vector.shape_cast %scan3A_577#3 : vector<16xf32> to vector<16xf32>
      tpu.vector_store %arg7[%swap3A_595], %swap3A_598 {strides = array<i32>} : memref<256xf32, #tpu.memory_space<vmem>>, vector<16xf32>,
      %swap3A_599 = arith.constant 32 : index
      %swap3A_600 = tpu.vector_load %arg8[%swap3A_599] {strides = array<i32>} : memref<256xi32, #tpu.memory_space<vmem>>, vector<16xi32>,
      %swap3A_601 = vector.shape_cast %swap3A_600 : vector<16xi32> to vector<16xi32>
      %swap3A_602 = vector.shape_cast %scan3A_577#11 : vector<16xi32> to vector<16xi32>
      tpu.vector_store %arg8[%swap3A_599], %swap3A_602 {strides = array<i32>} : memref<256xi32, #tpu.memory_space<vmem>>, vector<16xi32>,
      %swap3A_603 = arith.constant 48 : index
      %swap3A_604 = tpu.vector_load %arg7[%swap3A_603] {strides = array<i32>} : memref<256xf32, #tpu.memory_space<vmem>>, vector<16xf32>,
      %swap3A_605 = vector.shape_cast %swap3A_604 : vector<16xf32> to vector<16xf32>
      %swap3A_606 = vector.shape_cast %scan3A_577#4 : vector<16xf32> to vector<16xf32>
      tpu.vector_store %arg7[%swap3A_603], %swap3A_606 {strides = array<i32>} : memref<256xf32, #tpu.memory_space<vmem>>, vector<16xf32>,
      %swap3A_607 = arith.constant 48 : index
      %swap3A_608 = tpu.vector_load %arg8[%swap3A_607] {strides = array<i32>} : memref<256xi32, #tpu.memory_space<vmem>>, vector<16xi32>,
      %swap3A_609 = vector.shape_cast %swap3A_608 : vector<16xi32> to vector<16xi32>
      %swap3A_610 = vector.shape_cast %scan3A_577#12 : vector<16xi32> to vector<16xi32>
      tpu.vector_store %arg8[%swap3A_607], %swap3A_610 {strides = array<i32>} : memref<256xi32, #tpu.memory_space<vmem>>, vector<16xi32>,
      %swap3A_611 = arith.constant 64 : index
      %swap3A_612 = tpu.vector_load %arg7[%swap3A_611] {strides = array<i32>} : memref<256xf32, #tpu.memory_space<vmem>>, vector<16xf32>,
      %swap3A_613 = vector.shape_cast %swap3A_612 : vector<16xf32> to vector<16xf32>
      %swap3A_614 = vector.shape_cast %scan3A_577#5 : vector<16xf32> to vector<16xf32>
      tpu.vector_store %arg7[%swap3A_611], %swap3A_614 {strides = array<i32>} : memref<256xf32, #tpu.memory_space<vmem>>, vector<16xf32>,
      %swap3A_615 = arith.constant 64 : index
      %swap3A_616 = tpu.vector_load %arg8[%swap3A_615] {strides = array<i32>} : memref<256xi32, #tpu.memory_space<vmem>>, vector<16xi32>,
      %swap3A_617 = vector.shape_cast %swap3A_616 : vector<16xi32> to vector<16xi32>
      %swap3A_618 = vector.shape_cast %scan3A_577#13 : vector<16xi32> to vector<16xi32>
      tpu.vector_store %arg8[%swap3A_615], %swap3A_618 {strides = array<i32>} : memref<256xi32, #tpu.memory_space<vmem>>, vector<16xi32>,
      %swap3A_619 = arith.constant 80 : index
      %swap3A_620 = tpu.vector_load %arg7[%swap3A_619] {strides = array<i32>} : memref<256xf32, #tpu.memory_space<vmem>>, vector<16xf32>,
      %swap3A_621 = vector.shape_cast %swap3A_620 : vector<16xf32> to vector<16xf32>
      %swap3A_622 = vector.shape_cast %scan3A_577#6 : vector<16xf32> to vector<16xf32>
      tpu.vector_store %arg7[%swap3A_619], %swap3A_622 {strides = array<i32>} : memref<256xf32, #tpu.memory_space<vmem>>, vector<16xf32>,
      %swap3A_623 = arith.constant 80 : index
      %swap3A_624 = tpu.vector_load %arg8[%swap3A_623] {strides = array<i32>} : memref<256xi32, #tpu.memory_space<vmem>>, vector<16xi32>,
      %swap3A_625 = vector.shape_cast %swap3A_624 : vector<16xi32> to vector<16xi32>
      %swap3A_626 = vector.shape_cast %scan3A_577#14 : vector<16xi32> to vector<16xi32>
      tpu.vector_store %arg8[%swap3A_623], %swap3A_626 {strides = array<i32>} : memref<256xi32, #tpu.memory_space<vmem>>, vector<16xi32>,
      %swap3A_627 = arith.constant 96 : index
      %swap3A_628 = tpu.vector_load %arg7[%swap3A_627] {strides = array<i32>} : memref<256xf32, #tpu.memory_space<vmem>>, vector<16xf32>,
      %swap3A_629 = vector.shape_cast %swap3A_628 : vector<16xf32> to vector<16xf32>
      %swap3A_630 = vector.shape_cast %scan3A_577#7 : vector<16xf32> to vector<16xf32>
      tpu.vector_store %arg7[%swap3A_627], %swap3A_630 {strides = array<i32>} : memref<256xf32, #tpu.memory_space<vmem>>, vector<16xf32>,
      %swap3A_631 = arith.constant 96 : index
      %swap3A_632 = tpu.vector_load %arg8[%swap3A_631] {strides = array<i32>} : memref<256xi32, #tpu.memory_space<vmem>>, vector<16xi32>,
      %swap3A_633 = vector.shape_cast %swap3A_632 : vector<16xi32> to vector<16xi32>
      %swap3A_634 = vector.shape_cast %scan3A_577#15 : vector<16xi32> to vector<16xi32>
      tpu.vector_store %arg8[%swap3A_631], %swap3A_634 {strides = array<i32>} : memref<256xi32, #tpu.memory_space<vmem>>, vector<16xi32>,
      %swap3A_635 = arith.constant 112 : index
      %swap3A_636 = tpu.vector_load %arg7[%swap3A_635] {strides = array<i32>} : memref<256xf32, #tpu.memory_space<vmem>>, vector<16xf32>,
      %swap3A_637 = vector.shape_cast %swap3A_636 : vector<16xf32> to vector<16xf32>
      %swap3A_638 = vector.shape_cast %scan3A_577#8 : vector<16xf32> to vector<16xf32>
      tpu.vector_store %arg7[%swap3A_635], %swap3A_638 {strides = array<i32>} : memref<256xf32, #tpu.memory_space<vmem>>, vector<16xf32>,
      %swap3A_639 = arith.constant 112 : index
      %swap3A_640 = tpu.vector_load %arg8[%swap3A_639] {strides = array<i32>} : memref<256xi32, #tpu.memory_space<vmem>>, vector<16xi32>,
      %swap3A_641 = vector.shape_cast %swap3A_640 : vector<16xi32> to vector<16xi32>
      %swap3A_642 = vector.shape_cast %scan3A_577#16 : vector<16xi32> to vector<16xi32>
      tpu.vector_store %arg8[%swap3A_639], %swap3A_642 {strides = array<i32>} : memref<256xi32, #tpu.memory_space<vmem>>, vector<16xi32>,
      %get3A_643 = arith.constant 128 : index
      %get3A_644 = tpu.vector_load %arg7[%get3A_643] {strides = array<i32>} : memref<256xf32, #tpu.memory_space<vmem>>, vector<16xf32>,
      %get3A_645 = vector.shape_cast %get3A_644 : vector<16xf32> to vector<16xf32>
      %get3A_646 = arith.constant 144 : index
      %get3A_647 = tpu.vector_load %arg7[%get3A_646] {strides = array<i32>} : memref<256xf32, #tpu.memory_space<vmem>>, vector<16xf32>,
      %get3A_648 = vector.shape_cast %get3A_647 : vector<16xf32> to vector<16xf32>
      %get3A_649 = arith.constant 160 : index
      %get3A_650 = tpu.vector_load %arg7[%get3A_649] {strides = array<i32>} : memref<256xf32, #tpu.memory_space<vmem>>, vector<16xf32>,
      %get3A_651 = vector.shape_cast %get3A_650 : vector<16xf32> to vector<16xf32>
      %get3A_652 = arith.constant 176 : index
      %get3A_653 = tpu.vector_load %arg7[%get3A_652] {strides = array<i32>} : memref<256xf32, #tpu.memory_space<vmem>>, vector<16xf32>,
      %get3A_654 = vector.shape_cast %get3A_653 : vector<16xf32> to vector<16xf32>
      %get3A_655 = arith.constant 192 : index
      %get3A_656 = tpu.vector_load %arg7[%get3A_655] {strides = array<i32>} : memref<256xf32, #tpu.memory_space<vmem>>, vector<16xf32>,
      %get3A_657 = vector.shape_cast %get3A_656 : vector<16xf32> to vector<16xf32>
      %get3A_658 = arith.constant 208 : index
      %get3A_659 = tpu.vector_load %arg7[%get3A_658] {strides = array<i32>} : memref<256xf32, #tpu.memory_space<vmem>>, vector<16xf32>,
      %get3A_660 = vector.shape_cast %get3A_659 : vector<16xf32> to vector<16xf32>
      %get3A_661 = arith.constant 224 : index
      %get3A_662 = tpu.vector_load %arg7[%get3A_661] {strides = array<i32>} : memref<256xf32, #tpu.memory_space<vmem>>, vector<16xf32>,
      %get3A_663 = vector.shape_cast %get3A_662 : vector<16xf32> to vector<16xf32>
      %get3A_664 = arith.constant 240 : index
      %get3A_665 = tpu.vector_load %arg7[%get3A_664] {strides = array<i32>} : memref<256xf32, #tpu.memory_space<vmem>>, vector<16xf32>,
      %get3A_666 = vector.shape_cast %get3A_665 : vector<16xf32> to vector<16xf32>
      %get3A_667 = arith.constant 128 : index
      %get3A_668 = tpu.vector_load %arg8[%get3A_667] {strides = array<i32>} : memref<256xi32, #tpu.memory_space<vmem>>, vector<16xi32>,
      %get3A_669 = vector.shape_cast %get3A_668 : vector<16xi32> to vector<16xi32>
      %get3A_670 = arith.constant 144 : index
      %get3A_671 = tpu.vector_load %arg8[%get3A_670] {strides = array<i32>} : memref<256xi32, #tpu.memory_space<vmem>>, vector<16xi32>,
      %get3A_672 = vector.shape_cast %get3A_671 : vector<16xi32> to vector<16xi32>
      %get3A_673 = arith.constant 160 : index
      %get3A_674 = tpu.vector_load %arg8[%get3A_673] {strides = array<i32>} : memref<256xi32, #tpu.memory_space<vmem>>, vector<16xi32>,
      %get3A_675 = vector.shape_cast %get3A_674 : vector<16xi32> to vector<16xi32>
      %get3A_676 = arith.constant 176 : index
      %get3A_677 = tpu.vector_load %arg8[%get3A_676] {strides = array<i32>} : memref<256xi32, #tpu.memory_space<vmem>>, vector<16xi32>,
      %get3A_678 = vector.shape_cast %get3A_677 : vector<16xi32> to vector<16xi32>
      %get3A_679 = arith.constant 192 : index
      %get3A_680 = tpu.vector_load %arg8[%get3A_679] {strides = array<i32>} : memref<256xi32, #tpu.memory_space<vmem>>, vector<16xi32>,
      %get3A_681 = vector.shape_cast %get3A_680 : vector<16xi32> to vector<16xi32>
      %get3A_682 = arith.constant 208 : index
      %get3A_683 = tpu.vector_load %arg8[%get3A_682] {strides = array<i32>} : memref<256xi32, #tpu.memory_space<vmem>>, vector<16xi32>,
      %get3A_684 = vector.shape_cast %get3A_683 : vector<16xi32> to vector<16xi32>
      %get3A_685 = arith.constant 224 : index
      %get3A_686 = tpu.vector_load %arg8[%get3A_685] {strides = array<i32>} : memref<256xi32, #tpu.memory_space<vmem>>, vector<16xi32>,
      %get3A_687 = vector.shape_cast %get3A_686 : vector<16xi32> to vector<16xi32>
      %get3A_688 = arith.constant 240 : index
      %get3A_689 = tpu.vector_load %arg8[%get3A_688] {strides = array<i32>} : memref<256xi32, #tpu.memory_space<vmem>>, vector<16xi32>,
      %get3A_690 = vector.shape_cast %get3A_689 : vector<16xi32> to vector<16xi32>
      %mul3A_691 = arith.constant 128 : i32
      %mul3A_692 = arith.muli %add3A_506, %mul3A_691 : i32
      %add3A_693 = arith.constant 2304 : i32
      %add3A_694 = arith.addi %add3A_693, %mul3A_692 : i32
      %broadcast_in_dim3A_695 = vector.broadcast %add3A_694 : i32 to vector<16xi32>
      %scan3A_696 = arith.constant 0 : i32
      %scan3A_697 = arith.constant 32 : i32
      %scan3A_698 = arith.addi %scan3A_696, %scan3A_697 : i32
      %scan3A_699 = arith.constant 1 : i32
      %scan3A_700:17 = scf.for %scan3A_767 = %scan3A_696 to %scan3A_698 step %scan3A_699 iter_args(%scan3A_768 = %broadcast_in_dim3A_695, %scan3A_769 = %get3A_645, %scan3A_770 = %get3A_648, %scan3A_771 = %get3A_651, %scan3A_772 = %get3A_654, %scan3A_773 = %get3A_657, %scan3A_774 = %get3A_660, %scan3A_775 = %get3A_663, %scan3A_776 = %get3A_666, %scan3A_777 = %get3A_669, %scan3A_778 = %get3A_672, %scan3A_779 = %get3A_675, %scan3A_780 = %get3A_678, %scan3A_781 = %get3A_681, %scan3A_782 = %get3A_684, %scan3A_783 = %get3A_687, %scan3A_784 = %get3A_690) -> (vector<16xi32>, vector<16xf32>, vector<16xf32>, vector<16xf32>, vector<16xf32>, vector<16xf32>, vector<16xf32>, vector<16xf32>, vector<16xf32>, vector<16xi32>, vector<16xi32>, vector<16xi32>, vector<16xi32>, vector<16xi32>, vector<16xi32>, vector<16xi32>, vector<16xi32>)  : i32 {
        %add3A_785 = arith.addi %scan3A_768, %broadcast_in_dim3A_224 : vector<16xi32>
        %add3A_786 = arith.addi %scan3A_768, %broadcast_in_dim3A_226 : vector<16xi32>
        %add3A_787 = arith.addi %scan3A_768, %broadcast_in_dim3A_228 : vector<16xi32>
        %mul3A_788 = arith.constant 4 : i32
        %mul3A_789 = arith.muli %scan3A_767, %mul3A_788 : i32
        %add3A_790 = arith.constant 0 : i32
        %add3A_791 = arith.addi %mul3A_789, %add3A_790 : i32
        %get3A_792 = arith.index_cast %add3A_791 : i32 to index
        %get3A_793 = arith.constant 128 : index
        %get3A_794 = tpu.vector_load %arg6[%get3A_792, %get3A_793] {strides = array<i32>} : memref<128x256xf32, #tpu.memory_space<vmem>>, vector<1x16xf32>,
        %get3A_795 = vector.shape_cast %get3A_794 : vector<1x16xf32> to vector<16xf32>
        %lt3A_796 = arith.cmpf olt, %get3A_795, %scan3A_769 : vector<16xf32>
        %select_n3A_797 = arith.select %lt3A_796, %get3A_795, %scan3A_769 : vector<16xi1>, vector<16xf32>
        %select_n3A_798 = arith.select %lt3A_796, %scan3A_768, %scan3A_777 : vector<16xi1>, vector<16xi32>
        %get3A_799 = arith.index_cast %add3A_791 : i32 to index
        %get3A_800 = arith.constant 144 : index
        %get3A_801 = tpu.vector_load %arg6[%get3A_799, %get3A_800] {strides = array<i32>} : memref<128x256xf32, #tpu.memory_space<vmem>>, vector<1x16xf32>,
        %get3A_802 = vector.shape_cast %get3A_801 : vector<1x16xf32> to vector<16xf32>
        %lt3A_803 = arith.cmpf olt, %get3A_802, %scan3A_770 : vector<16xf32>
        %select_n3A_804 = arith.select %lt3A_803, %get3A_802, %scan3A_770 : vector<16xi1>, vector<16xf32>
        %select_n3A_805 = arith.select %lt3A_803, %scan3A_768, %scan3A_778 : vector<16xi1>, vector<16xi32>
        %get3A_806 = arith.index_cast %add3A_791 : i32 to index
        %get3A_807 = arith.constant 160 : index
        %get3A_808 = tpu.vector_load %arg6[%get3A_806, %get3A_807] {strides = array<i32>} : memref<128x256xf32, #tpu.memory_space<vmem>>, vector<1x16xf32>,
        %get3A_809 = vector.shape_cast %get3A_808 : vector<1x16xf32> to vector<16xf32>
        %lt3A_810 = arith.cmpf olt, %get3A_809, %scan3A_771 : vector<16xf32>
        %select_n3A_811 = arith.select %lt3A_810, %get3A_809, %scan3A_771 : vector<16xi1>, vector<16xf32>
        %select_n3A_812 = arith.select %lt3A_810, %scan3A_768, %scan3A_779 : vector<16xi1>, vector<16xi32>
        %get3A_813 = arith.index_cast %add3A_791 : i32 to index
        %get3A_814 = arith.constant 176 : index
        %get3A_815 = tpu.vector_load %arg6[%get3A_813, %get3A_814] {strides = array<i32>} : memref<128x256xf32, #tpu.memory_space<vmem>>, vector<1x16xf32>,
        %get3A_816 = vector.shape_cast %get3A_815 : vector<1x16xf32> to vector<16xf32>
        %lt3A_817 = arith.cmpf olt, %get3A_816, %scan3A_772 : vector<16xf32>
        %select_n3A_818 = arith.select %lt3A_817, %get3A_816, %scan3A_772 : vector<16xi1>, vector<16xf32>
        %select_n3A_819 = arith.select %lt3A_817, %scan3A_768, %scan3A_780 : vector<16xi1>, vector<16xi32>
        %get3A_820 = arith.index_cast %add3A_791 : i32 to index
        %get3A_821 = arith.constant 192 : index
        %get3A_822 = tpu.vector_load %arg6[%get3A_820, %get3A_821] {strides = array<i32>} : memref<128x256xf32, #tpu.memory_space<vmem>>, vector<1x16xf32>,
        %get3A_823 = vector.shape_cast %get3A_822 : vector<1x16xf32> to vector<16xf32>
        %lt3A_824 = arith.cmpf olt, %get3A_823, %scan3A_773 : vector<16xf32>
        %select_n3A_825 = arith.select %lt3A_824, %get3A_823, %scan3A_773 : vector<16xi1>, vector<16xf32>
        %select_n3A_826 = arith.select %lt3A_824, %scan3A_768, %scan3A_781 : vector<16xi1>, vector<16xi32>
        %get3A_827 = arith.index_cast %add3A_791 : i32 to index
        %get3A_828 = arith.constant 208 : index
        %get3A_829 = tpu.vector_load %arg6[%get3A_827, %get3A_828] {strides = array<i32>} : memref<128x256xf32, #tpu.memory_space<vmem>>, vector<1x16xf32>,
        %get3A_830 = vector.shape_cast %get3A_829 : vector<1x16xf32> to vector<16xf32>
        %lt3A_831 = arith.cmpf olt, %get3A_830, %scan3A_774 : vector<16xf32>
        %select_n3A_832 = arith.select %lt3A_831, %get3A_830, %scan3A_774 : vector<16xi1>, vector<16xf32>
        %select_n3A_833 = arith.select %lt3A_831, %scan3A_768, %scan3A_782 : vector<16xi1>, vector<16xi32>
        %get3A_834 = arith.index_cast %add3A_791 : i32 to index
        %get3A_835 = arith.constant 224 : index
        %get3A_836 = tpu.vector_load %arg6[%get3A_834, %get3A_835] {strides = array<i32>} : memref<128x256xf32, #tpu.memory_space<vmem>>, vector<1x16xf32>,
        %get3A_837 = vector.shape_cast %get3A_836 : vector<1x16xf32> to vector<16xf32>
        %lt3A_838 = arith.cmpf olt, %get3A_837, %scan3A_775 : vector<16xf32>
        %select_n3A_839 = arith.select %lt3A_838, %get3A_837, %scan3A_775 : vector<16xi1>, vector<16xf32>
        %select_n3A_840 = arith.select %lt3A_838, %scan3A_768, %scan3A_783 : vector<16xi1>, vector<16xi32>
        %get3A_841 = arith.index_cast %add3A_791 : i32 to index
        %get3A_842 = arith.constant 240 : index
        %get3A_843 = tpu.vector_load %arg6[%get3A_841, %get3A_842] {strides = array<i32>} : memref<128x256xf32, #tpu.memory_space<vmem>>, vector<1x16xf32>,
        %get3A_844 = vector.shape_cast %get3A_843 : vector<1x16xf32> to vector<16xf32>
        %lt3A_845 = arith.cmpf olt, %get3A_844, %scan3A_776 : vector<16xf32>
        %select_n3A_846 = arith.select %lt3A_845, %get3A_844, %scan3A_776 : vector<16xi1>, vector<16xf32>
        %select_n3A_847 = arith.select %lt3A_845, %scan3A_768, %scan3A_784 : vector<16xi1>, vector<16xi32>
        %mul3A_848 = arith.constant 4 : i32
        %mul3A_849 = arith.muli %scan3A_767, %mul3A_848 : i32
        %add3A_850 = arith.constant 1 : i32
        %add3A_851 = arith.addi %mul3A_849, %add3A_850 : i32
        %get3A_852 = arith.index_cast %add3A_851 : i32 to index
        %get3A_853 = arith.constant 128 : index
        %get3A_854 = tpu.vector_load %arg6[%get3A_852, %get3A_853] {strides = array<i32>} : memref<128x256xf32, #tpu.memory_space<vmem>>, vector<1x16xf32>,
        %get3A_855 = vector.shape_cast %get3A_854 : vector<1x16xf32> to vector<16xf32>
        %lt3A_856 = arith.cmpf olt, %get3A_855, %select_n3A_797 : vector<16xf32>
        %select_n3A_857 = arith.select %lt3A_856, %get3A_855, %select_n3A_797 : vector<16xi1>, vector<16xf32>
        %select_n3A_858 = arith.select %lt3A_856, %add3A_785, %select_n3A_798 : vector<16xi1>, vector<16xi32>
        %get3A_859 = arith.index_cast %add3A_851 : i32 to index
        %get3A_860 = arith.constant 144 : index
        %get3A_861 = tpu.vector_load %arg6[%get3A_859, %get3A_860] {strides = array<i32>} : memref<128x256xf32, #tpu.memory_space<vmem>>, vector<1x16xf32>,
        %get3A_862 = vector.shape_cast %get3A_861 : vector<1x16xf32> to vector<16xf32>
        %lt3A_863 = arith.cmpf olt, %get3A_862, %select_n3A_804 : vector<16xf32>
        %select_n3A_864 = arith.select %lt3A_863, %get3A_862, %select_n3A_804 : vector<16xi1>, vector<16xf32>
        %select_n3A_865 = arith.select %lt3A_863, %add3A_785, %select_n3A_805 : vector<16xi1>, vector<16xi32>
        %get3A_866 = arith.index_cast %add3A_851 : i32 to index
        %get3A_867 = arith.constant 160 : index
        %get3A_868 = tpu.vector_load %arg6[%get3A_866, %get3A_867] {strides = array<i32>} : memref<128x256xf32, #tpu.memory_space<vmem>>, vector<1x16xf32>,
        %get3A_869 = vector.shape_cast %get3A_868 : vector<1x16xf32> to vector<16xf32>
        %lt3A_870 = arith.cmpf olt, %get3A_869, %select_n3A_811 : vector<16xf32>
        %select_n3A_871 = arith.select %lt3A_870, %get3A_869, %select_n3A_811 : vector<16xi1>, vector<16xf32>
        %select_n3A_872 = arith.select %lt3A_870, %add3A_785, %select_n3A_812 : vector<16xi1>, vector<16xi32>
        %get3A_873 = arith.index_cast %add3A_851 : i32 to index
        %get3A_874 = arith.constant 176 : index
        %get3A_875 = tpu.vector_load %arg6[%get3A_873, %get3A_874] {strides = array<i32>} : memref<128x256xf32, #tpu.memory_space<vmem>>, vector<1x16xf32>,
        %get3A_876 = vector.shape_cast %get3A_875 : vector<1x16xf32> to vector<16xf32>
        %lt3A_877 = arith.cmpf olt, %get3A_876, %select_n3A_818 : vector<16xf32>
        %select_n3A_878 = arith.select %lt3A_877, %get3A_876, %select_n3A_818 : vector<16xi1>, vector<16xf32>
        %select_n3A_879 = arith.select %lt3A_877, %add3A_785, %select_n3A_819 : vector<16xi1>, vector<16xi32>
        %get3A_880 = arith.index_cast %add3A_851 : i32 to index
        %get3A_881 = arith.constant 192 : index
        %get3A_882 = tpu.vector_load %arg6[%get3A_880, %get3A_881] {strides = array<i32>} : memref<128x256xf32, #tpu.memory_space<vmem>>, vector<1x16xf32>,
        %get3A_883 = vector.shape_cast %get3A_882 : vector<1x16xf32> to vector<16xf32>
        %lt3A_884 = arith.cmpf olt, %get3A_883, %select_n3A_825 : vector<16xf32>
        %select_n3A_885 = arith.select %lt3A_884, %get3A_883, %select_n3A_825 : vector<16xi1>, vector<16xf32>
        %select_n3A_886 = arith.select %lt3A_884, %add3A_785, %select_n3A_826 : vector<16xi1>, vector<16xi32>
        %get3A_887 = arith.index_cast %add3A_851 : i32 to index
        %get3A_888 = arith.constant 208 : index
        %get3A_889 = tpu.vector_load %arg6[%get3A_887, %get3A_888] {strides = array<i32>} : memref<128x256xf32, #tpu.memory_space<vmem>>, vector<1x16xf32>,
        %get3A_890 = vector.shape_cast %get3A_889 : vector<1x16xf32> to vector<16xf32>
        %lt3A_891 = arith.cmpf olt, %get3A_890, %select_n3A_832 : vector<16xf32>
        %select_n3A_892 = arith.select %lt3A_891, %get3A_890, %select_n3A_832 : vector<16xi1>, vector<16xf32>
        %select_n3A_893 = arith.select %lt3A_891, %add3A_785, %select_n3A_833 : vector<16xi1>, vector<16xi32>
        %get3A_894 = arith.index_cast %add3A_851 : i32 to index
        %get3A_895 = arith.constant 224 : index
        %get3A_896 = tpu.vector_load %arg6[%get3A_894, %get3A_895] {strides = array<i32>} : memref<128x256xf32, #tpu.memory_space<vmem>>, vector<1x16xf32>,
        %get3A_897 = vector.shape_cast %get3A_896 : vector<1x16xf32> to vector<16xf32>
        %lt3A_898 = arith.cmpf olt, %get3A_897, %select_n3A_839 : vector<16xf32>
        %select_n3A_899 = arith.select %lt3A_898, %get3A_897, %select_n3A_839 : vector<16xi1>, vector<16xf32>
        %select_n3A_900 = arith.select %lt3A_898, %add3A_785, %select_n3A_840 : vector<16xi1>, vector<16xi32>
        %get3A_901 = arith.index_cast %add3A_851 : i32 to index
        %get3A_902 = arith.constant 240 : index
        %get3A_903 = tpu.vector_load %arg6[%get3A_901, %get3A_902] {strides = array<i32>} : memref<128x256xf32, #tpu.memory_space<vmem>>, vector<1x16xf32>,
        %get3A_904 = vector.shape_cast %get3A_903 : vector<1x16xf32> to vector<16xf32>
        %lt3A_905 = arith.cmpf olt, %get3A_904, %select_n3A_846 : vector<16xf32>
        %select_n3A_906 = arith.select %lt3A_905, %get3A_904, %select_n3A_846 : vector<16xi1>, vector<16xf32>
        %select_n3A_907 = arith.select %lt3A_905, %add3A_785, %select_n3A_847 : vector<16xi1>, vector<16xi32>
        %mul3A_908 = arith.constant 4 : i32
        %mul3A_909 = arith.muli %scan3A_767, %mul3A_908 : i32
        %add3A_910 = arith.constant 2 : i32
        %add3A_911 = arith.addi %mul3A_909, %add3A_910 : i32
        %get3A_912 = arith.index_cast %add3A_911 : i32 to index
        %get3A_913 = arith.constant 128 : index
        %get3A_914 = tpu.vector_load %arg6[%get3A_912, %get3A_913] {strides = array<i32>} : memref<128x256xf32, #tpu.memory_space<vmem>>, vector<1x16xf32>,
        %get3A_915 = vector.shape_cast %get3A_914 : vector<1x16xf32> to vector<16xf32>
        %lt3A_916 = arith.cmpf olt, %get3A_915, %select_n3A_857 : vector<16xf32>
        %select_n3A_917 = arith.select %lt3A_916, %get3A_915, %select_n3A_857 : vector<16xi1>, vector<16xf32>
        %select_n3A_918 = arith.select %lt3A_916, %add3A_786, %select_n3A_858 : vector<16xi1>, vector<16xi32>
        %get3A_919 = arith.index_cast %add3A_911 : i32 to index
        %get3A_920 = arith.constant 144 : index
        %get3A_921 = tpu.vector_load %arg6[%get3A_919, %get3A_920] {strides = array<i32>} : memref<128x256xf32, #tpu.memory_space<vmem>>, vector<1x16xf32>,
        %get3A_922 = vector.shape_cast %get3A_921 : vector<1x16xf32> to vector<16xf32>
        %lt3A_923 = arith.cmpf olt, %get3A_922, %select_n3A_864 : vector<16xf32>
        %select_n3A_924 = arith.select %lt3A_923, %get3A_922, %select_n3A_864 : vector<16xi1>, vector<16xf32>
        %select_n3A_925 = arith.select %lt3A_923, %add3A_786, %select_n3A_865 : vector<16xi1>, vector<16xi32>
        %get3A_926 = arith.index_cast %add3A_911 : i32 to index
        %get3A_927 = arith.constant 160 : index
        %get3A_928 = tpu.vector_load %arg6[%get3A_926, %get3A_927] {strides = array<i32>} : memref<128x256xf32, #tpu.memory_space<vmem>>, vector<1x16xf32>,
        %get3A_929 = vector.shape_cast %get3A_928 : vector<1x16xf32> to vector<16xf32>
        %lt3A_930 = arith.cmpf olt, %get3A_929, %select_n3A_871 : vector<16xf32>
        %select_n3A_931 = arith.select %lt3A_930, %get3A_929, %select_n3A_871 : vector<16xi1>, vector<16xf32>
        %select_n3A_932 = arith.select %lt3A_930, %add3A_786, %select_n3A_872 : vector<16xi1>, vector<16xi32>
        %get3A_933 = arith.index_cast %add3A_911 : i32 to index
        %get3A_934 = arith.constant 176 : index
        %get3A_935 = tpu.vector_load %arg6[%get3A_933, %get3A_934] {strides = array<i32>} : memref<128x256xf32, #tpu.memory_space<vmem>>, vector<1x16xf32>,
        %get3A_936 = vector.shape_cast %get3A_935 : vector<1x16xf32> to vector<16xf32>
        %lt3A_937 = arith.cmpf olt, %get3A_936, %select_n3A_878 : vector<16xf32>
        %select_n3A_938 = arith.select %lt3A_937, %get3A_936, %select_n3A_878 : vector<16xi1>, vector<16xf32>
        %select_n3A_939 = arith.select %lt3A_937, %add3A_786, %select_n3A_879 : vector<16xi1>, vector<16xi32>
        %get3A_940 = arith.index_cast %add3A_911 : i32 to index
        %get3A_941 = arith.constant 192 : index
        %get3A_942 = tpu.vector_load %arg6[%get3A_940, %get3A_941] {strides = array<i32>} : memref<128x256xf32, #tpu.memory_space<vmem>>, vector<1x16xf32>,
        %get3A_943 = vector.shape_cast %get3A_942 : vector<1x16xf32> to vector<16xf32>
        %lt3A_944 = arith.cmpf olt, %get3A_943, %select_n3A_885 : vector<16xf32>
        %select_n3A_945 = arith.select %lt3A_944, %get3A_943, %select_n3A_885 : vector<16xi1>, vector<16xf32>
        %select_n3A_946 = arith.select %lt3A_944, %add3A_786, %select_n3A_886 : vector<16xi1>, vector<16xi32>
        %get3A_947 = arith.index_cast %add3A_911 : i32 to index
        %get3A_948 = arith.constant 208 : index
        %get3A_949 = tpu.vector_load %arg6[%get3A_947, %get3A_948] {strides = array<i32>} : memref<128x256xf32, #tpu.memory_space<vmem>>, vector<1x16xf32>,
        %get3A_950 = vector.shape_cast %get3A_949 : vector<1x16xf32> to vector<16xf32>
        %lt3A_951 = arith.cmpf olt, %get3A_950, %select_n3A_892 : vector<16xf32>
        %select_n3A_952 = arith.select %lt3A_951, %get3A_950, %select_n3A_892 : vector<16xi1>, vector<16xf32>
        %select_n3A_953 = arith.select %lt3A_951, %add3A_786, %select_n3A_893 : vector<16xi1>, vector<16xi32>
        %get3A_954 = arith.index_cast %add3A_911 : i32 to index
        %get3A_955 = arith.constant 224 : index
        %get3A_956 = tpu.vector_load %arg6[%get3A_954, %get3A_955] {strides = array<i32>} : memref<128x256xf32, #tpu.memory_space<vmem>>, vector<1x16xf32>,
        %get3A_957 = vector.shape_cast %get3A_956 : vector<1x16xf32> to vector<16xf32>
        %lt3A_958 = arith.cmpf olt, %get3A_957, %select_n3A_899 : vector<16xf32>
        %select_n3A_959 = arith.select %lt3A_958, %get3A_957, %select_n3A_899 : vector<16xi1>, vector<16xf32>
        %select_n3A_960 = arith.select %lt3A_958, %add3A_786, %select_n3A_900 : vector<16xi1>, vector<16xi32>
        %get3A_961 = arith.index_cast %add3A_911 : i32 to index
        %get3A_962 = arith.constant 240 : index
        %get3A_963 = tpu.vector_load %arg6[%get3A_961, %get3A_962] {strides = array<i32>} : memref<128x256xf32, #tpu.memory_space<vmem>>, vector<1x16xf32>,
        %get3A_964 = vector.shape_cast %get3A_963 : vector<1x16xf32> to vector<16xf32>
        %lt3A_965 = arith.cmpf olt, %get3A_964, %select_n3A_906 : vector<16xf32>
        %select_n3A_966 = arith.select %lt3A_965, %get3A_964, %select_n3A_906 : vector<16xi1>, vector<16xf32>
        %select_n3A_967 = arith.select %lt3A_965, %add3A_786, %select_n3A_907 : vector<16xi1>, vector<16xi32>
        %mul3A_968 = arith.constant 4 : i32
        %mul3A_969 = arith.muli %scan3A_767, %mul3A_968 : i32
        %add3A_970 = arith.constant 3 : i32
        %add3A_971 = arith.addi %mul3A_969, %add3A_970 : i32
        %get3A_972 = arith.index_cast %add3A_971 : i32 to index
        %get3A_973 = arith.constant 128 : index
        %get3A_974 = tpu.vector_load %arg6[%get3A_972, %get3A_973] {strides = array<i32>} : memref<128x256xf32, #tpu.memory_space<vmem>>, vector<1x16xf32>,
        %get3A_975 = vector.shape_cast %get3A_974 : vector<1x16xf32> to vector<16xf32>
        %lt3A_976 = arith.cmpf olt, %get3A_975, %select_n3A_917 : vector<16xf32>
        %select_n3A_977 = arith.select %lt3A_976, %get3A_975, %select_n3A_917 : vector<16xi1>, vector<16xf32>
        %select_n3A_978 = arith.select %lt3A_976, %add3A_787, %select_n3A_918 : vector<16xi1>, vector<16xi32>
        %get3A_979 = arith.index_cast %add3A_971 : i32 to index
        %get3A_980 = arith.constant 144 : index
        %get3A_981 = tpu.vector_load %arg6[%get3A_979, %get3A_980] {strides = array<i32>} : memref<128x256xf32, #tpu.memory_space<vmem>>, vector<1x16xf32>,
        %get3A_982 = vector.shape_cast %get3A_981 : vector<1x16xf32> to vector<16xf32>
        %lt3A_983 = arith.cmpf olt, %get3A_982, %select_n3A_924 : vector<16xf32>
        %select_n3A_984 = arith.select %lt3A_983, %get3A_982, %select_n3A_924 : vector<16xi1>, vector<16xf32>
        %select_n3A_985 = arith.select %lt3A_983, %add3A_787, %select_n3A_925 : vector<16xi1>, vector<16xi32>
        %get3A_986 = arith.index_cast %add3A_971 : i32 to index
        %get3A_987 = arith.constant 160 : index
        %get3A_988 = tpu.vector_load %arg6[%get3A_986, %get3A_987] {strides = array<i32>} : memref<128x256xf32, #tpu.memory_space<vmem>>, vector<1x16xf32>,
        %get3A_989 = vector.shape_cast %get3A_988 : vector<1x16xf32> to vector<16xf32>
        %lt3A_990 = arith.cmpf olt, %get3A_989, %select_n3A_931 : vector<16xf32>
        %select_n3A_991 = arith.select %lt3A_990, %get3A_989, %select_n3A_931 : vector<16xi1>, vector<16xf32>
        %select_n3A_992 = arith.select %lt3A_990, %add3A_787, %select_n3A_932 : vector<16xi1>, vector<16xi32>
        %get3A_993 = arith.index_cast %add3A_971 : i32 to index
        %get3A_994 = arith.constant 176 : index
        %get3A_995 = tpu.vector_load %arg6[%get3A_993, %get3A_994] {strides = array<i32>} : memref<128x256xf32, #tpu.memory_space<vmem>>, vector<1x16xf32>,
        %get3A_996 = vector.shape_cast %get3A_995 : vector<1x16xf32> to vector<16xf32>
        %lt3A_997 = arith.cmpf olt, %get3A_996, %select_n3A_938 : vector<16xf32>
        %select_n3A_998 = arith.select %lt3A_997, %get3A_996, %select_n3A_938 : vector<16xi1>, vector<16xf32>
        %select_n3A_999 = arith.select %lt3A_997, %add3A_787, %select_n3A_939 : vector<16xi1>, vector<16xi32>
        %get3A_1000 = arith.index_cast %add3A_971 : i32 to index
        %get3A_1001 = arith.constant 192 : index
        %get3A_1002 = tpu.vector_load %arg6[%get3A_1000, %get3A_1001] {strides = array<i32>} : memref<128x256xf32, #tpu.memory_space<vmem>>, vector<1x16xf32>,
        %get3A_1003 = vector.shape_cast %get3A_1002 : vector<1x16xf32> to vector<16xf32>
        %lt3A_1004 = arith.cmpf olt, %get3A_1003, %select_n3A_945 : vector<16xf32>
        %select_n3A_1005 = arith.select %lt3A_1004, %get3A_1003, %select_n3A_945 : vector<16xi1>, vector<16xf32>
        %select_n3A_1006 = arith.select %lt3A_1004, %add3A_787, %select_n3A_946 : vector<16xi1>, vector<16xi32>
        %get3A_1007 = arith.index_cast %add3A_971 : i32 to index
        %get3A_1008 = arith.constant 208 : index
        %get3A_1009 = tpu.vector_load %arg6[%get3A_1007, %get3A_1008] {strides = array<i32>} : memref<128x256xf32, #tpu.memory_space<vmem>>, vector<1x16xf32>,
        %get3A_1010 = vector.shape_cast %get3A_1009 : vector<1x16xf32> to vector<16xf32>
        %lt3A_1011 = arith.cmpf olt, %get3A_1010, %select_n3A_952 : vector<16xf32>
        %select_n3A_1012 = arith.select %lt3A_1011, %get3A_1010, %select_n3A_952 : vector<16xi1>, vector<16xf32>
        %select_n3A_1013 = arith.select %lt3A_1011, %add3A_787, %select_n3A_953 : vector<16xi1>, vector<16xi32>
        %get3A_1014 = arith.index_cast %add3A_971 : i32 to index
        %get3A_1015 = arith.constant 224 : index
        %get3A_1016 = tpu.vector_load %arg6[%get3A_1014, %get3A_1015] {strides = array<i32>} : memref<128x256xf32, #tpu.memory_space<vmem>>, vector<1x16xf32>,
        %get3A_1017 = vector.shape_cast %get3A_1016 : vector<1x16xf32> to vector<16xf32>
        %lt3A_1018 = arith.cmpf olt, %get3A_1017, %select_n3A_959 : vector<16xf32>
        %select_n3A_1019 = arith.select %lt3A_1018, %get3A_1017, %select_n3A_959 : vector<16xi1>, vector<16xf32>
        %select_n3A_1020 = arith.select %lt3A_1018, %add3A_787, %select_n3A_960 : vector<16xi1>, vector<16xi32>
        %get3A_1021 = arith.index_cast %add3A_971 : i32 to index
        %get3A_1022 = arith.constant 240 : index
        %get3A_1023 = tpu.vector_load %arg6[%get3A_1021, %get3A_1022] {strides = array<i32>} : memref<128x256xf32, #tpu.memory_space<vmem>>, vector<1x16xf32>,
        %get3A_1024 = vector.shape_cast %get3A_1023 : vector<1x16xf32> to vector<16xf32>
        %lt3A_1025 = arith.cmpf olt, %get3A_1024, %select_n3A_966 : vector<16xf32>
        %select_n3A_1026 = arith.select %lt3A_1025, %get3A_1024, %select_n3A_966 : vector<16xi1>, vector<16xf32>
        %select_n3A_1027 = arith.select %lt3A_1025, %add3A_787, %select_n3A_967 : vector<16xi1>, vector<16xi32>
        %add3A_1028 = arith.addi %scan3A_768, %broadcast_in_dim3A_230 : vector<16xi32>
        scf.yield %add3A_1028, %select_n3A_977, %select_n3A_984, %select_n3A_991, %select_n3A_998, %select_n3A_1005, %select_n3A_1012, %select_n3A_1019, %select_n3A_1026, %select_n3A_978, %select_n3A_985, %select_n3A_992, %select_n3A_999, %select_n3A_1006, %select_n3A_1013, %select_n3A_1020, %select_n3A_1027 : vector<16xi32>, vector<16xf32>, vector<16xf32>, vector<16xf32>, vector<16xf32>, vector<16xf32>, vector<16xf32>, vector<16xf32>, vector<16xf32>, vector<16xi32>, vector<16xi32>, vector<16xi32>, vector<16xi32>, vector<16xi32>, vector<16xi32>, vector<16xi32>, vector<16xi32>
      }
      %scan3A_701 = arith.constant 32 : i32
      %swap3A_702 = arith.constant 128 : index
      %swap3A_703 = tpu.vector_load %arg7[%swap3A_702] {strides = array<i32>} : memref<256xf32, #tpu.memory_space<vmem>>, vector<16xf32>,
      %swap3A_704 = vector.shape_cast %swap3A_703 : vector<16xf32> to vector<16xf32>
      %swap3A_705 = vector.shape_cast %scan3A_700#1 : vector<16xf32> to vector<16xf32>
      tpu.vector_store %arg7[%swap3A_702], %swap3A_705 {strides = array<i32>} : memref<256xf32, #tpu.memory_space<vmem>>, vector<16xf32>,
      %swap3A_706 = arith.constant 128 : index
      %swap3A_707 = tpu.vector_load %arg8[%swap3A_706] {strides = array<i32>} : memref<256xi32, #tpu.memory_space<vmem>>, vector<16xi32>,
      %swap3A_708 = vector.shape_cast %swap3A_707 : vector<16xi32> to vector<16xi32>
      %swap3A_709 = vector.shape_cast %scan3A_700#9 : vector<16xi32> to vector<16xi32>
      tpu.vector_store %arg8[%swap3A_706], %swap3A_709 {strides = array<i32>} : memref<256xi32, #tpu.memory_space<vmem>>, vector<16xi32>,
      %swap3A_710 = arith.constant 144 : index
      %swap3A_711 = tpu.vector_load %arg7[%swap3A_710] {strides = array<i32>} : memref<256xf32, #tpu.memory_space<vmem>>, vector<16xf32>,
      %swap3A_712 = vector.shape_cast %swap3A_711 : vector<16xf32> to vector<16xf32>
      %swap3A_713 = vector.shape_cast %scan3A_700#2 : vector<16xf32> to vector<16xf32>
      tpu.vector_store %arg7[%swap3A_710], %swap3A_713 {strides = array<i32>} : memref<256xf32, #tpu.memory_space<vmem>>, vector<16xf32>,
      %swap3A_714 = arith.constant 144 : index
      %swap3A_715 = tpu.vector_load %arg8[%swap3A_714] {strides = array<i32>} : memref<256xi32, #tpu.memory_space<vmem>>, vector<16xi32>,
      %swap3A_716 = vector.shape_cast %swap3A_715 : vector<16xi32> to vector<16xi32>
      %swap3A_717 = vector.shape_cast %scan3A_700#10 : vector<16xi32> to vector<16xi32>
      tpu.vector_store %arg8[%swap3A_714], %swap3A_717 {strides = array<i32>} : memref<256xi32, #tpu.memory_space<vmem>>, vector<16xi32>,
      %swap3A_718 = arith.constant 160 : index
      %swap3A_719 = tpu.vector_load %arg7[%swap3A_718] {strides = array<i32>} : memref<256xf32, #tpu.memory_space<vmem>>, vector<16xf32>,
      %swap3A_720 = vector.shape_cast %swap3A_719 : vector<16xf32> to vector<16xf32>
      %swap3A_721 = vector.shape_cast %scan3A_700#3 : vector<16xf32> to vector<16xf32>
      tpu.vector_store %arg7[%swap3A_718], %swap3A_721 {strides = array<i32>} : memref<256xf32, #tpu.memory_space<vmem>>, vector<16xf32>,
      %swap3A_722 = arith.constant 160 : index
      %swap3A_723 = tpu.vector_load %arg8[%swap3A_722] {strides = array<i32>} : memref<256xi32, #tpu.memory_space<vmem>>, vector<16xi32>,
      %swap3A_724 = vector.shape_cast %swap3A_723 : vector<16xi32> to vector<16xi32>
      %swap3A_725 = vector.shape_cast %scan3A_700#11 : vector<16xi32> to vector<16xi32>
      tpu.vector_store %arg8[%swap3A_722], %swap3A_725 {strides = array<i32>} : memref<256xi32, #tpu.memory_space<vmem>>, vector<16xi32>,
      %swap3A_726 = arith.constant 176 : index
      %swap3A_727 = tpu.vector_load %arg7[%swap3A_726] {strides = array<i32>} : memref<256xf32, #tpu.memory_space<vmem>>, vector<16xf32>,
      %swap3A_728 = vector.shape_cast %swap3A_727 : vector<16xf32> to vector<16xf32>
      %swap3A_729 = vector.shape_cast %scan3A_700#4 : vector<16xf32> to vector<16xf32>
      tpu.vector_store %arg7[%swap3A_726], %swap3A_729 {strides = array<i32>} : memref<256xf32, #tpu.memory_space<vmem>>, vector<16xf32>,
      %swap3A_730 = arith.constant 176 : index
      %swap3A_731 = tpu.vector_load %arg8[%swap3A_730] {strides = array<i32>} : memref<256xi32, #tpu.memory_space<vmem>>, vector<16xi32>,
      %swap3A_732 = vector.shape_cast %swap3A_731 : vector<16xi32> to vector<16xi32>
      %swap3A_733 = vector.shape_cast %scan3A_700#12 : vector<16xi32> to vector<16xi32>
      tpu.vector_store %arg8[%swap3A_730], %swap3A_733 {strides = array<i32>} : memref<256xi32, #tpu.memory_space<vmem>>, vector<16xi32>,
      %swap3A_734 = arith.constant 192 : index
      %swap3A_735 = tpu.vector_load %arg7[%swap3A_734] {strides = array<i32>} : memref<256xf32, #tpu.memory_space<vmem>>, vector<16xf32>,
      %swap3A_736 = vector.shape_cast %swap3A_735 : vector<16xf32> to vector<16xf32>
      %swap3A_737 = vector.shape_cast %scan3A_700#5 : vector<16xf32> to vector<16xf32>
      tpu.vector_store %arg7[%swap3A_734], %swap3A_737 {strides = array<i32>} : memref<256xf32, #tpu.memory_space<vmem>>, vector<16xf32>,
      %swap3A_738 = arith.constant 192 : index
      %swap3A_739 = tpu.vector_load %arg8[%swap3A_738] {strides = array<i32>} : memref<256xi32, #tpu.memory_space<vmem>>, vector<16xi32>,
      %swap3A_740 = vector.shape_cast %swap3A_739 : vector<16xi32> to vector<16xi32>
      %swap3A_741 = vector.shape_cast %scan3A_700#13 : vector<16xi32> to vector<16xi32>
      tpu.vector_store %arg8[%swap3A_738], %swap3A_741 {strides = array<i32>} : memref<256xi32, #tpu.memory_space<vmem>>, vector<16xi32>,
      %swap3A_742 = arith.constant 208 : index
      %swap3A_743 = tpu.vector_load %arg7[%swap3A_742] {strides = array<i32>} : memref<256xf32, #tpu.memory_space<vmem>>, vector<16xf32>,
      %swap3A_744 = vector.shape_cast %swap3A_743 : vector<16xf32> to vector<16xf32>
      %swap3A_745 = vector.shape_cast %scan3A_700#6 : vector<16xf32> to vector<16xf32>
      tpu.vector_store %arg7[%swap3A_742], %swap3A_745 {strides = array<i32>} : memref<256xf32, #tpu.memory_space<vmem>>, vector<16xf32>,
      %swap3A_746 = arith.constant 208 : index
      %swap3A_747 = tpu.vector_load %arg8[%swap3A_746] {strides = array<i32>} : memref<256xi32, #tpu.memory_space<vmem>>, vector<16xi32>,
      %swap3A_748 = vector.shape_cast %swap3A_747 : vector<16xi32> to vector<16xi32>
      %swap3A_749 = vector.shape_cast %scan3A_700#14 : vector<16xi32> to vector<16xi32>
      tpu.vector_store %arg8[%swap3A_746], %swap3A_749 {strides = array<i32>} : memref<256xi32, #tpu.memory_space<vmem>>, vector<16xi32>,
      %swap3A_750 = arith.constant 224 : index
      %swap3A_751 = tpu.vector_load %arg7[%swap3A_750] {strides = array<i32>} : memref<256xf32, #tpu.memory_space<vmem>>, vector<16xf32>,
      %swap3A_752 = vector.shape_cast %swap3A_751 : vector<16xf32> to vector<16xf32>
      %swap3A_753 = vector.shape_cast %scan3A_700#7 : vector<16xf32> to vector<16xf32>
      tpu.vector_store %arg7[%swap3A_750], %swap3A_753 {strides = array<i32>} : memref<256xf32, #tpu.memory_space<vmem>>, vector<16xf32>,
      %swap3A_754 = arith.constant 224 : index
      %swap3A_755 = tpu.vector_load %arg8[%swap3A_754] {strides = array<i32>} : memref<256xi32, #tpu.memory_space<vmem>>, vector<16xi32>,
      %swap3A_756 = vector.shape_cast %swap3A_755 : vector<16xi32> to vector<16xi32>
      %swap3A_757 = vector.shape_cast %scan3A_700#15 : vector<16xi32> to vector<16xi32>
      tpu.vector_store %arg8[%swap3A_754], %swap3A_757 {strides = array<i32>} : memref<256xi32, #tpu.memory_space<vmem>>, vector<16xi32>,
      %swap3A_758 = arith.constant 240 : index
      %swap3A_759 = tpu.vector_load %arg7[%swap3A_758] {strides = array<i32>} : memref<256xf32, #tpu.memory_space<vmem>>, vector<16xf32>,
      %swap3A_760 = vector.shape_cast %swap3A_759 : vector<16xf32> to vector<16xf32>
      %swap3A_761 = vector.shape_cast %scan3A_700#8 : vector<16xf32> to vector<16xf32>
      tpu.vector_store %arg7[%swap3A_758], %swap3A_761 {strides = array<i32>} : memref<256xf32, #tpu.memory_space<vmem>>, vector<16xf32>,
      %swap3A_762 = arith.constant 240 : index
      %swap3A_763 = tpu.vector_load %arg8[%swap3A_762] {strides = array<i32>} : memref<256xi32, #tpu.memory_space<vmem>>, vector<16xi32>,
      %swap3A_764 = vector.shape_cast %swap3A_763 : vector<16xi32> to vector<16xi32>
      %swap3A_765 = vector.shape_cast %scan3A_700#16 : vector<16xi32> to vector<16xi32>
      tpu.vector_store %arg8[%swap3A_762], %swap3A_765 {strides = array<i32>} : memref<256xi32, #tpu.memory_space<vmem>>, vector<16xi32>,
      %scan3A_766 = arith.constant 0 : i32
      scf.yield %scan3A_766 : i32
    }
    %scan3A_241 = arith.constant 7 : i32
    "tpu.region"() ({
      %run_scoped3A = tpu.sem_alloc : memref<!tpu.dma_semaphore, #tpu.memory_space<semaphore_mem>>
      %dma_start3A_242 = tpu.memref_slice %arg3[%select_n3A, %mul3A_32] : memref<4x2048xf32, #tpu.memory_space<hbm>> -> memref<1x256xf32, #tpu.memory_space<hbm>>
      %dma_start3A_243 = tpu.memref_squeeze %dma_start3A_242 : memref<1x256xf32, #tpu.memory_space<hbm>> -> memref<256xf32, #tpu.memory_space<hbm>>
      %dma_start3A_244 = tpu.memref_slice %arg3[%select_n3A, %mul3A_32] : memref<4x2048xf32, #tpu.memory_space<hbm>> -> memref<1x256xf32, #tpu.memory_space<hbm>>
      %dma_start3A_245 = tpu.memref_squeeze %dma_start3A_244 : memref<1x256xf32, #tpu.memory_space<hbm>> -> memref<256xf32, #tpu.memory_space<hbm>>
      tpu.enqueue_dma source(%arg7 : memref<256xf32, #tpu.memory_space<vmem>>) target(%dma_start3A_245 : memref<256xf32, #tpu.memory_space<hbm>>) target_semaphore(%run_scoped3A : memref<!tpu.dma_semaphore, #tpu.memory_space<semaphore_mem>>)
      %dma_wait3A = tpu.memref_slice %arg3[%select_n3A, %mul3A_32] : memref<4x2048xf32, #tpu.memory_space<hbm>> -> memref<1x256xf32, #tpu.memory_space<hbm>>
      %dma_wait3A_246 = tpu.memref_squeeze %dma_wait3A : memref<1x256xf32, #tpu.memory_space<hbm>> -> memref<256xf32, #tpu.memory_space<hbm>>
      %dma_wait3A_247 = tpu.memref_slice %arg3[%select_n3A, %mul3A_32] : memref<4x2048xf32, #tpu.memory_space<hbm>> -> memref<1x256xf32, #tpu.memory_space<hbm>>
      %dma_wait3A_248 = tpu.memref_squeeze %dma_wait3A_247 : memref<1x256xf32, #tpu.memory_space<hbm>> -> memref<256xf32, #tpu.memory_space<hbm>>
      tpu.wait_dma2 semaphore(%run_scoped3A : memref<!tpu.dma_semaphore, #tpu.memory_space<semaphore_mem>>) src(%arg7 : memref<256xf32, #tpu.memory_space<vmem>>) dst(%dma_wait3A_248 : memref<256xf32, #tpu.memory_space<hbm>>)
      tpu.yield
    }) : () -> ()
    "tpu.region"() ({
      %run_scoped3A = tpu.sem_alloc : memref<!tpu.dma_semaphore, #tpu.memory_space<semaphore_mem>>
      %dma_start3A_242 = tpu.memref_slice %arg4[%select_n3A, %mul3A_32] : memref<4x2048xi32, #tpu.memory_space<hbm>> -> memref<1x256xi32, #tpu.memory_space<hbm>>
      %dma_start3A_243 = tpu.memref_squeeze %dma_start3A_242 : memref<1x256xi32, #tpu.memory_space<hbm>> -> memref<256xi32, #tpu.memory_space<hbm>>
      %dma_start3A_244 = tpu.memref_slice %arg4[%select_n3A, %mul3A_32] : memref<4x2048xi32, #tpu.memory_space<hbm>> -> memref<1x256xi32, #tpu.memory_space<hbm>>
      %dma_start3A_245 = tpu.memref_squeeze %dma_start3A_244 : memref<1x256xi32, #tpu.memory_space<hbm>> -> memref<256xi32, #tpu.memory_space<hbm>>
      tpu.enqueue_dma source(%arg8 : memref<256xi32, #tpu.memory_space<vmem>>) target(%dma_start3A_245 : memref<256xi32, #tpu.memory_space<hbm>>) target_semaphore(%run_scoped3A : memref<!tpu.dma_semaphore, #tpu.memory_space<semaphore_mem>>)
      %dma_wait3A = tpu.memref_slice %arg4[%select_n3A, %mul3A_32] : memref<4x2048xi32, #tpu.memory_space<hbm>> -> memref<1x256xi32, #tpu.memory_space<hbm>>
      %dma_wait3A_246 = tpu.memref_squeeze %dma_wait3A : memref<1x256xi32, #tpu.memory_space<hbm>> -> memref<256xi32, #tpu.memory_space<hbm>>
      %dma_wait3A_247 = tpu.memref_slice %arg4[%select_n3A, %mul3A_32] : memref<4x2048xi32, #tpu.memory_space<hbm>> -> memref<1x256xi32, #tpu.memory_space<hbm>>
      %dma_wait3A_248 = tpu.memref_squeeze %dma_wait3A_247 : memref<1x256xi32, #tpu.memory_space<hbm>> -> memref<256xi32, #tpu.memory_space<hbm>>
      tpu.wait_dma2 semaphore(%run_scoped3A : memref<!tpu.dma_semaphore, #tpu.memory_space<semaphore_mem>>) src(%arg8 : memref<256xi32, #tpu.memory_space<vmem>>) dst(%dma_wait3A_248 : memref<256xi32, #tpu.memory_space<hbm>>)
      tpu.yield
    }) : () -> ()
    return
  }
}

module attributes {stable_mosaic.version = 14 : i64} {
  func.func @_tc_body(%arg0: i32, %arg1: i32, %arg2: i32, %arg3: memref<1x256x512xf32, #tpu.memory_space<vmem>>, %arg4: memref<1x1x512xf32, #tpu.memory_space<vmem>>, %arg5: memref<1x1x512xi32, #tpu.memory_space<vmem>>) attributes {dimension_semantics = [#tpu.dimension_semantics<arbitrary>, #tpu.dimension_semantics<arbitrary>, #tpu.dimension_semantics<arbitrary>], iteration_bounds = array<i64: 4, 4, 9>, scalar_prefetch = 0 : i64, scratch_operands = 0 : i64, tpu.core_type = #tpu.core_type<tc>, window_params = [{transform_indices = @transform_0, window_bounds = array<i64: 1, 256, 512>}, {transform_indices = @transform_1, window_bounds = array<i64: 1, 1, 512>}, {transform_indices = @transform_2, window_bounds = array<i64: 1, 1, 512>}]} {
    %get3A = arith.constant 0 : index
    %get3A_0 = arith.constant 0 : index
    %get3A_1 = arith.constant 0 : index
    %get3A_2 = vector.load %arg3[%get3A, %get3A_0, %get3A_1] : memref<1x256x512xf32, #tpu.memory_space<vmem>>, vector<1x256x512xf32>
    %get3A_3 = vector.shape_cast %get3A_2 : vector<1x256x512xf32> to vector<256x512xf32>
    %iota3A = tpu.iota {dimensions = array<i32: 0>} : vector<256x512xi32>
    %reduce_min3A = arith.constant dense<0x7F800000> : vector<512xf32>
    %reduce_min3A_4 = vector.multi_reduction <minimumf>, %get3A_3, %reduce_min3A [0] : vector<256x512xf32> to vector<512xf32>
    %broadcast_in_dim3A = vector.shape_cast %reduce_min3A_4 : vector<512xf32> to vector<1x512xf32>
    %eq3A = vector.broadcast %broadcast_in_dim3A : vector<1x512xf32> to vector<256x512xf32>
    %eq3A_5 = arith.cmpf oeq, %get3A_3, %eq3A : vector<256x512xf32>
    %jit3A = arith.constant 256 : i32
    %broadcast_in_dim3A_6 = vector.broadcast %jit3A : i32 to vector<256x512xi32>
    %select_n3A = arith.select %eq3A_5, %iota3A, %broadcast_in_dim3A_6 : vector<256x512xi1>, vector<256x512xi32>
    %reduce_min3A_7 = arith.constant dense<2147483647> : vector<512xi32>
    %reduce_min3A_8 = vector.multi_reduction <minsi>, %select_n3A, %reduce_min3A_7 [0] : vector<256x512xi32> to vector<512xi32>
    %broadcast_in_dim3A_9 = vector.shape_cast %reduce_min3A_8 : vector<512xi32> to vector<1x512xi32>
    %mul3A = arith.constant 256 : i32
    %mul3A_10 = arith.muli %arg2, %mul3A : i32
    %add3A = vector.broadcast %mul3A_10 : i32 to vector<1x512xi32>
    %add3A_11 = arith.addi %broadcast_in_dim3A_9, %add3A : vector<1x512xi32>
    %eq3A_12 = arith.constant 0 : i32
    %eq3A_13 = arith.cmpi eq, %arg2, %eq3A_12 : i32
    %convert_element_type3A = arith.extui %eq3A_13 : i1 to i32
    %cond3A = arith.constant 0 : i32
    %cond3A_14 = arith.cmpi ne, %convert_element_type3A, %cond3A : i32
    scf.if %cond3A_14 {
      %swap3A = arith.constant 0 : index
      %swap3A_19 = arith.constant 0 : index
      %swap3A_20 = arith.constant 0 : index
      %swap3A_21 = vector.load %arg4[%swap3A, %swap3A_19, %swap3A_20] : memref<1x1x512xf32, #tpu.memory_space<vmem>>, vector<1x1x512xf32>
      %swap3A_22 = vector.shape_cast %swap3A_21 : vector<1x1x512xf32> to vector<1x512xf32>
      %swap3A_23 = vector.shape_cast %broadcast_in_dim3A : vector<1x512xf32> to vector<1x1x512xf32>
      tpu.vector_store %arg4[%swap3A, %swap3A_19, %swap3A_20], %swap3A_23 {strides = array<i32>} : memref<1x1x512xf32, #tpu.memory_space<vmem>>, vector<1x1x512xf32>,
      %swap3A_24 = arith.constant 0 : index
      %swap3A_25 = arith.constant 0 : index
      %swap3A_26 = arith.constant 0 : index
      %swap3A_27 = vector.load %arg5[%swap3A_24, %swap3A_25, %swap3A_26] : memref<1x1x512xi32, #tpu.memory_space<vmem>>, vector<1x1x512xi32>
      %swap3A_28 = vector.shape_cast %swap3A_27 : vector<1x1x512xi32> to vector<1x512xi32>
      %swap3A_29 = vector.shape_cast %add3A_11 : vector<1x512xi32> to vector<1x1x512xi32>
      tpu.vector_store %arg5[%swap3A_24, %swap3A_25, %swap3A_26], %swap3A_29 {strides = array<i32>} : memref<1x1x512xi32, #tpu.memory_space<vmem>>, vector<1x1x512xi32>,
    } else {
    }
    %ne3A = arith.constant 0 : i32
    %ne3A_15 = arith.cmpi ne, %arg2, %ne3A : i32
    %convert_element_type3A_16 = arith.extui %ne3A_15 : i1 to i32
    %cond3A_17 = arith.constant 0 : i32
    %cond3A_18 = arith.cmpi ne, %convert_element_type3A_16, %cond3A_17 : i32
    scf.if %cond3A_18 {
      %get3A_19 = arith.constant 0 : index
      %get3A_20 = arith.constant 0 : index
      %get3A_21 = arith.constant 0 : index
      %get3A_22 = vector.load %arg4[%get3A_19, %get3A_20, %get3A_21] : memref<1x1x512xf32, #tpu.memory_space<vmem>>, vector<1x1x512xf32>
      %get3A_23 = vector.shape_cast %get3A_22 : vector<1x1x512xf32> to vector<1x512xf32>
      %lt3A = arith.cmpf olt, %broadcast_in_dim3A, %get3A_23 : vector<1x512xf32>
      %select_n3A_24 = arith.select %lt3A, %broadcast_in_dim3A, %get3A_23 : vector<1x512xi1>, vector<1x512xf32>
      %swap3A = arith.constant 0 : index
      %swap3A_25 = arith.constant 0 : index
      %swap3A_26 = arith.constant 0 : index
      %swap3A_27 = vector.load %arg4[%swap3A, %swap3A_25, %swap3A_26] : memref<1x1x512xf32, #tpu.memory_space<vmem>>, vector<1x1x512xf32>
      %swap3A_28 = vector.shape_cast %swap3A_27 : vector<1x1x512xf32> to vector<1x512xf32>
      %swap3A_29 = vector.shape_cast %select_n3A_24 : vector<1x512xf32> to vector<1x1x512xf32>
      tpu.vector_store %arg4[%swap3A, %swap3A_25, %swap3A_26], %swap3A_29 {strides = array<i32>} : memref<1x1x512xf32, #tpu.memory_space<vmem>>, vector<1x1x512xf32>,
      %get3A_30 = arith.constant 0 : index
      %get3A_31 = arith.constant 0 : index
      %get3A_32 = arith.constant 0 : index
      %get3A_33 = vector.load %arg5[%get3A_30, %get3A_31, %get3A_32] : memref<1x1x512xi32, #tpu.memory_space<vmem>>, vector<1x1x512xi32>
      %get3A_34 = vector.shape_cast %get3A_33 : vector<1x1x512xi32> to vector<1x512xi32>
      %select_n3A_35 = arith.select %lt3A, %add3A_11, %get3A_34 : vector<1x512xi1>, vector<1x512xi32>
      %swap3A_36 = arith.constant 0 : index
      %swap3A_37 = arith.constant 0 : index
      %swap3A_38 = arith.constant 0 : index
      %swap3A_39 = vector.load %arg5[%swap3A_36, %swap3A_37, %swap3A_38] : memref<1x1x512xi32, #tpu.memory_space<vmem>>, vector<1x1x512xi32>
      %swap3A_40 = vector.shape_cast %swap3A_39 : vector<1x1x512xi32> to vector<1x512xi32>
      %swap3A_41 = vector.shape_cast %select_n3A_35 : vector<1x512xi32> to vector<1x1x512xi32>
      tpu.vector_store %arg5[%swap3A_36, %swap3A_37, %swap3A_38], %swap3A_41 {strides = array<i32>} : memref<1x1x512xi32, #tpu.memory_space<vmem>>, vector<1x1x512xi32>,
    } else {
    }
    return
  }
  func.func @transform_0(%arg0: i32, %arg1: i32, %arg2: i32) -> (i32, i32, i32) {
    %c0_i32 = arith.constant 0 : i32
    return %arg0, %arg2, %arg1 : i32, i32, i32
  }
  func.func @transform_1(%arg0: i32, %arg1: i32, %arg2: i32) -> (i32, i32, i32) {
    %c0_i32 = arith.constant 0 : i32
    %c0_i32_0 = arith.constant 0 : i32
    return %arg0, %c0_i32, %arg1 : i32, i32, i32
  }
  func.func @transform_2(%arg0: i32, %arg1: i32, %arg2: i32) -> (i32, i32, i32) {
    %c0_i32 = arith.constant 0 : i32
    %c0_i32_0 = arith.constant 0 : i32
    return %arg0, %c0_i32, %arg1 : i32, i32, i32
  }
}

</mosaic_0001>

<sc_bundles>
// kernel: kernel.4.cloned.1.call-start
scs
__scs_entry_jumppad:
0x0: {  	(pc) =	sbr.rel $0x88, $3  }
0x1: {  	(tag) =	ssettag $0x0;
	lr =	simm.s32 $0x1  }
0x2: {  	[smem:$0x3FA0] =	sst lr;
	_ =	strace $0xD0000000  }
0x3: {  	_ = 	snop  }
0x4: {  	_ = 	snop  }
0x5: {  	_ = 	snop  }
0x6: {  	_ = 	snop  }
0x7: {  	_ = 	snop  }
__scs_overlays_trampoline_lowered:
0x8: {  	[smem:$0x3FAF] =	sst s0  }
0x9: {  	[smem:$0x3FB0] =	sst s1  }
0xa: {  	[smem:$0x3FB1] =	sst s2  }
0xb: {  	[smem:$0x3FB2] =	sst s3  }
0xc: {  	[smem:$0x3FB3] =	sst s4  }
0xd: {  	[smem:$0x3FB4] =	sst s5  }
0xe: {  	[smem:$0x3FB5] =	sst s6  }
0xf: {  	[smem:$0x3FB6] =	sst s7  }
0x10: {  	[smem:$0x3FB7] =	sst s8  }
0x11: {  	[smem:$0x3FB8] =	sst s9;
	s0 =	simm.s32 @!p0 $0x0  }
0x12: {  	s1 =	sld [smem:$0x3F9E];
	s0 =	simm.s32 @p0 $0x1  }
0x13: {  	[smem:$0x3FB9] =	sst s0;
	s0 =	simm.s32 @!p1 $0x0  }
0x14: {  	s2 =	sld [smem:$0x3F9D];
	s0 =	simm.s32 @p1 $0x1  }
0x15: {  	[smem:$0x3FBA] =	sst s0;
	s0 =	simm.s32 @!p2 $0x0  }
0x16: {  	s3 =	sld [smem:$0x3FDB];
	s0 =	simm.s32 @p2 $0x1  }
0x17: {  	s4 =	simm.s32 $0x1BF5;
	[smem:$0x3FBC] =	sst s0  }
0x18: {  	s0 =	sld [smem:$0x3F9F];
	_ =	swait.ge [sflag:s4], $0x0  }
0x19: {  	s7 =	sld [smem:$0x3FA0]  }
0x1a: {  	s8 =	sadd.s32 $0xFFFFE003, lr  }
0x1b: {  	s9 =	sadd.s32 $0xFFFFFEF7, lr;
	s5 =	simm.s32 $0xFFFFFFFF;
	p2 =	slt.u32 s8, $0xFFFFF086  }
0x1c: {  	p1 =	slt.u32 s9, $0xF7A;
	s5 =	simm.s32 @!p2 $0x0  }
0x1d: {  	s5 =	simm.s32 @p1 $0x1;
	p0 =	seq.s32 s7, s2  }
0x1e: {  	s7 =	smul.u32 @!p0 $0xF7A, s2;
	p2 =	seq.s32 @!p0 s5, $0x0  }
0x1f: {  	s9 =	smul.u32 $0xF7A, s1;
	s8 =	simm.s32 @!p0 $0x1BF5;
	p2 =	por !p2, p0  }
0x20: {  	[sflag:s8] =	ssyncset.s32 @!p0 $0xFFFFF086;
	s6 =	sadd.s32 @!p0 s3, s7;
	s7 =	simm.s32 @!p0 $0x108  }
0x21: {  	s3 =	sadd.s32 s3, s9;
	s6 =	sadd.s32 @!p0 $0x88, s6;
	s7 =	simm.s32 @p2 $0x1082  }
0x22: {  	[simem:s7], [sflag:s8] =	dma.local @!p0 [hbm:s6], $0xF7A  }
0x23: {  	s9 =	sor.u32 $0xD0000000, s2;
	s6 =	simm.s32 $0x108;
	_ =	swait.ge @!p0 [sflag:s8], $0x0  }
0x24: {  	s3 =	sadd.s32 $0x88, s3;
	s6 =	simm.s32 @!p1 $0x1082;
	[sflag:s4] =	ssyncset.s32 $0xFFFFF086  }
0x25: {  	[simem:s6], [sflag:s4] =	dma.local [hbm:s3], $0xF7A  }
0x26: {  	[smem:$0x3FA0] =	sst s1;
	(tag) =	ssettag s2;
	_ =	strace s9  }
0x27: {  	s1 =	sld [smem:$0x3FB0]  }
0x28: {  	s2 =	sld [smem:$0x3FB1]  }
0x29: {  	s4 =	sld [smem:$0x3FB3]  }
0x2a: {  	p0 =	seq.s32 s5, $0x0;
	s5 =	sld [smem:$0x3FB4]  }
0x2b: {  	s6 =	sld [smem:$0x3FB5]  }
0x2c: {  	s7 =	sld [smem:$0x3FB6]  }
0x2d: {  	s3 =	simm.s32 $0x108;
	s8 =	sld [smem:$0x3FB7]  }
0x2e: {  	s3 =	simm.s32 @!p0 $0x1082;
	s9 =	sld [smem:$0x3FB8]  }
0x2f: {  	lr =	sadd.s32 s0, s3;
	s0 =	sld [smem:$0x3FAF]  }
0x30: {  	s3 =	sld [smem:$0x3FB2]  }
0x31: {  	[smem:$0x3FBB] =	sst s10  }
0x32: {  	s10 =	sld [smem:$0x3FB9];
	_ =	sdelay $0x3  }
0x33: {  	p0 =	seq.s32 s10, $0x1;
	s10 =	sld [smem:$0x3FBB];
	_ =	sdelay $0x3  }
0x34: {  	[smem:$0x3FBB] =	sst s10  }
0x35: {  	s10 =	sld [smem:$0x3FBA];
	_ =	sdelay $0x3  }
0x36: {  	p1 =	seq.s32 s10, $0x1;
	s10 =	sld [smem:$0x3FBB];
	_ =	sdelay $0x3  }
0x37: {  	[smem:$0x3FBB] =	sst s10  }
0x38: {  	s10 =	sld [smem:$0x3FBC]  }
0x39: {  	_ = 	snop;
	(pc) =	sbr.ind lr, $3  }
0x3a: {  	_ = 	snop  }
0x3b: {  	_ = 	snop  }
0x3c: {  	p2 =	seq.s32 s10, $0x1;
	s10 =	sld [smem:$0x3FBB]  }
0x3d: {  	_ =	shalt  }
0x3e: {  	_ =	shalt  }
0x3f: {  	_ =	shalt  }
0x40: {  	_ =	shalt  }
0x41: {  	_ =	shalt  }
0x42: {  	_ =	shalt  }
0x43: {  	_ =	shalt  }
0x44: {  	_ =	shalt  }
0x45: {  	_ =	shalt  }
0x46: {  	_ =	shalt  }
0x47: {  	_ =	shalt  }
0x48: {  	_ =	shalt  }
0x49: {  	_ =	shalt  }
0x4a: {  	_ =	shalt  }
0x4b: {  	_ =	shalt  }
0x4c: {  	_ =	shalt  }
0x4d: {  	_ =	shalt  }
0x4e: {  	_ =	shalt  }
0x4f: {  	_ =	shalt  }
0x50: {  	_ =	shalt  }
0x51: {  	_ =	shalt  }
0x52: {  	_ =	shalt  }
0x53: {  	_ =	shalt  }
0x54: {  	_ =	shalt  }
0x55: {  	_ =	shalt  }
0x56: {  	_ =	shalt  }
0x57: {  	_ =	shalt  }
0x58: {  	_ =	shalt  }
0x59: {  	_ =	shalt  }
0x5a: {  	_ =	shalt  }
0x5b: {  	_ =	shalt  }
0x5c: {  	_ =	shalt  }
0x5d: {  	_ =	shalt  }
0x5e: {  	_ =	shalt  }
0x5f: {  	_ =	shalt  }
0x60: {  	_ =	shalt  }
0x61: {  	_ =	shalt  }
0x62: {  	_ =	shalt  }
0x63: {  	_ =	shalt  }
0x64: {  	_ =	shalt  }
0x65: {  	_ =	shalt  }
0x66: {  	_ =	shalt  }
0x67: {  	_ =	shalt  }
0x68: {  	_ =	shalt  }
0x69: {  	_ =	shalt  }
0x6a: {  	_ =	shalt  }
0x6b: {  	_ =	shalt  }
0x6c: {  	_ =	shalt  }
0x6d: {  	_ =	shalt  }
0x6e: {  	_ =	shalt  }
0x6f: {  	_ =	shalt  }
0x70: {  	_ =	shalt  }
0x71: {  	_ =	shalt  }
0x72: {  	_ =	shalt  }
0x73: {  	_ =	shalt  }
0x74: {  	_ =	shalt  }
0x75: {  	_ =	shalt  }
0x76: {  	_ =	shalt  }
0x77: {  	_ =	shalt  }
0x78: {  	_ =	shalt  }
0x79: {  	_ =	shalt  }
0x7a: {  	_ =	shalt  }
0x7b: {  	_ =	shalt  }
0x7c: {  	_ =	shalt  }
0x7d: {  	_ =	shalt  }
0x7e: {  	_ =	shalt  }
0x7f: {  	_ =	shalt  }
0x80: {  	_ =	shalt  }
0x81: {  	_ =	shalt  }
0x82: {  	_ =	shalt  }
0x83: {  	_ =	shalt  }
0x84: {  	_ =	shalt  }
0x85: {  	_ =	shalt  }
0x86: {  	_ =	shalt  }
0x87: {  	_ =	shalt  }
.Lfunc_end0:
.L_simem_size_0:
called_computation_lowered:
.L_overlay_start_0:
0x88: {  	s2 =	sld [smem:$0x3FD9]  }
0x89: {  	s3 =	sld [smem:$0x3FFE];
	_ =	sdelay $0x1  }
0x8a: {  	s1 =	srdreg.scid  }
0x8b: {  	s0 =	sand.u32 $0x1, s1  }
0x8c: {  	s17 =	sshll.u32 s0, $0xA;
	s2 =	sadd.s32 s3, s2  }
0x8d: {  	s2 =	sadd.s32 s2, s17  }
0x8e: {  	[smem:$0x3FC7] =	sst s2  }
0x8f: {  	_ = 	snop  }
0x90: {  	s2 =	sld [smem:$0x3FC9]  }
0x91: {  	s18 =	sld [smem:$0x3FD0];
	(tm) =	ssettm $0x1  }
0x92: {  	s4 =	sld [smem:$0x3FFB];
	_ =	sdelay $0x3  }
0x93: {  	_ =	strace s4  }
0x94: {  	s4 =	sld [smem:$0x3FFC];
	_ =	sdelay $0x3  }
0x95: {  	_ =	strace s4  }
0x96: {  	s4 =	sld [smem:$0x3FFD];
	_ =	sdelay $0x3  }
0x97: {  	_ =	strace s4  }
0x98: {  	_ =	strace $0x8FFFFFFF  }
0x99: {  	s19 =	sld [smem:$0x3FDB];
	_ =	sdelay $0x1  }
0x9a: {  	s5 =	simm.s32 $_scs_section_size  }
0x9b: {  	s6 =	simm.s32 $_size__tile_overlayer_lowered;
	s7 =	simm.s32 $_tile_overlayer_lowered  }
0x9c: {  	s22 =	simm.s32 $0x1BFF;
	s21 =	sshll.u32 s7, $0x1;
	s4 =	sadd.s32 s5, s19  }
0x9d: {  	s8 =	simm.s32 $0x0;
	s20 =	sshll.u32 s6, $0x1;
	s6 =	sadd.s32 s21, s4  }
0x9e: {  	[timem:s8], [sflag:s22] =	dma.local [hbm:s6], s20  }
0x9f: {  	_ =	swait.ge [sflag:s22], s20  }
0xa0: {  	s5 =	ssub.s32 $0x0, s20;
	[sflag:s22] =	ssyncset.done $0x0  }
0xa1: {  	[sflag:s22] =	ssyncadd.s32 s5;
	_ =	sdelay $0x1  }
0xa2: {  	s23 =	simm.s32 $0x1B8B  }
0xa3: {  	_ =	swait.ge [sflag:s23], $0x1  }
0xa4: {  	[sflag:s23] =	ssyncset.done $0x0  }
0xa5: {  	s25 =	simm.s32 $0x1B8E;
	s24 =	sld [smem:$0x3FFE];
	[sflag:s23] =	ssyncadd.s32 $0xFFFFFFFF  }
0xa6: {  	s26 =	simm.s32 $execute0_lowered;
	[smem:$0x3FD2] =	sst s25  }
0xa7: {  	s6 =	sshll.u32 s26, $0x1;
	_ =	strace $0x80000046;
	[dreg:$0x1] =	wrdreg $0xFFFFFFFF  }
0xa8: {  	s28 =	simm.s32 $_size_execute0_lowered;
	s4 =	sadd.s32 s4, s6;
	[dreg:$0x0] =	wrdreg $0x0  }
0xa9: {  	s6 =	sshll.u32 s28, $0x1;
	[dreg:$0x2] =	wrdreg s4  }
0xaa: {  	[dreg:$0x3] =	wrdreg s6  }
0xab: {  	[dreg:$0x4] =	wrdreg $0xC0  }
0xac: {  	_ =	task [dreg:s8], $0x5FFFF  }
0xad: {  	[dreg:$0x1] =	wrdreg $0xFFFFFFFF  }
0xae: {  	[dreg:$0x0] =	wrdreg $0x60  }
0xaf: {  	[dreg:$0x2] =	wrdreg s2  }
0xb0: {  	[dreg:$0x3] =	wrdreg s18  }
0xb1: {  	[dreg:$0x4] =	wrdreg s24  }
0xb2: {  	[dreg:$0x5] =	wrdreg $0x9  }
0xb3: {  	_ =	task.clear_ibuf [dreg:s8], $0x6FFFF;
	_ =	strace $0x90000046  }
0xb4: {  	s29 =	simm.s32 $0x9;
	_ =	strace $0x80000048  }
0xb5: {  	_ =	swait.ge [sflag:s29], $0x1  }
0xb6: {  	[sflag:s29] =	ssyncadd.s32 $0xFFFFFFFF  }
0xb7: {  	_ =	strace $0x90000048  }
0xb8: {  	_ =	sfence  }
0xb9: {  	s30 =	sld [smem:$0x0];
	_ =	sdelay $0x2  }
0xba: {  	s31 =	sshll.u32 s1, $0xD;
	s1 =	sshrl.u32 s1, $0x2  }
0xbb: {  	s3 =	sand.u32 $0x4000, s31;
	s1 =	sadd.s32 s1, s30  }
0xbc: {  	s0 =	sor.u32 s3, s0;
	s1 =	sshll.u32 s1, $0x11  }
0xbd: {  	s0 =	sor.u32 s1, s0  }
0xbe: {  	s0 =	sadd.s32 $0x8F2B, s0  }
0xbf: {  	[sflag:s0] =	ssyncadd.remote.s32 $0x1  }
0xc0: {  	_ =	sfence.sel $0xFFFF  }
0xc1: {  	[dreg:$0x0] =	wrdreg $0xFFFFFFFF;
	(pc) =	sbr.abs _section_cstart, $3  }
0xc2: {  	[dreg:$0x1] =	wrdreg $0xFFFFFFFF  }
0xc3: {  	_ =	task.clear_ibuf [dreg:s8], $0x2FFFF;
	_ =	strace $0x9FFFFFFF  }
0xc4: {  	(tm) =	ssettm $0x7FFFFFFF  }
0xc5: {  	_ =	shalt  }
tec
execute0_lowered:
.L_overlay_start_1:
0x0: {  	(tag) =	ssettag $0x1  }
0x1: {  	s2 =	rddreg [dreg:$0x0]  }
0x2: {  	s7 =	rddreg [dreg:$0x1]  }
0x3: {  	s4 =	rddreg [dreg:$0x2];
	s1 =	stileid.u32  }
0x4: {  	s0 =	rddreg [dreg:$0x3];
	s5 =	srdreg.scid;
	s3 =	simm.s32 $0x0  }
0x5: {  	s12 =	simm.s32 $0x8000;
	s13 =	simm.s32 $0x1;
	s14 =	simm.s32 $0x2  }
0x6: {  	s15 =	simm.s32 $0x80;
	s16 =	simm.s32 $0x200;
	s17 =	simm.s32 $0x10000  }
0x7: {  	s18 =	simm.s32 $0x3;
	s19 =	simm.s32 $0x10100;
	s20 =	simm.s32 $0x0  }
0x8: {  	s6 =	sshll.u32 s1, $0x1;
	s5 =	sand.u32 $0x1, s5;
	[smem:$0x7FF] =	sst s3  }
0x9: {  	s8 =	sshrl.u32 s1, $0x2;
	s6 =	sand.u32 $0x6, s6;
	_ =	strace $0x80000047  }
0xa: {  	s9 =	sshll.u32 s8, $0x17;
	s8 =	sshll.u32 s8, $0x4;
	s6 =	sor.u32 s5, s6  }
0xb: {  	s5 =	ssub.s32 $0x2, s5;
	s10 =	sshll.u32 s6, $0xB;
	s6 =	sshll.u32 s6, $0x7  }
0xc: {  	s31 =	sshrl.u32 s5, $0x1;
	s9 =	sor.u32 s9, s10;
	s8 =	sor.u32 s8, s6  }
0xd: {  	s11 =	ssub.s32 s5, s31;
	s10 =	simm.s32 $0x800;
	s29 =	sshrl.u32 s9, $0x3  }
0xe: {  	s30 =	sadd.s32 s8, s4;
	s5 =	sor.u32 $0x480000, s9;
	s6 =	sadd.s32 s29, s2  }
0xf: {  	s7 =	sadd.s32 s7, s8;
	s8 =	sadd.s32 $0xA00, s30;
	s4 =	sadd.s32 $0x90000, s6  }
0x10: {  	v0 =	vimm.f32 $+Inf;
	v1 =	vimm.s32 $0x0;
	s6 =	sor.u32 $0x500000, s9;
	s9 =	smax.u32 s11, $0x1;
	s11 =	simm.s32 $0x4000  }
.LBB2_1:
0x11: {  	[tilespmem:$0x10000] =	vst v0  }
0x12: {  	[tilespmem:$0x10100] =	vst v1  }
0x13: {  	[tilespmem:$0x10010] =	vst v0  }
0x14: {  	[tilespmem:$0x10110] =	vst v1  }
0x15: {  	[tilespmem:$0x10020] =	vst v0  }
0x16: {  	[tilespmem:$0x10120] =	vst v1  }
0x17: {  	[tilespmem:$0x10030] =	vst v0  }
0x18: {  	[tilespmem:$0x10130] =	vst v1  }
0x19: {  	[tilespmem:$0x10040] =	vst v0  }
0x1a: {  	[tilespmem:$0x10140] =	vst v1  }
0x1b: {  	[tilespmem:$0x10050] =	vst v0  }
0x1c: {  	[tilespmem:$0x10150] =	vst v1  }
0x1d: {  	[tilespmem:$0x10060] =	vst v0  }
0x1e: {  	[tilespmem:$0x10160] =	vst v1  }
0x1f: {  	[tilespmem:$0x10070] =	vst v0  }
0x20: {  	[tilespmem:$0x10170] =	vst v1  }
0x21: {  	[tilespmem:$0x10080] =	vst v0  }
0x22: {  	[tilespmem:$0x10180] =	vst v1  }
0x23: {  	[tilespmem:$0x10090] =	vst v0  }
0x24: {  	[tilespmem:$0x10190] =	vst v1  }
0x25: {  	[tilespmem:$0x100A0] =	vst v0  }
0x26: {  	[tilespmem:$0x101A0] =	vst v1  }
0x27: {  	[tilespmem:$0x100B0] =	vst v0  }
0x28: {  	[tilespmem:$0x101B0] =	vst v1  }
0x29: {  	[tilespmem:$0x100C0] =	vst v0  }
0x2a: {  	[tilespmem:$0x101C0] =	vst v1  }
0x2b: {  	[tilespmem:$0x100D0] =	vst v0  }
0x2c: {  	[tilespmem:$0x101D0] =	vst v1  }
0x2d: {  	[tilespmem:$0x100E0] =	vst v0  }
0x2e: {  	[tilespmem:$0x101E0] =	vst v1  }
0x2f: {  	[tilespmem:$0x100F0] =	vst v0  }
0x30: {  	[tilespmem:$0x101F0] =	vst v1;
	s21 =	simm.s32 $0x0  }
0x31: {  	[tilespmem:s3], [sflag:$0x1] =	stream.strided.gather [hbm4b:s4+s10], $0x8000, s11, s10, $0x38;
	[tilespmem:$0x10200] =	vst v63  }
.LBB2_2:
0x32: {  	s22 =	sshllo.u32 s21, $0x1  }
0x33: {  	s23 =	sshll.u32 s22, $0x12  }
0x34: {  	s23 =	sadd.s32 s23, s5  }
0x35: {  	s23 =	sshrl.u32 s23, $0x3  }
0x36: {  	s23 =	sadd.s32 s2, s23  }
0x37: {  	[tilespmem:s12], [sflag:$0x2] =	stream.strided.gather [hbm4b:s23+s10], $0x8000, s11, s10, $0x38;
	[tilespmem:$0x10200] =	vst v63  }
0x38: {  	_ =	swait.ge [sflag:s13], $0x8000  }
0x39: {  	[sflag:s13] =	ssyncset.done $0x0  }
0x3a: {  	[sflag:s13] =	ssyncadd.s32 $0xFFFF8000  }
0x3b: {  	v19 =	vld [tilespmem:$0x10000]  }
0x3c: {  	v20 =	vld [tilespmem:$0x10010]  }
0x3d: {  	v21 =	vld [tilespmem:$0x10020]  }
0x3e: {  	v27 =	vld [tilespmem:$0x10030]  }
0x3f: {  	v28 =	vld [tilespmem:$0x10040]  }
0x40: {  	v18 =	vld [tilespmem:$0x10050]  }
0x41: {  	v17 =	vld [tilespmem:$0x10060]  }
0x42: {  	v16 =	vld [tilespmem:$0x10070]  }
0x43: {  	v22 =	vld [tilespmem:$0x10100]  }
0x44: {  	v23 =	vld [tilespmem:$0x10110]  }
0x45: {  	v8 =	vld [tilespmem:$0x10120]  }
0x46: {  	v7 =	vld [tilespmem:$0x10130]  }
0x47: {  	v6 =	vld [tilespmem:$0x10140]  }
0x48: {  	s24 =	simm.s32 $0x0;
	v15 =	vld [tilespmem:$0x10150]  }
0x49: {  	s30 =	sand.u32 $0x7800, s24;
	s25 =	sand.u32 $0x200, s24;
	v13 =	vld [tilespmem:$0x10160]  }
0x4a: {  	s23 =	sor.u32 s25, s30;
	v14 =	vld [tilespmem:$0x10170]  }
0x4b: {  	v29 =	vld [tilespmem:s23+$0x180]  }
0x4c: {  	v34 =	vld [tilespmem:s23+$0x190]  }
0x4d: {  	v11 =	vld [tilespmem:s23+$0x1A0]  }
0x4e: {  	v10 =	vld [tilespmem:s23+$0x1B0]  }
0x4f: {  	v12 =	vld [tilespmem:s23+$0x1C0]  }
0x50: {  	v5 =	vld [tilespmem:s23+$0x1D0]  }
0x51: {  	v32 =	vld [tilespmem:s23+$0x0]  }
0x52: {  	v33 =	vld [tilespmem:s23+$0x10]  }
0x53: {  	v37 =	vld [tilespmem:s23+$0x20]  }
0x54: {  	v38 =	vld [tilespmem:s23+$0x30]  }
0x55: {  	s31 =	sshll.u32 s21, $0x8;
	v39 =	vld [tilespmem:s23+$0x40]  }
0x56: {  	s25 =	sadd.s32 $0x900, s31;
	v25 =	vld [tilespmem:s23+$0x100]  }
0x57: {  	v2 =	vmov s25;
	v35 =	vld [tilespmem:s23+$0x80]  }
0x58: {  	v4 =	vor.u32 $0x2, v2;
	v3 =	vor.u32 $0x3, v2;
	v36 =	vld [tilespmem:s23+$0x90]  }
0x59: {  	v9 =	vor.u32 $0x1, v2;
	v31 =	vld [tilespmem:s23+$0x110];
	vm0 =	vlt.f32 v32, v19;
	vm1 =	vlt.f32 v33, v20  }
0x5a: {  	v24 =	vld [tilespmem:s23+$0x120];
	vm3 =	vlt.f32 v37, v21;
	vm2 =	vlt.f32 v38, v27;
	vm11 =	vlt.f32 v39, v28  }
0x5b: {  	v26 =	vld [tilespmem:s23+$0x130];
	v19 =	vsel vm0, v32, v19;
	v20 =	vsel vm1, v33, v20;
	v23 =	vsel vm1, v2, v23  }
0x5c: {  	v30 =	vld [tilespmem:s23+$0xA0];
	v22 =	vsel vm0, v2, v22;
	v27 =	vsel vm2, v38, v27;
	vm0 =	vlt.f32 v35, v19  }
0x5d: {  	v32 =	vld [tilespmem:s23+$0xB0];
	v28 =	vsel vm11, v39, v28;
	vm1 =	vlt.f32 v36, v20;
	v19 =	vsel vm0, v35, v19  }
0x5e: {  	v33 =	vld [tilespmem:s23+$0xC0];
	v20 =	vsel vm1, v36, v20;
	v23 =	vsel vm1, v9, v23;
	v22 =	vsel vm0, v9, v22  }
0x5f: {  	v35 =	vsel vm3, v37, v21;
	v36 =	vld [tilespmem:s23+$0x50];
	vm0 =	vlt.f32 v25, v19;
	vm1 =	vlt.f32 v31, v20  }
0x60: {  	v19 =	vsel vm0, v25, v19;
	v20 =	vsel vm1, v31, v20;
	v63 =	vsel vm1, v4, v23;
	v31 =	vld [tilespmem:s23+$0x140]  }
0x61: {  	v23 =	vsel vm0, v4, v22;
	v25 =	vld [tilespmem:s23+$0x150];
	vm4 =	vlt.f32 v29, v19;
	vm0 =	vlt.f32 v34, v20  }
0x62: {  	s25 =	simm.s32 $0x200;
	v21 =	vmovc v2;
	v22 =	vsel vm4, v29, v19;
	v20 =	vsel vm0, v34, v20;
	v19 =	vsel vm0, v3, v63;
	v34 =	vld [tilespmem:s23+$0xD0]  }
.LBB2_3:
0x63: {  	v29 =	vimm.s32 $0x0  }
0x64: {  	v29 =	vsel vm4, $0xFFFFFFFF, v29  }
0x65: {  	[tilespmem:$0x1FFF0] =	vst v29;
	v29 =	vimm.s32 $0x0;
	vm0 =	vlt.f32 v30, v35  }
0x66: {  	v29 =	vsel vm0, $0xFFFFFFFF, v29  }
0x67: {  	vm1 =	vlt.f32 v32, v27;
	[tilespmem:$0x1FF70] =	vst v29;
	v29 =	vimm.s32 $0x0  }
0x68: {  	v29 =	vsel vm1, $0xFFFFFFFF, v29  }
0x69: {  	vm5 =	vlt.f32 v33, v28;
	[tilespmem:$0x1FF80] =	vst v29;
	v29 =	vimm.s32 $0x0  }
0x6a: {  	v29 =	vsel vm5, $0xFFFFFFFF, v29  }
0x6b: {  	v27 =	vsel vm1, v32, v27;
	[tilespmem:$0x1FF90] =	vst v29;
	v29 =	vsel vm0, v30, v35  }
0x6c: {  	v38 =	vld [tilespmem:s23+$0x70];
	vm1 =	vlt.f32 v26, v27;
	vm0 =	vlt.f32 v24, v29  }
0x6d: {  	v52 =	vimm.s32 $0x0;
	v26 =	vsel vm1, v26, v27;
	v24 =	vsel vm0, v24, v29  }
0x6e: {  	v55 =	vld [tilespmem:s23+$0xF0];
	v27 =	vimm.s32 $0x0;
	v32 =	vsel vm0, $0xFFFFFFFF, v52;
	vm0 =	vlt.f32 v11, v24  }
0x6f: {  	v53 =	vimm.s32 $0x0;
	[tilespmem:$0x1FFA0] =	vst v32;
	v27 =	vsel vm0, $0xFFFFFFFF, v27  }
0x70: {  	v56 =	vld [tilespmem:s23+$0x170];
	v32 =	vsel vm1, $0xFFFFFFFF, v53;
	vm1 =	vlt.f32 v10, v26;
	[tilespmem:$0x1FFD0] =	vst v27;
	v27 =	vimm.s32 $0x0  }
0x71: {  	vm15 =	vlt.f32 v38, v16;
	v27 =	vsel vm1, $0xFFFFFFFF, v27  }
0x72: {  	v16 =	vsel vm15, v38, v16;
	[tilespmem:$0x1FFE0] =	vst v27;
	v27 =	vsel vm0, v11, v24;
	v24 =	vld [tilespmem:s23+$0x1F0]  }
0x73: {  	vm4 =	vlt.f32 v55, v16  }
0x74: {  	v16 =	vsel vm4, v55, v16  }
0x75: {  	vm7 =	vlt.f32 v56, v16  }
0x76: {  	v16 =	vsel vm7, v56, v16  }
0x77: {  	vm10 =	vlt.f32 v24, v16  }
0x78: {  	v16 =	vsel vm10, v24, v16;
	v24 =	vld [tilespmem:$0x1FF70]  }
0x79: {  	v28 =	vsel vm5, v33, v28  }
0x7a: {  	vm13 =	vlt.f32 v36, v18;
	vm5 =	vlt.f32 v31, v28  }
0x7b: {  	v29 =	vsel vm5, v31, v28;
	v28 =	vsel vm1, v10, v26;
	v10 =	vsel vm13, v36, v18  }
0x7c: {  	v15 =	vsel vm13, v21, v15;
	vm0 =	vlt.f32 v34, v10  }
0x7d: {  	v10 =	vsel vm0, v34, v10;
	v15 =	vsel vm0, v9, v15;
	vm0 =	vnez.u8 v24;
	v24 =	vld [tilespmem:$0x1FF80];
	_ =	sdelay $0x2  }
0x7e: {  	v37 =	vld [tilespmem:s23+$0x60]  }
0x7f: {  	v8 =	vsel vm3, v21, v8;
	v30 =	vld [tilespmem:s23+$0xE0]  }
0x80: {  	v8 =	vsel vm0, v9, v8;
	vm0 =	vnez.u8 v24;
	v24 =	vld [tilespmem:$0x1FF90];
	_ =	sdelay $0x2  }
0x81: {  	v7 =	vsel vm2, v21, v7;
	v6 =	vsel vm11, v21, v6;
	vm14 =	vlt.f32 v37, v17  }
0x82: {  	v13 =	vsel vm14, v21, v13;
	v14 =	vsel vm15, v21, v14;
	v11 =	vsel vm14, v37, v17  }
0x83: {  	vm1 =	vlt.f32 v30, v11;
	v7 =	vsel vm0, v9, v7;
	vm0 =	vnez.u8 v24  }
0x84: {  	v14 =	vsel vm4, v9, v14;
	v13 =	vsel vm1, v9, v13;
	v6 =	vsel vm0, v9, v6;
	v9 =	vld [tilespmem:$0x1FFA0];
	_ =	sdelay $0x3  }
0x85: {  	[tilespmem:$0x1FFB0] =	vst v32  }
0x86: {  	vm0 =	vnez.u8 v9;
	v9 =	vld [tilespmem:$0x1FFB0];
	_ =	sdelay $0x1  }
0x87: {  	v54 =	vimm.s32 $0x0  }
0x88: {  	v32 =	vsel vm5, $0xFFFFFFFF, v54  }
0x89: {  	v31 =	vld [tilespmem:s23+$0x160];
	[tilespmem:$0x1FFC0] =	vst v32  }
0x8a: {  	s24 =	sadd.s32 $0x400, s24;
	v8 =	vsel vm0, v4, v8;
	vm0 =	vnez.u8 v9;
	v9 =	vld [tilespmem:$0x1FFC0]  }
0x8b: {  	s26 =	sand.u32 $0x200, s25;
	s31 =	sand.u32 $0x7800, s24;
	vm12 =	vlt.f32 v12, v29  }
0x8c: {  	v29 =	vsel vm12, v12, v29;
	v12 =	vld [tilespmem:s23+$0x1E0];
	s23 =	sor.u32 s26, s31  }
0x8d: {  	v57 =	vld [tilespmem:s23+$0x180]  }
0x8e: {  	v14 =	vsel vm7, v4, v14;
	v58 =	vld [tilespmem:s23+$0x190];
	v11 =	vsel vm1, v30, v11;
	vm5 =	vlt.f32 v25, v10  }
0x8f: {  	v59 =	vld [tilespmem:s23+$0x0];
	vm6 =	vlt.f32 v31, v11;
	v7 =	vsel vm0, v4, v7;
	vm0 =	vnez.u8 v9  }
0x90: {  	v15 =	vsel vm5, v4, v15;
	v13 =	vsel vm6, v4, v13;
	v4 =	vsel vm0, v4, v6;
	v6 =	vld [tilespmem:$0x1FFD0]  }
0x91: {  	v60 =	vld [tilespmem:s23+$0x10]  }
0x92: {  	v61 =	vld [tilespmem:s23+$0x80]  }
0x93: {  	v62 =	vld [tilespmem:s23+$0x90]  }
0x94: {  	v26 =	vld [tilespmem:s23+$0x130]  }
0x95: {  	vm0 =	vnez.u8 v6;
	v6 =	vld [tilespmem:$0x1FFE0]  }
0x96: {  	v63 =	vld [tilespmem:s23+$0x20]  }
0x97: {  	v39 =	vld [tilespmem:s23+$0x30];
	v17 =	vsel vm5, v25, v10  }
0x98: {  	v40 =	vld [tilespmem:s23+$0x40];
	v25 =	vsel vm6, v31, v11;
	vm8 =	vlt.f32 v5, v17  }
0x99: {  	v21 =	vadd.s32 $0x4, v21;
	v32 =	vld [tilespmem:s23+$0xB0];
	vm9 =	vlt.f32 v12, v25;
	v18 =	vsel vm8, v5, v17  }
0x9a: {  	v8 =	vsel vm0, v3, v8;
	vm0 =	vnez.u8 v6;
	v6 =	vsel vm12, v3, v4;
	v4 =	vld [tilespmem:$0x1FFF0]  }
0x9b: {  	v33 =	vld [tilespmem:s23+$0xC0];
	v15 =	vsel vm8, v3, v15;
	v17 =	vsel vm9, v12, v25;
	v13 =	vsel vm9, v3, v13  }
0x9c: {  	v34 =	vld [tilespmem:s23+$0xD0];
	v14 =	vsel vm10, v3, v14;
	vm1 =	vlt.f32 v60, v20;
	vm3 =	vlt.f32 v63, v27  }
0x9d: {  	v31 =	vld [tilespmem:s23+$0x110];
	vm2 =	vlt.f32 v39, v28;
	vm11 =	vlt.f32 v40, v29;
	v20 =	vsel vm1, v60, v20  }
0x9e: {  	v36 =	vld [tilespmem:s23+$0x50];
	v19 =	vsel vm1, v21, v19;
	v35 =	vsel vm3, v63, v27;
	v27 =	vsel vm2, v39, v28  }
0x9f: {  	v25 =	vld [tilespmem:s23+$0x100];
	vm1 =	vlt.f32 v62, v20;
	v7 =	vsel vm0, v3, v7;
	vm0 =	vnez.u8 v4  }
0xa0: {  	v30 =	vld [tilespmem:s23+$0xA0];
	v9 =	vor.u32 $0x1, v21;
	v23 =	vsel vm0, v3, v23;
	vm0 =	vlt.f32 v59, v22  }
0xa1: {  	v10 =	vld [tilespmem:s23+$0x1B0];
	v20 =	vsel vm1, v62, v20;
	v19 =	vsel vm1, v9, v19;
	v22 =	vsel vm0, v59, v22  }
0xa2: {  	p0 =	sne.s32 s25, $0x3E00;
	v11 =	vld [tilespmem:s23+$0x1A0];
	vm1 =	vlt.f32 v31, v20;
	v23 =	vsel vm0, v21, v23;
	vm0 =	vlt.f32 v61, v22  }
.Ltmp0:
0xa3: {  	v5 =	vld [tilespmem:s23+$0x1D0];
	v28 =	vsel vm11, v40, v29;
	v20 =	vsel vm1, v31, v20;
	v22 =	vsel vm0, v61, v22;
	(pc) =	sbr.rel @p0 .LBB2_3-.Ltmp0, $4  }
0xa4: {  	v12 =	vld [tilespmem:s23+$0x1C0];
	v4 =	vor.u32 $0x2, v21;
	v23 =	vsel vm0, v9, v23;
	vm0 =	vlt.f32 v25, v22  }
0xa5: {  	v24 =	vld [tilespmem:s23+$0x120];
	v3 =	vor.u32 $0x3, v21;
	v19 =	vsel vm1, v4, v19;
	v22 =	vsel vm0, v25, v22  }
0xa6: {  	v31 =	vld [tilespmem:s23+$0x140];
	v23 =	vsel vm0, v4, v23;
	vm0 =	vlt.f32 v58, v20;
	vm4 =	vlt.f32 v57, v22  }
0xa7: {  	s25 =	sadd.s32 $0x200, s25;
	v25 =	vld [tilespmem:s23+$0x150];
	v20 =	vsel vm0, v58, v20;
	v19 =	vsel vm0, v3, v19;
	v22 =	vsel vm4, v57, v22  }
0xa8: {  	v29 =	vld [tilespmem:s23+$0x60]  }
0xa9: {  	v37 =	vld [tilespmem:s23+$0x70]  }
0xaa: {  	vm0 =	vlt.f32 v36, v18  }
0xab: {  	v38 =	vld [tilespmem:s23+$0xE0];
	v8 =	vsel vm3, v21, v8;
	v7 =	vsel vm2, v21, v7;
	vm1 =	vlt.f32 v32, v27  }
0xac: {  	v6 =	vsel vm11, v21, v6;
	vm2 =	vlt.f32 v33, v28;
	v23 =	vsel vm4, v3, v23  }
0xad: {  	v18 =	vsel vm0, v36, v18;
	v15 =	vsel vm0, v21, v15;
	vm0 =	vlt.f32 v29, v17  }
0xae: {  	v54 =	vld [tilespmem:s23+$0xF0];
	v17 =	vsel vm0, v29, v17;
	v13 =	vsel vm0, v21, v13;
	vm0 =	vlt.f32 v37, v16  }
0xaf: {  	v57 =	vld [tilespmem:s23+$0x160];
	v16 =	vsel vm0, v37, v16;
	v29 =	vsel vm0, v21, v14;
	vm0 =	vlt.f32 v34, v18  }
0xb0: {  	v39 =	vld [tilespmem:s23+$0x170];
	v18 =	vsel vm0, v34, v18;
	v55 =	vsel vm0, v9, v15;
	vm0 =	vlt.f32 v38, v17  }
0xb1: {  	v21 =	vld [tilespmem:s23+$0x1E0];
	v17 =	vsel vm0, v38, v17;
	v56 =	vsel vm0, v9, v13;
	vm0 =	vlt.f32 v30, v35  }
0xb2: {  	v14 =	vsel vm1, v32, v27;
	v27 =	vld [tilespmem:s23+$0x1F0];
	v15 =	vsel vm2, v33, v28;
	v13 =	vsel vm0, v30, v35  }
0xb3: {  	[tilespmem:$0x10000] =	vst v22;
	v22 =	vld [tilespmem:$0x10080];
	vm3 =	vlt.f32 v26, v14;
	v8 =	vsel vm0, v9, v8;
	vm0 =	vlt.f32 v24, v13  }
0xb4: {  	[tilespmem:$0x10100] =	vst v23;
	v23 =	vld [tilespmem:$0x10090];
	v28 =	vsel vm1, v9, v7;
	vm1 =	vlt.f32 v31, v15;
	v7 =	vsel vm0, v24, v13  }
0xb5: {  	[tilespmem:$0x10110] =	vst v19;
	v19 =	vld [tilespmem:$0x101D0];
	v13 =	vsel vm3, v26, v14;
	v24 =	vsel vm2, v9, v6;
	vm2 =	vlt.f32 v11, v7  }
0xb6: {  	[tilespmem:$0x10010] =	vst v20;
	v20 =	vld [tilespmem:$0x101E0];
	v14 =	vsel vm1, v31, v15;
	v8 =	vsel vm0, v4, v8;
	v11 =	vsel vm2, v11, v7  }
0xb7: {  	v6 =	vld [tilespmem:$0x100A0];
	vm0 =	vlt.f32 v10, v13;
	v15 =	vsel vm2, v3, v8;
	vm2 =	vlt.f32 v12, v14;
	[tilespmem:$0x10020] =	vst v11  }
0xb8: {  	v7 =	vld [tilespmem:$0x100B0];
	v10 =	vsel vm0, v10, v13;
	v11 =	vsel vm2, v12, v14;
	v12 =	vsel vm3, v4, v28;
	[tilespmem:$0x10120] =	vst v15  }
0xb9: {  	v8 =	vld [tilespmem:$0x100C0];
	vm3 =	vlt.f32 v54, v16;
	[tilespmem:$0x10030] =	vst v10;
	v12 =	vsel vm0, v3, v12;
	vm0 =	vlt.f32 v25, v18  }
0xba: {  	v13 =	vld [tilespmem:$0x100D0];
	v16 =	vsel vm3, v54, v16;
	[tilespmem:$0x10040] =	vst v11;
	v10 =	vsel vm0, v25, v18;
	v18 =	vsel vm1, v4, v24  }
0xbb: {  	v14 =	vld [tilespmem:$0x100E0];
	[tilespmem:$0x10130] =	vst v12;
	vm1 =	vlt.f32 v57, v17;
	v12 =	vsel vm2, v3, v18;
	vm2 =	vlt.f32 v5, v10  }
0xbc: {  	v15 =	vld [tilespmem:$0x100F0];
	v11 =	vsel vm1, v57, v17;
	v5 =	vsel vm2, v5, v10;
	v10 =	vsel vm0, v4, v55;
	[tilespmem:$0x10140] =	vst v12  }
0xbd: {  	v24 =	vld [tilespmem:$0x10180];
	vm0 =	vlt.f32 v39, v16;
	v12 =	vsel vm2, v3, v10;
	vm2 =	vlt.f32 v21, v11;
	[tilespmem:$0x10050] =	vst v5  }
0xbe: {  	p0 =	por $0x0, $0x0;
	s23 =	simm.s32 $0x1;
	v25 =	vld [tilespmem:$0x10190];
	v5 =	vsel vm1, v4, v56;
	v16 =	vsel vm0, v39, v16;
	v17 =	vsel vm2, v21, v11;
	[tilespmem:$0x10150] =	vst v12  }
0xbf: {  	s23 =	simm.s32 @!p0 $0x0;
	v9 =	vsel vm3, v9, v29;
	v10 =	vld [tilespmem:$0x101A0];
	v5 =	vsel vm2, v3, v5;
	vm1 =	vlt.f32 v27, v16;
	[tilespmem:$0x10060] =	vst v17  }
0xc0: {  	s23 =	sshll.u32 s23, $0x9;
	v4 =	vsel vm0, v4, v9;
	v11 =	vld [tilespmem:$0x101B0];
	v16 =	vsel vm1, v27, v16;
	[tilespmem:$0x10160] =	vst v5  }
0xc1: {  	s23 =	sadd.s32 $0x0, s23;
	v12 =	vld [tilespmem:$0x101C0];
	v3 =	vsel vm1, v3, v4;
	[tilespmem:$0x10070] =	vst v16  }
0xc2: {  	s24 =	sor.u32 $0x580, s23;
	v21 =	vld [tilespmem:$0x101F0];
	[tilespmem:$0x10170] =	vst v3  }
0xc3: {  	s30 =	sor.u32 $0x590, s23;
	v58 =	vld [tilespmem:s24+$0x0]  }
0xc4: {  	s31 =	sor.u32 $0x5A0, s23;
	v28 =	vld [tilespmem:s30+$0x0]  }
0xc5: {  	s25 =	sor.u32 $0x5B0, s23;
	v16 =	vld [tilespmem:s31+$0x0]  }
0xc6: {  	s26 =	sor.u32 $0x5C0, s23;
	v17 =	vld [tilespmem:s25+$0x0]  }
0xc7: {  	s28 =	sor.u32 $0x5D0, s23;
	v18 =	vld [tilespmem:s26+$0x0]  }
0xc8: {  	s29 =	sor.u32 $0x510, s23;
	v5 =	vld [tilespmem:s28+$0x0]  }
0xc9: {  	s25 =	sor.u32 $0x500, s23;
	v59 =	vld [tilespmem:s29+$0x0]  }
0xca: {  	s30 =	sor.u32 $0x400, s23;
	v30 =	vld [tilespmem:s25+$0x0]  }
0xcb: {  	s31 =	sor.u32 $0x410, s23;
	v31 =	vld [tilespmem:s30+$0x0]  }
0xcc: {  	s26 =	sor.u32 $0x490, s23;
	v60 =	vld [tilespmem:s31+$0x0]  }
0xcd: {  	s25 =	sor.u32 $0x480, s23;
	v62 =	vld [tilespmem:s26+$0x0]  }
0xce: {  	s28 =	sor.u32 $0x520, s23;
	v61 =	vld [tilespmem:s25+$0x0]  }
0xcf: {  	s29 =	sor.u32 $0x530, s23;
	v26 =	vld [tilespmem:s28+$0x0]  }
0xd0: {  	v9 =	vor.u32 $0x1, v2;
	v4 =	vor.u32 $0x2, v2;
	s30 =	sor.u32 $0x4A0, s23;
	v27 =	vld [tilespmem:s29+$0x0]  }
0xd1: {  	v3 =	vor.u32 $0x3, v2;
	s31 =	sor.u32 $0x420, s23;
	v29 =	vld [tilespmem:s30+$0x0];
	vm0 =	vlt.f32 v31, v22;
	vm1 =	vlt.f32 v60, v23  }
0xd2: {  	s26 =	sor.u32 $0x440, s23;
	v32 =	vld [tilespmem:s31+$0x0];
	v22 =	vsel vm0, v31, v22;
	v23 =	vsel vm1, v60, v23;
	v25 =	vsel vm1, v2, v25  }
0xd3: {  	s29 =	sor.u32 $0x4C0, s23;
	v35 =	vld [tilespmem:s26+$0x0];
	v24 =	vsel vm0, v2, v24;
	vm0 =	vlt.f32 v61, v22;
	vm1 =	vlt.f32 v62, v23  }
0xd4: {  	s25 =	sor.u32 $0x430, s23;
	v34 =	vld [tilespmem:s29+$0x0];
	v22 =	vsel vm0, v61, v22;
	v23 =	vsel vm1, v62, v23;
	v25 =	vsel vm1, v9, v25  }
0xd5: {  	s28 =	sor.u32 $0x4B0, s23;
	v33 =	vld [tilespmem:s25+$0x0];
	v24 =	vsel vm0, v9, v24;
	vm0 =	vlt.f32 v30, v22;
	vm1 =	vlt.f32 v59, v23  }
0xd6: {  	s30 =	sor.u32 $0x540, s23;
	v31 =	vld [tilespmem:s28+$0x0];
	v63 =	vsel vm0, v30, v22;
	v22 =	vsel vm1, v59, v23;
	v25 =	vsel vm1, v4, v25  }
0xd7: {  	s31 =	sor.u32 $0x550, s23;
	v24 =	vsel vm0, v4, v24;
	v30 =	vld [tilespmem:s30+$0x0];
	vm3 =	vlt.f32 v58, v63;
	vm0 =	vlt.f32 v28, v22  }
0xd8: {  	s24 =	simm.s32 $0x0;
	s26 =	sor.u32 $0x4D0, s23;
	s25 =	simm.s32 $0x200;
	v23 =	vsel vm0, v28, v22;
	v22 =	vsel vm0, v3, v25;
	v28 =	vld [tilespmem:s31+$0x0];
	v25 =	vsel vm3, v58, v63  }
.LBB2_5:
0xd9: {  	v36 =	vimm.s32 $0x0;
	s29 =	sor.u32 $0x460, s23;
	vm0 =	vlt.f32 v32, v6  }
0xda: {  	v51 =	vimm.s32 $0x0;
	v36 =	vsel vm3, $0xFFFFFFFF, v36;
	v56 =	vld [tilespmem:s29+$0x0];
	v6 =	vsel vm0, v32, v6  }
0xdb: {  	s31 =	sor.u32 $0x4E0, s23;
	[tilespmem:$0x1FF60] =	vst v36;
	v36 =	vsel vm0, $0xFFFFFFFF, v51;
	vm0 =	vlt.f32 v29, v6  }
0xdc: {  	s28 =	sor.u32 $0x450, s23;
	v57 =	vimm.s32 $0x0;
	vm2 =	vlt.f32 v35, v8;
	v6 =	vsel vm0, v29, v6;
	v29 =	vld [tilespmem:s31+$0x0]  }
0xdd: {  	v55 =	vld [tilespmem:s28+$0x0];
	s29 =	sor.u32 $0x560, s23;
	v8 =	vsel vm2, v35, v8;
	v35 =	vsel vm0, $0xFFFFFFFF, v57;
	vm0 =	vlt.f32 v26, v6  }
0xde: {  	v6 =	vsel vm0, v26, v6;
	v26 =	vld [tilespmem:s29+$0x0]  }
0xdf: {  	v54 =	vld [tilespmem:s26+$0x0];
	vm14 =	vlt.f32 v56, v14  }
0xe0: {  	v14 =	vsel vm14, v56, v14  }
0xe1: {  	vm8 =	vlt.f32 v29, v14  }
0xe2: {  	v52 =	vimm.s32 $0x0;
	vm13 =	vlt.f32 v55, v13;
	v14 =	vsel vm8, v29, v14  }
0xe3: {  	vm1 =	vlt.f32 v33, v7;
	[tilespmem:$0x1FEE0] =	vst v36;
	v13 =	vsel vm13, v55, v13;
	vm5 =	vlt.f32 v26, v14  }
0xe4: {  	v7 =	vsel vm1, v33, v7;
	vm7 =	vlt.f32 v54, v13;
	v14 =	vsel vm5, v26, v14;
	v26 =	vld [tilespmem:$0x1FEE0]  }
0xe5: {  	v36 =	vsel vm1, $0xFFFFFFFF, v52;
	vm1 =	vlt.f32 v31, v7;
	v13 =	vsel vm7, v54, v13  }
0xe6: {  	v7 =	vsel vm1, v31, v7;
	v19 =	vsel vm13, v2, v19;
	vm3 =	vlt.f32 v28, v13  }
0xe7: {  	v31 =	vimm.s32 $0x0;
	v19 =	vsel vm7, v9, v19;
	v13 =	vsel vm3, v28, v13  }
0xe8: {  	[tilespmem:$0x1FEF0] =	vst v36;
	v31 =	vsel vm0, $0xFFFFFFFF, v31;
	v19 =	vsel vm3, v4, v19;
	vm0 =	vlt.f32 v5, v13  }
0xe9: {  	v13 =	vsel vm0, v5, v13;
	v19 =	vsel vm0, v3, v19;
	vm0 =	vnez.u8 v26;
	v26 =	vld [tilespmem:$0x1FEF0];
	_ =	sdelay $0x1  }
0xea: {  	v53 =	vimm.s32 $0x0  }
0xeb: {  	v36 =	vsel vm2, $0xFFFFFFFF, v53  }
0xec: {  	[tilespmem:$0x1FF00] =	vst v36  }
0xed: {  	v10 =	vsel vm0, v2, v10;
	vm0 =	vnez.u8 v26;
	v26 =	vld [tilespmem:$0x1FF00];
	_ =	sdelay $0x3  }
0xee: {  	[tilespmem:$0x1FF10] =	vst v35  }
0xef: {  	v11 =	vsel vm0, v2, v11;
	vm0 =	vnez.u8 v26;
	v26 =	vld [tilespmem:$0x1FF10];
	_ =	sdelay $0x1  }
0xf0: {  	v58 =	vimm.s32 $0x0  }
0xf1: {  	v35 =	vsel vm1, $0xFFFFFFFF, v58  }
0xf2: {  	[tilespmem:$0x1FF20] =	vst v35  }
0xf3: {  	v12 =	vsel vm0, v2, v12;
	vm0 =	vnez.u8 v26;
	v26 =	vld [tilespmem:$0x1FF20]  }
0xf4: {  	s30 =	sor.u32 $0x470, s23;
	v59 =	vimm.s32 $0x0;
	vm2 =	vlt.f32 v34, v8  }
0xf5: {  	v60 =	vld [tilespmem:s30+$0x0];
	vm1 =	vlt.f32 v27, v7;
	v35 =	vsel vm2, $0xFFFFFFFF, v59;
	[tilespmem:$0x1FF40] =	vst v31;
	v31 =	vimm.s32 $0x0  }
0xf6: {  	s28 =	sor.u32 $0x4F0, s23;
	[tilespmem:$0x1FF30] =	vst v35;
	v31 =	vsel vm1, $0xFFFFFFFF, v31  }
0xf7: {  	[tilespmem:$0x1FF50] =	vst v31;
	v31 =	vld [tilespmem:s28+$0x0]  }
0xf8: {  	v10 =	vsel vm0, v9, v10;
	vm0 =	vnez.u8 v26;
	v26 =	vld [tilespmem:$0x1FF30]  }
0xf9: {  	v8 =	vsel vm2, v34, v8  }
0xfa: {  	vm15 =	vlt.f32 v60, v15;
	vm9 =	vlt.f32 v30, v8  }
0xfb: {  	p0 =	por !p0, !p0;
	s30 =	sor.u32 $0x570, s23;
	v15 =	vsel vm15, v60, v15;
	v20 =	vsel vm14, v2, v20;
	v8 =	vsel vm9, v30, v8;
	s28 =	simm.s32 $0x1  }
0xfc: {  	s26 =	sor.u32 $0x5F0, s23;
	v21 =	vsel vm15, v2, v21;
	v7 =	vsel vm1, v27, v7;
	v27 =	vld [tilespmem:s30+$0x0];
	vm12 =	vlt.f32 v18, v8;
	s28 =	simm.s32 @!p0 $0x0  }
0xfd: {  	s24 =	sadd.s32 $0x400, s24;
	v30 =	vld [tilespmem:s26+$0x0];
	s28 =	sshll.u32 s28, $0x9;
	vm6 =	vlt.f32 v31, v15;
	v11 =	vsel vm0, v9, v11;
	vm0 =	vnez.u8 v26  }
0xfe: {  	s31 =	sor.u32 $0x5E0, s23;
	v20 =	vsel vm8, v9, v20;
	s23 =	sadd.s32 s28, s24;
	v21 =	vsel vm6, v9, v21;
	v9 =	vsel vm0, v9, v12;
	v12 =	vld [tilespmem:$0x1FF40]  }
0xff: {  	v8 =	vsel vm12, v18, v8;
	v18 =	vld [tilespmem:s31+$0x0];
	s26 =	sor.u32 $0x580, s23  }
0x100: {  	s29 =	sor.u32 $0x590, s23;
	v61 =	vld [tilespmem:s26+$0x0]  }
0x101: {  	vm10 =	vlt.f32 v16, v6;
	s30 =	sor.u32 $0x5A0, s23;
	v37 =	vld [tilespmem:s29+$0x0]  }
0x102: {  	v6 =	vsel vm10, v16, v6;
	v16 =	vld [tilespmem:s30+$0x0]  }
0x103: {  	vm11 =	vlt.f32 v17, v7;
	s31 =	sor.u32 $0x5B0, s23;
	vm0 =	vnez.u8 v12;
	v12 =	vld [tilespmem:$0x1FF50]  }
0x104: {  	v7 =	vsel vm11, v17, v7;
	s28 =	sor.u32 $0x5C0, s23;
	vm1 =	vlt.f32 v18, v14;
	v17 =	vld [tilespmem:s31+$0x0]  }
0x105: {  	s30 =	sor.u32 $0x500, s23;
	v14 =	vsel vm1, v18, v14;
	v18 =	vld [tilespmem:s28+$0x0]  }
0x106: {  	v28 =	vld [tilespmem:s30+$0x0];
	s30 =	sor.u32 $0x410, s23  }
0x107: {  	v20 =	vsel vm5, v4, v20;
	s29 =	sor.u32 $0x5D0, s23;
	v15 =	vsel vm6, v31, v15;
	v62 =	vld [tilespmem:s30+$0x0]  }
0x108: {  	v5 =	vld [tilespmem:s29+$0x0];
	s28 =	sor.u32 $0x490, s23;
	vm4 =	vlt.f32 v27, v15;
	v10 =	vsel vm0, v4, v10;
	vm0 =	vnez.u8 v12  }
0x109: {  	v38 =	vld [tilespmem:s28+$0x0];
	v21 =	vsel vm4, v4, v21;
	v11 =	vsel vm0, v4, v11;
	v4 =	vsel vm9, v4, v9  }
0x10a: {  	s29 =	sor.u32 $0x400, s23;
	v15 =	vsel vm4, v27, v15;
	v12 =	vsel vm12, v3, v4;
	v4 =	vld [tilespmem:$0x1FF60]  }
0x10b: {  	s31 =	sor.u32 $0x510, s23;
	v31 =	vld [tilespmem:s29+$0x0];
	vm2 =	vlt.f32 v30, v15  }
0x10c: {  	v20 =	vsel vm1, v3, v20;
	v15 =	vsel vm2, v30, v15;
	v30 =	vld [tilespmem:s31+$0x0];
	s31 =	sor.u32 $0x480, s23;
	vm1 =	vlt.f32 v62, v23  }
0x10d: {  	s30 =	sor.u32 $0x530, s23;
	v63 =	vld [tilespmem:s31+$0x0];
	v23 =	vsel vm1, v62, v23;
	v2 =	vadd.s32 $0x4, v2  }
0x10e: {  	v27 =	vld [tilespmem:s30+$0x0];
	s30 =	sor.u32 $0x430, s23;
	v22 =	vsel vm1, v2, v22;
	vm1 =	vlt.f32 v38, v23  }
0x10f: {  	v33 =	vld [tilespmem:s30+$0x0];
	v21 =	vsel vm2, v3, v21;
	s31 =	sor.u32 $0x4A0, s23;
	v23 =	vsel vm1, v38, v23;
	vm0 =	vnez.u8 v4  }
0x110: {  	v29 =	vld [tilespmem:s31+$0x0];
	s31 =	sor.u32 $0x440, s23;
	v9 =	vor.u32 $0x1, v2;
	v24 =	vsel vm0, v3, v24;
	vm0 =	vlt.f32 v31, v25  }
0x111: {  	s29 =	sor.u32 $0x520, s23;
	v35 =	vld [tilespmem:s31+$0x0];
	v10 =	vsel vm10, v3, v10;
	v22 =	vsel vm1, v9, v22;
	v25 =	vsel vm0, v31, v25  }
0x112: {  	p1 =	sne.s32 s25, $0x3E00;
	v26 =	vld [tilespmem:s29+$0x0];
	s29 =	sor.u32 $0x420, s23;
	vm1 =	vlt.f32 v30, v23;
	v24 =	vsel vm0, v2, v24;
	vm0 =	vlt.f32 v63, v25  }
.Ltmp1:
0x113: {  	v32 =	vld [tilespmem:s29+$0x0];
	s29 =	sor.u32 $0x4C0, s23;
	v11 =	vsel vm11, v3, v11;
	v23 =	vsel vm1, v30, v23;
	v25 =	vsel vm0, v63, v25;
	(pc) =	sbr.rel @p1 .LBB2_5-.Ltmp1, $4  }
0x114: {  	s30 =	sor.u32 $0x540, s23;
	v34 =	vld [tilespmem:s29+$0x0];
	v4 =	vor.u32 $0x2, v2;
	v24 =	vsel vm0, v9, v24;
	vm0 =	vlt.f32 v28, v25  }
0x115: {  	s28 =	sor.u32 $0x4B0, s23;
	v30 =	vld [tilespmem:s30+$0x0];
	v3 =	vor.u32 $0x3, v2;
	v22 =	vsel vm1, v4, v22;
	v25 =	vsel vm0, v28, v25  }
0x116: {  	s31 =	sor.u32 $0x550, s23;
	v31 =	vld [tilespmem:s28+$0x0];
	v24 =	vsel vm0, v4, v24;
	vm0 =	vlt.f32 v37, v23;
	vm3 =	vlt.f32 v61, v25  }
0x117: {  	s25 =	sadd.s32 $0x200, s25;
	s26 =	sor.u32 $0x4D0, s23;
	v28 =	vld [tilespmem:s31+$0x0];
	v23 =	vsel vm0, v37, v23;
	v22 =	vsel vm0, v3, v22;
	v25 =	vsel vm3, v61, v25  }
0x118: {  	s24 =	sor.u32 $0x450, s23  }
0x119: {  	s28 =	sor.u32 $0x460, s23;
	v36 =	vld [tilespmem:s24+$0x0]  }
0x11a: {  	s29 =	sor.u32 $0x470, s23;
	v37 =	vld [tilespmem:s28+$0x0]  }
0x11b: {  	v38 =	vld [tilespmem:s29+$0x0];
	_ =	sdelay $0x1  }
0x11c: {  	v39 =	vld [tilespmem:s26+$0x0];
	s30 =	sor.u32 $0x4E0, s23  }
0x11d: {  	v40 =	vld [tilespmem:s30+$0x0]  }
0x11e: {  	v24 =	vsel vm3, v3, v24  }
0x11f: {  	vm0 =	vlt.f32 v36, v13;
	vm1 =	vlt.f32 v37, v14;
	vm2 =	vlt.f32 v38, v15  }
0x120: {  	v13 =	vsel vm0, v36, v13;
	v14 =	vsel vm1, v37, v14;
	v15 =	vsel vm2, v38, v15  }
0x121: {  	v19 =	vsel vm0, v2, v19;
	vm0 =	vlt.f32 v32, v6;
	v20 =	vsel vm1, v2, v20  }
0x122: {  	v21 =	vsel vm2, v2, v21;
	vm1 =	vlt.f32 v39, v13;
	vm2 =	vlt.f32 v40, v14  }
0x123: {  	v6 =	vsel vm0, v32, v6;
	v10 =	vsel vm0, v2, v10;
	v13 =	vsel vm1, v39, v13  }
0x124: {  	s31 =	sor.u32 $0x4F0, s23;
	v19 =	vsel vm1, v9, v19;
	vm1 =	vlt.f32 v33, v7;
	v14 =	vsel vm2, v40, v14  }
0x125: {  	s25 =	sor.u32 $0x560, s23;
	v52 =	vld [tilespmem:s31+$0x0];
	v20 =	vsel vm2, v9, v20;
	vm2 =	vlt.f32 v35, v8;
	vm0 =	vlt.f32 v29, v6  }
0x126: {  	s26 =	sor.u32 $0x570, s23;
	v53 =	vld [tilespmem:s25+$0x0];
	v7 =	vsel vm1, v33, v7;
	v8 =	vsel vm2, v35, v8;
	v11 =	vsel vm1, v2, v11  }
0x127: {  	v54 =	vld [tilespmem:s26+$0x0];
	s28 =	sor.u32 $0x5E0, s23;
	v2 =	vsel vm2, v2, v12;
	v6 =	vsel vm0, v29, v6;
	v10 =	vsel vm0, v9, v10  }
0x128: {  	s29 =	sor.u32 $0x5F0, s23;
	v12 =	vld [tilespmem:s28+$0x0];
	vm1 =	vlt.f32 v31, v7;
	vm2 =	vlt.f32 v34, v8;
	vm0 =	vlt.f32 v26, v6  }
0x129: {  	v29 =	vld [tilespmem:s29+$0x0];
	[tilespmem:$0x10080] =	vst v25;
	v7 =	vsel vm1, v31, v7;
	v8 =	vsel vm2, v34, v8;
	v11 =	vsel vm1, v9, v11  }
0x12a: {  	[tilespmem:$0x10180] =	vst v24;
	v6 =	vsel vm0, v26, v6;
	v2 =	vsel vm2, v9, v2;
	v10 =	vsel vm0, v4, v10  }
0x12b: {  	[tilespmem:$0x10090] =	vst v23;
	vm3 =	vlt.f32 v27, v7;
	vm1 =	vlt.f32 v30, v8;
	vm2 =	vlt.f32 v16, v6  }
0x12c: {  	[tilespmem:$0x10190] =	vst v22;
	v7 =	vsel vm3, v27, v7;
	v8 =	vsel vm1, v30, v8;
	v6 =	vsel vm2, v16, v6  }
0x12d: {  	v10 =	vsel vm2, v3, v10;
	vm0 =	vlt.f32 v17, v7;
	vm2 =	vlt.f32 v18, v8;
	[tilespmem:$0x100A0] =	vst v6  }
0x12e: {  	[tilespmem:$0x101A0] =	vst v10;
	v6 =	vsel vm0, v17, v7;
	v7 =	vsel vm2, v18, v8;
	v8 =	vsel vm3, v4, v11  }
0x12f: {  	v2 =	vsel vm1, v4, v2;
	v8 =	vsel vm0, v3, v8;
	vm0 =	vlt.f32 v28, v13;
	[tilespmem:$0x100B0] =	vst v6  }
0x130: {  	vm3 =	vlt.f32 v52, v15;
	v2 =	vsel vm2, v3, v2;
	[tilespmem:$0x100C0] =	vst v7;
	v10 =	vsel vm0, v28, v13  }
0x131: {  	vm1 =	vlt.f32 v53, v14;
	v6 =	vsel vm3, v52, v15;
	[tilespmem:$0x101C0] =	vst v2;
	vm2 =	vlt.f32 v5, v10  }
0x132: {  	v7 =	vsel vm1, v53, v14;
	[tilespmem:$0x101B0] =	vst v8;
	v8 =	vsel vm0, v4, v19;
	v5 =	vsel vm2, v5, v10  }
0x133: {  	vm0 =	vlt.f32 v54, v6;
	v2 =	vsel vm2, v3, v8;
	vm2 =	vlt.f32 v12, v7;
	[tilespmem:$0x100D0] =	vst v5  }
0x134: {  	p0 =	seq.s32 s21, $0x6;
	v5 =	vsel vm0, v54, v6;
	v6 =	vsel vm2, v12, v7;
	v7 =	vsel vm1, v4, v20;
	[tilespmem:$0x101D0] =	vst v2  }
0x135: {  	s23 =	sshll.u32 @!p0 s21, $0x13;
	v2 =	vsel vm3, v9, v21;
	vm1 =	vlt.f32 v29, v5;
	v7 =	vsel vm2, v3, v7;
	[tilespmem:$0x100E0] =	vst v6  }
0x136: {  	s23 =	sadd.s32 @!p0 s23, s6;
	v2 =	vsel vm0, v4, v2;
	v5 =	vsel vm1, v29, v5;
	[tilespmem:$0x101E0] =	vst v7  }
0x137: {  	s24 =	simm.s32 @!p0 $0x800;
	s23 =	sshrl.u32 @!p0 s23, $0x3;
	v2 =	vsel vm1, v3, v2;
	[tilespmem:$0x100F0] =	vst v5  }
0x138: {  	s25 =	simm.s32 @!p0 $0x4000;
	s26 =	simm.s32 @!p0 $0x0;
	s23 =	sadd.s32 @!p0 s2, s23;
	[tilespmem:$0x101F0] =	vst v2  }
0x139: {  	[tilespmem:s26], [sflag:$0x1] =	stream.strided.gather @!p0 [hbm4b:s23+s24], $0x8000, s25, s24, $0x38;
	[tilespmem:$0x10200] =	vst v63  }
0x13a: {  	_ =	swait.ge [sflag:s14], $0x8000  }
0x13b: {  	[sflag:s14] =	ssyncset.done $0x0  }
0x13c: {  	[sflag:s14] =	ssyncadd.s32 $0xFFFF8000  }
0x13d: {  	v19 =	vld [tilespmem:$0x10000]  }
0x13e: {  	v20 =	vld [tilespmem:$0x10010]  }
0x13f: {  	v21 =	vld [tilespmem:$0x10020]  }
0x140: {  	v27 =	vld [tilespmem:$0x10030]  }
0x141: {  	v28 =	vld [tilespmem:$0x10040]  }
0x142: {  	v18 =	vld [tilespmem:$0x10050]  }
0x143: {  	v17 =	vld [tilespmem:$0x10060]  }
0x144: {  	v16 =	vld [tilespmem:$0x10070]  }
0x145: {  	v22 =	vld [tilespmem:$0x10100]  }
0x146: {  	v23 =	vld [tilespmem:$0x10110]  }
0x147: {  	v8 =	vld [tilespmem:$0x10120]  }
0x148: {  	v7 =	vld [tilespmem:$0x10130]  }
0x149: {  	v6 =	vld [tilespmem:$0x10140]  }
0x14a: {  	s24 =	simm.s32 $0x0;
	v15 =	vld [tilespmem:$0x10150]  }
0x14b: {  	s30 =	sand.u32 $0x7800, s24;
	s31 =	sand.u32 $0x200, s24;
	v13 =	vld [tilespmem:$0x10160]  }
0x14c: {  	s23 =	sor.u32 s31, s30;
	v14 =	vld [tilespmem:$0x10170]  }
0x14d: {  	v29 =	vld [tilespmem:s23+$0x8180]  }
0x14e: {  	v55 =	vld [tilespmem:s23+$0x8190]  }
0x14f: {  	v11 =	vld [tilespmem:s23+$0x81A0]  }
0x150: {  	v10 =	vld [tilespmem:s23+$0x81B0]  }
0x151: {  	v12 =	vld [tilespmem:s23+$0x81C0]  }
0x152: {  	v5 =	vld [tilespmem:s23+$0x81D0]  }
0x153: {  	v56 =	vld [tilespmem:s23+$0x8000]  }
0x154: {  	v57 =	vld [tilespmem:s23+$0x8010]  }
0x155: {  	v60 =	vld [tilespmem:s23+$0x8020]  }
0x156: {  	v61 =	vld [tilespmem:s23+$0x8030]  }
0x157: {  	s22 =	sshll.u32 s22, $0x7;
	v62 =	vld [tilespmem:s23+$0x8040]  }
0x158: {  	s22 =	sadd.s32 $0x900, s22;
	v25 =	vld [tilespmem:s23+$0x8100]  }
0x159: {  	v2 =	vmov s22;
	v58 =	vld [tilespmem:s23+$0x8080]  }
0x15a: {  	v4 =	vor.u32 $0x2, v2;
	v3 =	vor.u32 $0x3, v2;
	v59 =	vld [tilespmem:s23+$0x8090]  }
0x15b: {  	v9 =	vor.u32 $0x1, v2;
	v31 =	vld [tilespmem:s23+$0x8110];
	vm0 =	vlt.f32 v56, v19;
	vm1 =	vlt.f32 v57, v20  }
0x15c: {  	v24 =	vld [tilespmem:s23+$0x8120];
	vm3 =	vlt.f32 v60, v21;
	vm2 =	vlt.f32 v61, v27;
	vm11 =	vlt.f32 v62, v28  }
0x15d: {  	v26 =	vld [tilespmem:s23+$0x8130];
	v19 =	vsel vm0, v56, v19;
	v20 =	vsel vm1, v57, v20;
	v23 =	vsel vm1, v2, v23  }
0x15e: {  	v30 =	vld [tilespmem:s23+$0x80A0];
	v22 =	vsel vm0, v2, v22;
	v35 =	vsel vm3, v60, v21;
	v27 =	vsel vm2, v61, v27  }
0x15f: {  	v32 =	vld [tilespmem:s23+$0x80B0];
	v28 =	vsel vm11, v62, v28;
	vm0 =	vlt.f32 v58, v19;
	vm1 =	vlt.f32 v59, v20  }
0x160: {  	v33 =	vld [tilespmem:s23+$0x80C0];
	v19 =	vsel vm0, v58, v19;
	v20 =	vsel vm1, v59, v20;
	v23 =	vsel vm1, v9, v23  }
0x161: {  	v34 =	vld [tilespmem:s23+$0x80D0];
	v22 =	vsel vm0, v9, v22;
	vm0 =	vlt.f32 v25, v19;
	vm1 =	vlt.f32 v31, v20  }
0x162: {  	v36 =	vld [tilespmem:s23+$0x8050];
	v19 =	vsel vm0, v25, v19;
	v20 =	vsel vm1, v31, v20;
	v63 =	vsel vm1, v4, v23  }
0x163: {  	v23 =	vsel vm0, v4, v22;
	v31 =	vld [tilespmem:s23+$0x8140];
	vm4 =	vlt.f32 v29, v19;
	vm0 =	vlt.f32 v55, v20  }
0x164: {  	s22 =	simm.s32 $0x200;
	v21 =	vmovc v2;
	v25 =	vld [tilespmem:s23+$0x8150];
	v22 =	vsel vm4, v29, v19;
	v20 =	vsel vm0, v55, v20;
	v19 =	vsel vm0, v3, v63  }
.LBB2_7:
0x165: {  	v29 =	vimm.s32 $0x0  }
0x166: {  	v29 =	vsel vm4, $0xFFFFFFFF, v29  }
0x167: {  	[tilespmem:$0x1FED0] =	vst v29;
	v29 =	vimm.s32 $0x0;
	vm0 =	vlt.f32 v30, v35  }
0x168: {  	v29 =	vsel vm0, $0xFFFFFFFF, v29  }
0x169: {  	vm1 =	vlt.f32 v32, v27;
	[tilespmem:$0x1FE50] =	vst v29;
	v29 =	vimm.s32 $0x0  }
0x16a: {  	v29 =	vsel vm1, $0xFFFFFFFF, v29  }
0x16b: {  	vm5 =	vlt.f32 v33, v28;
	[tilespmem:$0x1FE60] =	vst v29;
	v29 =	vimm.s32 $0x0  }
0x16c: {  	v29 =	vsel vm5, $0xFFFFFFFF, v29  }
0x16d: {  	v27 =	vsel vm1, v32, v27;
	[tilespmem:$0x1FE70] =	vst v29;
	v29 =	vsel vm0, v30, v35  }
0x16e: {  	v38 =	vld [tilespmem:s23+$0x8070];
	vm1 =	vlt.f32 v26, v27;
	vm0 =	vlt.f32 v24, v29  }
0x16f: {  	v52 =	vimm.s32 $0x0;
	v26 =	vsel vm1, v26, v27;
	v24 =	vsel vm0, v24, v29  }
0x170: {  	v55 =	vld [tilespmem:s23+$0x80F0];
	v27 =	vimm.s32 $0x0;
	v32 =	vsel vm0, $0xFFFFFFFF, v52;
	vm0 =	vlt.f32 v11, v24  }
0x171: {  	v53 =	vimm.s32 $0x0;
	[tilespmem:$0x1FE80] =	vst v32;
	v27 =	vsel vm0, $0xFFFFFFFF, v27  }
0x172: {  	v56 =	vld [tilespmem:s23+$0x8170];
	v32 =	vsel vm1, $0xFFFFFFFF, v53;
	vm1 =	vlt.f32 v10, v26;
	[tilespmem:$0x1FEB0] =	vst v27;
	v27 =	vimm.s32 $0x0  }
0x173: {  	vm15 =	vlt.f32 v38, v16;
	v27 =	vsel vm1, $0xFFFFFFFF, v27  }
0x174: {  	v16 =	vsel vm15, v38, v16;
	[tilespmem:$0x1FEC0] =	vst v27;
	v27 =	vsel vm0, v11, v24;
	v24 =	vld [tilespmem:s23+$0x81F0]  }
0x175: {  	vm4 =	vlt.f32 v55, v16  }
0x176: {  	v16 =	vsel vm4, v55, v16  }
0x177: {  	vm7 =	vlt.f32 v56, v16  }
0x178: {  	v16 =	vsel vm7, v56, v16  }
0x179: {  	vm10 =	vlt.f32 v24, v16  }
0x17a: {  	v16 =	vsel vm10, v24, v16;
	v24 =	vld [tilespmem:$0x1FE50]  }
0x17b: {  	v28 =	vsel vm5, v33, v28  }
0x17c: {  	vm13 =	vlt.f32 v36, v18;
	vm5 =	vlt.f32 v31, v28  }
0x17d: {  	v29 =	vsel vm5, v31, v28;
	v28 =	vsel vm1, v10, v26;
	v10 =	vsel vm13, v36, v18  }
0x17e: {  	v15 =	vsel vm13, v21, v15;
	vm0 =	vlt.f32 v34, v10  }
0x17f: {  	v10 =	vsel vm0, v34, v10;
	v15 =	vsel vm0, v9, v15;
	vm0 =	vnez.u8 v24;
	v24 =	vld [tilespmem:$0x1FE60];
	_ =	sdelay $0x2  }
0x180: {  	v37 =	vld [tilespmem:s23+$0x8060]  }
0x181: {  	v8 =	vsel vm3, v21, v8;
	v30 =	vld [tilespmem:s23+$0x80E0]  }
0x182: {  	v8 =	vsel vm0, v9, v8;
	vm0 =	vnez.u8 v24;
	v24 =	vld [tilespmem:$0x1FE70];
	_ =	sdelay $0x2  }
0x183: {  	v7 =	vsel vm2, v21, v7;
	v6 =	vsel vm11, v21, v6;
	vm14 =	vlt.f32 v37, v17  }
0x184: {  	v13 =	vsel vm14, v21, v13;
	v14 =	vsel vm15, v21, v14;
	v11 =	vsel vm14, v37, v17  }
0x185: {  	vm1 =	vlt.f32 v30, v11;
	v7 =	vsel vm0, v9, v7;
	vm0 =	vnez.u8 v24  }
0x186: {  	v14 =	vsel vm4, v9, v14;
	v13 =	vsel vm1, v9, v13;
	v6 =	vsel vm0, v9, v6;
	v9 =	vld [tilespmem:$0x1FE80];
	_ =	sdelay $0x3  }
0x187: {  	[tilespmem:$0x1FE90] =	vst v32  }
0x188: {  	vm0 =	vnez.u8 v9;
	v9 =	vld [tilespmem:$0x1FE90];
	_ =	sdelay $0x1  }
0x189: {  	v54 =	vimm.s32 $0x0  }
0x18a: {  	v32 =	vsel vm5, $0xFFFFFFFF, v54  }
0x18b: {  	v31 =	vld [tilespmem:s23+$0x8160];
	[tilespmem:$0x1FEA0] =	vst v32  }
0x18c: {  	s24 =	sadd.s32 $0x400, s24;
	v8 =	vsel vm0, v4, v8;
	vm0 =	vnez.u8 v9;
	v9 =	vld [tilespmem:$0x1FEA0]  }
0x18d: {  	s25 =	sand.u32 $0x200, s22;
	s31 =	sand.u32 $0x7800, s24;
	vm12 =	vlt.f32 v12, v29  }
0x18e: {  	v29 =	vsel vm12, v12, v29;
	v12 =	vld [tilespmem:s23+$0x81E0];
	s23 =	sor.u32 s25, s31  }
0x18f: {  	v57 =	vld [tilespmem:s23+$0x8180]  }
0x190: {  	v14 =	vsel vm7, v4, v14;
	v58 =	vld [tilespmem:s23+$0x8190];
	v11 =	vsel vm1, v30, v11;
	vm5 =	vlt.f32 v25, v10  }
0x191: {  	v59 =	vld [tilespmem:s23+$0x8000];
	vm6 =	vlt.f32 v31, v11;
	v7 =	vsel vm0, v4, v7;
	vm0 =	vnez.u8 v9  }
0x192: {  	v15 =	vsel vm5, v4, v15;
	v13 =	vsel vm6, v4, v13;
	v4 =	vsel vm0, v4, v6;
	v6 =	vld [tilespmem:$0x1FEB0]  }
0x193: {  	v60 =	vld [tilespmem:s23+$0x8010]  }
0x194: {  	v61 =	vld [tilespmem:s23+$0x8080]  }
0x195: {  	v62 =	vld [tilespmem:s23+$0x8090]  }
0x196: {  	v26 =	vld [tilespmem:s23+$0x8130]  }
0x197: {  	vm0 =	vnez.u8 v6;
	v6 =	vld [tilespmem:$0x1FEC0]  }
0x198: {  	v63 =	vld [tilespmem:s23+$0x8020]  }
0x199: {  	v39 =	vld [tilespmem:s23+$0x8030];
	v17 =	vsel vm5, v25, v10  }
0x19a: {  	v40 =	vld [tilespmem:s23+$0x8040];
	v25 =	vsel vm6, v31, v11;
	vm8 =	vlt.f32 v5, v17  }
0x19b: {  	v21 =	vadd.s32 $0x4, v21;
	v32 =	vld [tilespmem:s23+$0x80B0];
	vm9 =	vlt.f32 v12, v25;
	v18 =	vsel vm8, v5, v17  }
0x19c: {  	v8 =	vsel vm0, v3, v8;
	vm0 =	vnez.u8 v6;
	v6 =	vsel vm12, v3, v4;
	v4 =	vld [tilespmem:$0x1FED0]  }
0x19d: {  	v33 =	vld [tilespmem:s23+$0x80C0];
	v15 =	vsel vm8, v3, v15;
	v17 =	vsel vm9, v12, v25;
	v13 =	vsel vm9, v3, v13  }
0x19e: {  	v34 =	vld [tilespmem:s23+$0x80D0];
	v14 =	vsel vm10, v3, v14;
	vm1 =	vlt.f32 v60, v20;
	vm3 =	vlt.f32 v63, v27  }
0x19f: {  	v31 =	vld [tilespmem:s23+$0x8110];
	vm2 =	vlt.f32 v39, v28;
	vm11 =	vlt.f32 v40, v29;
	v20 =	vsel vm1, v60, v20  }
0x1a0: {  	v36 =	vld [tilespmem:s23+$0x8050];
	v19 =	vsel vm1, v21, v19;
	v35 =	vsel vm3, v63, v27;
	v27 =	vsel vm2, v39, v28  }
0x1a1: {  	v25 =	vld [tilespmem:s23+$0x8100];
	vm1 =	vlt.f32 v62, v20;
	v7 =	vsel vm0, v3, v7;
	vm0 =	vnez.u8 v4  }
0x1a2: {  	v30 =	vld [tilespmem:s23+$0x80A0];
	v9 =	vor.u32 $0x1, v21;
	v23 =	vsel vm0, v3, v23;
	vm0 =	vlt.f32 v59, v22  }
0x1a3: {  	v10 =	vld [tilespmem:s23+$0x81B0];
	v20 =	vsel vm1, v62, v20;
	v19 =	vsel vm1, v9, v19;
	v22 =	vsel vm0, v59, v22  }
0x1a4: {  	p0 =	sne.s32 s22, $0x3E00;
	v11 =	vld [tilespmem:s23+$0x81A0];
	vm1 =	vlt.f32 v31, v20;
	v23 =	vsel vm0, v21, v23;
	vm0 =	vlt.f32 v61, v22  }
.Ltmp2:
0x1a5: {  	v5 =	vld [tilespmem:s23+$0x81D0];
	v28 =	vsel vm11, v40, v29;
	v20 =	vsel vm1, v31, v20;
	v22 =	vsel vm0, v61, v22;
	(pc) =	sbr.rel @p0 .LBB2_7-.Ltmp2, $4  }
0x1a6: {  	v12 =	vld [tilespmem:s23+$0x81C0];
	v4 =	vor.u32 $0x2, v21;
	v23 =	vsel vm0, v9, v23;
	vm0 =	vlt.f32 v25, v22  }
0x1a7: {  	v24 =	vld [tilespmem:s23+$0x8120];
	v3 =	vor.u32 $0x3, v21;
	v19 =	vsel vm1, v4, v19;
	v22 =	vsel vm0, v25, v22  }
0x1a8: {  	v31 =	vld [tilespmem:s23+$0x8140];
	v23 =	vsel vm0, v4, v23;
	vm0 =	vlt.f32 v58, v20;
	vm4 =	vlt.f32 v57, v22  }
0x1a9: {  	s22 =	sadd.s32 $0x200, s22;
	v25 =	vld [tilespmem:s23+$0x8150];
	v20 =	vsel vm0, v58, v20;
	v19 =	vsel vm0, v3, v19;
	v22 =	vsel vm4, v57, v22  }
0x1aa: {  	v29 =	vld [tilespmem:s23+$0x8060]  }
0x1ab: {  	v37 =	vld [tilespmem:s23+$0x8070]  }
0x1ac: {  	vm0 =	vlt.f32 v36, v18  }
0x1ad: {  	v38 =	vld [tilespmem:s23+$0x80E0];
	v8 =	vsel vm3, v21, v8;
	v7 =	vsel vm2, v21, v7;
	vm1 =	vlt.f32 v32, v27  }
0x1ae: {  	v6 =	vsel vm11, v21, v6;
	vm2 =	vlt.f32 v33, v28;
	v23 =	vsel vm4, v3, v23  }
0x1af: {  	v18 =	vsel vm0, v36, v18;
	v15 =	vsel vm0, v21, v15;
	vm0 =	vlt.f32 v29, v17  }
0x1b0: {  	v54 =	vld [tilespmem:s23+$0x80F0];
	v17 =	vsel vm0, v29, v17;
	v13 =	vsel vm0, v21, v13;
	vm0 =	vlt.f32 v37, v16  }
0x1b1: {  	v57 =	vld [tilespmem:s23+$0x8160];
	v16 =	vsel vm0, v37, v16;
	v29 =	vsel vm0, v21, v14;
	vm0 =	vlt.f32 v34, v18  }
0x1b2: {  	v39 =	vld [tilespmem:s23+$0x8170];
	v18 =	vsel vm0, v34, v18;
	v55 =	vsel vm0, v9, v15;
	vm0 =	vlt.f32 v38, v17  }
0x1b3: {  	v21 =	vld [tilespmem:s23+$0x81E0];
	v17 =	vsel vm0, v38, v17;
	v56 =	vsel vm0, v9, v13;
	vm0 =	vlt.f32 v30, v35  }
0x1b4: {  	v14 =	vsel vm1, v32, v27;
	v27 =	vld [tilespmem:s23+$0x81F0];
	v15 =	vsel vm2, v33, v28;
	v13 =	vsel vm0, v30, v35  }
0x1b5: {  	[tilespmem:$0x10000] =	vst v22;
	v22 =	vld [tilespmem:$0x10080];
	vm3 =	vlt.f32 v26, v14;
	v8 =	vsel vm0, v9, v8;
	vm0 =	vlt.f32 v24, v13  }
0x1b6: {  	[tilespmem:$0x10100] =	vst v23;
	v23 =	vld [tilespmem:$0x10090];
	v28 =	vsel vm1, v9, v7;
	vm1 =	vlt.f32 v31, v15;
	v7 =	vsel vm0, v24, v13  }
0x1b7: {  	[tilespmem:$0x10110] =	vst v19;
	v19 =	vld [tilespmem:$0x101D0];
	v13 =	vsel vm3, v26, v14;
	v24 =	vsel vm2, v9, v6;
	vm2 =	vlt.f32 v11, v7  }
0x1b8: {  	[tilespmem:$0x10010] =	vst v20;
	v20 =	vld [tilespmem:$0x101E0];
	v14 =	vsel vm1, v31, v15;
	v8 =	vsel vm0, v4, v8;
	v11 =	vsel vm2, v11, v7  }
0x1b9: {  	v6 =	vld [tilespmem:$0x100A0];
	vm0 =	vlt.f32 v10, v13;
	v15 =	vsel vm2, v3, v8;
	vm2 =	vlt.f32 v12, v14;
	[tilespmem:$0x10020] =	vst v11  }
0x1ba: {  	v7 =	vld [tilespmem:$0x100B0];
	v10 =	vsel vm0, v10, v13;
	v11 =	vsel vm2, v12, v14;
	v12 =	vsel vm3, v4, v28;
	[tilespmem:$0x10120] =	vst v15  }
0x1bb: {  	v8 =	vld [tilespmem:$0x100C0];
	vm3 =	vlt.f32 v54, v16;
	[tilespmem:$0x10030] =	vst v10;
	v12 =	vsel vm0, v3, v12;
	vm0 =	vlt.f32 v25, v18  }
0x1bc: {  	v13 =	vld [tilespmem:$0x100D0];
	v16 =	vsel vm3, v54, v16;
	[tilespmem:$0x10040] =	vst v11;
	v10 =	vsel vm0, v25, v18;
	v18 =	vsel vm1, v4, v24  }
0x1bd: {  	v14 =	vld [tilespmem:$0x100E0];
	[tilespmem:$0x10130] =	vst v12;
	vm1 =	vlt.f32 v57, v17;
	v12 =	vsel vm2, v3, v18;
	vm2 =	vlt.f32 v5, v10  }
0x1be: {  	v15 =	vld [tilespmem:$0x100F0];
	v11 =	vsel vm1, v57, v17;
	v5 =	vsel vm2, v5, v10;
	v10 =	vsel vm0, v4, v55;
	[tilespmem:$0x10140] =	vst v12  }
0x1bf: {  	v24 =	vld [tilespmem:$0x10180];
	vm0 =	vlt.f32 v39, v16;
	v12 =	vsel vm2, v3, v10;
	vm2 =	vlt.f32 v21, v11;
	[tilespmem:$0x10050] =	vst v5  }
0x1c0: {  	p0 =	por $0x0, $0x0;
	s22 =	simm.s32 $0x1;
	v25 =	vld [tilespmem:$0x10190];
	v5 =	vsel vm1, v4, v56;
	v16 =	vsel vm0, v39, v16;
	v17 =	vsel vm2, v21, v11;
	[tilespmem:$0x10150] =	vst v12  }
0x1c1: {  	s22 =	simm.s32 @!p0 $0x0;
	v9 =	vsel vm3, v9, v29;
	v10 =	vld [tilespmem:$0x101A0];
	v5 =	vsel vm2, v3, v5;
	vm1 =	vlt.f32 v27, v16;
	[tilespmem:$0x10060] =	vst v17  }
0x1c2: {  	s22 =	sshll.u32 s22, $0x9;
	v4 =	vsel vm0, v4, v9;
	v11 =	vld [tilespmem:$0x101B0];
	v16 =	vsel vm1, v27, v16;
	[tilespmem:$0x10160] =	vst v5  }
0x1c3: {  	s22 =	sadd.s32 $0x0, s22;
	v12 =	vld [tilespmem:$0x101C0];
	v3 =	vsel vm1, v3, v4;
	[tilespmem:$0x10070] =	vst v16  }
0x1c4: {  	s31 =	sor.u32 $0x580, s22;
	v21 =	vld [tilespmem:$0x101F0];
	[tilespmem:$0x10170] =	vst v3  }
0x1c5: {  	s24 =	sor.u32 $0x590, s22;
	v58 =	vld [tilespmem:s31+$0x8000]  }
0x1c6: {  	s25 =	sor.u32 $0x5A0, s22;
	v28 =	vld [tilespmem:s24+$0x8000]  }
0x1c7: {  	s26 =	sor.u32 $0x5B0, s22;
	v16 =	vld [tilespmem:s25+$0x8000]  }
0x1c8: {  	s28 =	sor.u32 $0x5C0, s22;
	v17 =	vld [tilespmem:s26+$0x8000]  }
0x1c9: {  	s29 =	sor.u32 $0x5D0, s22;
	v18 =	vld [tilespmem:s28+$0x8000]  }
0x1ca: {  	s30 =	sor.u32 $0x510, s22;
	v4 =	vld [tilespmem:s29+$0x8000]  }
0x1cb: {  	s24 =	sor.u32 $0x500, s22;
	v59 =	vld [tilespmem:s30+$0x8000]  }
0x1cc: {  	s31 =	sor.u32 $0x400, s22;
	v30 =	vld [tilespmem:s24+$0x8000]  }
0x1cd: {  	v31 =	vld [tilespmem:s31+$0x8000];
	s24 =	sor.u32 $0x410, s22  }
0x1ce: {  	s25 =	sor.u32 $0x480, s22;
	v60 =	vld [tilespmem:s24+$0x8000]  }
0x1cf: {  	s26 =	sor.u32 $0x490, s22;
	v61 =	vld [tilespmem:s25+$0x8000]  }
0x1d0: {  	s28 =	sor.u32 $0x520, s22;
	v62 =	vld [tilespmem:s26+$0x8000]  }
0x1d1: {  	s29 =	sor.u32 $0x530, s22;
	v26 =	vld [tilespmem:s28+$0x8000]  }
0x1d2: {  	v9 =	vor.u32 $0x1, v2;
	v5 =	vor.u32 $0x2, v2;
	s30 =	sor.u32 $0x4A0, s22;
	v27 =	vld [tilespmem:s29+$0x8000]  }
0x1d3: {  	v3 =	vor.u32 $0x3, v2;
	s31 =	sor.u32 $0x420, s22;
	v29 =	vld [tilespmem:s30+$0x8000];
	vm0 =	vlt.f32 v31, v22;
	vm1 =	vlt.f32 v60, v23  }
0x1d4: {  	s25 =	sor.u32 $0x430, s22;
	v32 =	vld [tilespmem:s31+$0x8000];
	v22 =	vsel vm0, v31, v22;
	v24 =	vsel vm0, v2, v24;
	v23 =	vsel vm1, v60, v23  }
0x1d5: {  	s26 =	sor.u32 $0x440, s22;
	v33 =	vld [tilespmem:s25+$0x8000];
	v25 =	vsel vm1, v2, v25;
	vm0 =	vlt.f32 v61, v22;
	vm1 =	vlt.f32 v62, v23  }
0x1d6: {  	s29 =	sor.u32 $0x4C0, s22;
	v35 =	vld [tilespmem:s26+$0x8000];
	v22 =	vsel vm0, v61, v22;
	v24 =	vsel vm0, v9, v24;
	v23 =	vsel vm1, v62, v23  }
0x1d7: {  	s28 =	sor.u32 $0x4B0, s22;
	v34 =	vld [tilespmem:s29+$0x8000];
	v25 =	vsel vm1, v9, v25;
	vm0 =	vlt.f32 v30, v22;
	vm1 =	vlt.f32 v59, v23  }
0x1d8: {  	s30 =	sor.u32 $0x540, s22;
	v31 =	vld [tilespmem:s28+$0x8000];
	v63 =	vsel vm0, v30, v22;
	v24 =	vsel vm0, v5, v24;
	v22 =	vsel vm1, v59, v23  }
0x1d9: {  	s31 =	sor.u32 $0x550, s22;
	v30 =	vld [tilespmem:s30+$0x8000];
	v25 =	vsel vm1, v5, v25;
	vm3 =	vlt.f32 v58, v63;
	vm0 =	vlt.f32 v28, v22  }
0x1da: {  	s23 =	simm.s32 $0x0;
	s25 =	sor.u32 $0x4D0, s22;
	s24 =	simm.s32 $0x200;
	v23 =	vsel vm0, v28, v22;
	v22 =	vsel vm0, v3, v25;
	v28 =	vld [tilespmem:s31+$0x8000];
	v25 =	vsel vm3, v58, v63  }
.LBB2_9:
0x1db: {  	s26 =	sor.u32 $0x450, s22  }
0x1dc: {  	v36 =	vimm.s32 $0x0;
	v55 =	vld [tilespmem:s26+$0x8000];
	s26 =	sor.u32 $0x460, s22;
	vm0 =	vlt.f32 v32, v6  }
0x1dd: {  	v51 =	vimm.s32 $0x0;
	v36 =	vsel vm3, $0xFFFFFFFF, v36;
	v56 =	vld [tilespmem:s26+$0x8000];
	v6 =	vsel vm0, v32, v6  }
0x1de: {  	s29 =	sor.u32 $0x4E0, s22;
	[tilespmem:$0x1FE40] =	vst v36;
	v36 =	vsel vm0, $0xFFFFFFFF, v51;
	vm0 =	vlt.f32 v29, v6  }
0x1df: {  	v57 =	vimm.s32 $0x0;
	vm2 =	vlt.f32 v35, v8;
	v6 =	vsel vm0, v29, v6;
	v29 =	vld [tilespmem:s29+$0x8000]  }
0x1e0: {  	s31 =	sor.u32 $0x560, s22;
	v8 =	vsel vm2, v35, v8;
	v35 =	vsel vm0, $0xFFFFFFFF, v57;
	vm0 =	vlt.f32 v26, v6  }
0x1e1: {  	v6 =	vsel vm0, v26, v6;
	v26 =	vld [tilespmem:s31+$0x8000]  }
0x1e2: {  	v54 =	vld [tilespmem:s25+$0x8000];
	vm14 =	vlt.f32 v56, v14  }
0x1e3: {  	v14 =	vsel vm14, v56, v14  }
0x1e4: {  	vm8 =	vlt.f32 v29, v14  }
0x1e5: {  	v52 =	vimm.s32 $0x0;
	vm13 =	vlt.f32 v55, v13;
	v14 =	vsel vm8, v29, v14  }
0x1e6: {  	vm1 =	vlt.f32 v33, v7;
	[tilespmem:$0x1FDC0] =	vst v36;
	v13 =	vsel vm13, v55, v13;
	vm5 =	vlt.f32 v26, v14  }
0x1e7: {  	v7 =	vsel vm1, v33, v7;
	vm7 =	vlt.f32 v54, v13;
	v14 =	vsel vm5, v26, v14;
	v26 =	vld [tilespmem:$0x1FDC0]  }
0x1e8: {  	v36 =	vsel vm1, $0xFFFFFFFF, v52;
	vm1 =	vlt.f32 v31, v7;
	v13 =	vsel vm7, v54, v13  }
0x1e9: {  	v7 =	vsel vm1, v31, v7;
	v19 =	vsel vm13, v2, v19;
	vm3 =	vlt.f32 v28, v13  }
0x1ea: {  	v31 =	vimm.s32 $0x0;
	v19 =	vsel vm7, v9, v19;
	v13 =	vsel vm3, v28, v13  }
0x1eb: {  	[tilespmem:$0x1FDD0] =	vst v36;
	v31 =	vsel vm0, $0xFFFFFFFF, v31;
	v19 =	vsel vm3, v5, v19;
	vm0 =	vlt.f32 v4, v13  }
0x1ec: {  	v13 =	vsel vm0, v4, v13;
	v19 =	vsel vm0, v3, v19;
	vm0 =	vnez.u8 v26;
	v26 =	vld [tilespmem:$0x1FDD0];
	_ =	sdelay $0x1  }
0x1ed: {  	v53 =	vimm.s32 $0x0  }
0x1ee: {  	v36 =	vsel vm2, $0xFFFFFFFF, v53  }
0x1ef: {  	[tilespmem:$0x1FDE0] =	vst v36  }
0x1f0: {  	v10 =	vsel vm0, v2, v10;
	vm0 =	vnez.u8 v26;
	v26 =	vld [tilespmem:$0x1FDE0];
	_ =	sdelay $0x3  }
0x1f1: {  	[tilespmem:$0x1FDF0] =	vst v35  }
0x1f2: {  	v11 =	vsel vm0, v2, v11;
	vm0 =	vnez.u8 v26;
	v26 =	vld [tilespmem:$0x1FDF0];
	_ =	sdelay $0x1  }
0x1f3: {  	v58 =	vimm.s32 $0x0  }
0x1f4: {  	v35 =	vsel vm1, $0xFFFFFFFF, v58  }
0x1f5: {  	[tilespmem:$0x1FE00] =	vst v35  }
0x1f6: {  	v12 =	vsel vm0, v2, v12;
	vm0 =	vnez.u8 v26;
	v26 =	vld [tilespmem:$0x1FE00]  }
0x1f7: {  	s28 =	sor.u32 $0x470, s22;
	v59 =	vimm.s32 $0x0;
	vm2 =	vlt.f32 v34, v8  }
0x1f8: {  	v60 =	vld [tilespmem:s28+$0x8000];
	vm1 =	vlt.f32 v27, v7;
	v35 =	vsel vm2, $0xFFFFFFFF, v59;
	[tilespmem:$0x1FE20] =	vst v31;
	v31 =	vimm.s32 $0x0  }
0x1f9: {  	s30 =	sor.u32 $0x4F0, s22;
	[tilespmem:$0x1FE10] =	vst v35;
	v31 =	vsel vm1, $0xFFFFFFFF, v31  }
0x1fa: {  	[tilespmem:$0x1FE30] =	vst v31;
	v31 =	vld [tilespmem:s30+$0x8000]  }
0x1fb: {  	v10 =	vsel vm0, v9, v10;
	vm0 =	vnez.u8 v26;
	v26 =	vld [tilespmem:$0x1FE10]  }
0x1fc: {  	v8 =	vsel vm2, v34, v8  }
0x1fd: {  	s26 =	sor.u32 $0x570, s22;
	vm15 =	vlt.f32 v60, v15;
	vm9 =	vlt.f32 v30, v8  }
0x1fe: {  	p0 =	por !p0, !p0;
	v15 =	vsel vm15, v60, v15;
	v7 =	vsel vm1, v27, v7;
	v27 =	vld [tilespmem:s26+$0x8000];
	s26 =	simm.s32 $0x1;
	v8 =	vsel vm9, v30, v8  }
0x1ff: {  	s29 =	sor.u32 $0x5F0, s22;
	v21 =	vsel vm15, v2, v21;
	v20 =	vsel vm14, v2, v20;
	s26 =	simm.s32 @!p0 $0x0;
	vm12 =	vlt.f32 v18, v8  }
0x200: {  	s23 =	sadd.s32 $0x400, s23;
	v30 =	vld [tilespmem:s29+$0x8000];
	s30 =	sshll.u32 s26, $0x9;
	vm6 =	vlt.f32 v31, v15;
	v11 =	vsel vm0, v9, v11;
	vm0 =	vnez.u8 v26  }
0x201: {  	s28 =	sor.u32 $0x5E0, s22;
	s22 =	sadd.s32 s30, s23;
	v20 =	vsel vm8, v9, v20;
	v21 =	vsel vm6, v9, v21;
	v9 =	vsel vm0, v9, v12;
	v12 =	vld [tilespmem:$0x1FE20]  }
0x202: {  	v8 =	vsel vm12, v18, v8;
	v18 =	vld [tilespmem:s28+$0x8000];
	s25 =	sor.u32 $0x580, s22  }
0x203: {  	s31 =	sor.u32 $0x590, s22;
	v61 =	vld [tilespmem:s25+$0x8000]  }
0x204: {  	vm10 =	vlt.f32 v16, v6;
	s26 =	sor.u32 $0x5A0, s22;
	v37 =	vld [tilespmem:s31+$0x8000]  }
0x205: {  	v6 =	vsel vm10, v16, v6;
	v16 =	vld [tilespmem:s26+$0x8000]  }
0x206: {  	vm11 =	vlt.f32 v17, v7;
	s28 =	sor.u32 $0x5B0, s22;
	vm0 =	vnez.u8 v12;
	v12 =	vld [tilespmem:$0x1FE30]  }
0x207: {  	v7 =	vsel vm11, v17, v7;
	s30 =	sor.u32 $0x5D0, s22;
	v17 =	vld [tilespmem:s28+$0x8000]  }
0x208: {  	s29 =	sor.u32 $0x5C0, s22;
	v4 =	vld [tilespmem:s30+$0x8000];
	vm1 =	vlt.f32 v18, v14  }
0x209: {  	v14 =	vsel vm1, v18, v14;
	v18 =	vld [tilespmem:s29+$0x8000];
	s29 =	sor.u32 $0x410, s22  }
0x20a: {  	s31 =	sor.u32 $0x500, s22;
	v20 =	vsel vm5, v5, v20;
	v15 =	vsel vm6, v31, v15;
	v62 =	vld [tilespmem:s29+$0x8000]  }
0x20b: {  	v28 =	vld [tilespmem:s31+$0x8000];
	s31 =	sor.u32 $0x490, s22;
	vm4 =	vlt.f32 v27, v15;
	v10 =	vsel vm0, v5, v10;
	vm0 =	vnez.u8 v12  }
0x20c: {  	v38 =	vld [tilespmem:s31+$0x8000];
	v21 =	vsel vm4, v5, v21;
	v11 =	vsel vm0, v5, v11;
	v5 =	vsel vm9, v5, v9  }
0x20d: {  	s28 =	sor.u32 $0x400, s22;
	v12 =	vsel vm12, v3, v5;
	v5 =	vld [tilespmem:$0x1FE40]  }
0x20e: {  	s30 =	sor.u32 $0x480, s22;
	v31 =	vld [tilespmem:s28+$0x8000];
	v15 =	vsel vm4, v27, v15  }
0x20f: {  	s26 =	sor.u32 $0x510, s22;
	v63 =	vld [tilespmem:s30+$0x8000];
	v20 =	vsel vm1, v3, v20;
	vm2 =	vlt.f32 v30, v15;
	vm1 =	vlt.f32 v62, v23  }
0x210: {  	s30 =	sor.u32 $0x420, s22;
	v15 =	vsel vm2, v30, v15;
	v30 =	vld [tilespmem:s26+$0x8000];
	v23 =	vsel vm1, v62, v23;
	v2 =	vadd.s32 $0x4, v2  }
0x211: {  	v32 =	vld [tilespmem:s30+$0x8000];
	s31 =	sor.u32 $0x430, s22;
	v22 =	vsel vm1, v2, v22;
	vm1 =	vlt.f32 v38, v23  }
0x212: {  	s28 =	sor.u32 $0x530, s22;
	v33 =	vld [tilespmem:s31+$0x8000];
	v21 =	vsel vm2, v3, v21;
	v23 =	vsel vm1, v38, v23;
	vm0 =	vnez.u8 v5  }
0x213: {  	s29 =	sor.u32 $0x4A0, s22;
	v27 =	vld [tilespmem:s28+$0x8000];
	v9 =	vor.u32 $0x1, v2;
	v24 =	vsel vm0, v3, v24;
	vm0 =	vlt.f32 v31, v25  }
0x214: {  	v29 =	vld [tilespmem:s29+$0x8000];
	s29 =	sor.u32 $0x4C0, s22;
	v10 =	vsel vm10, v3, v10;
	v22 =	vsel vm1, v9, v22;
	v25 =	vsel vm0, v31, v25  }
0x215: {  	p1 =	sne.s32 s24, $0x3E00;
	v34 =	vld [tilespmem:s29+$0x8000];
	s26 =	sor.u32 $0x520, s22;
	vm1 =	vlt.f32 v30, v23;
	v24 =	vsel vm0, v2, v24;
	vm0 =	vlt.f32 v63, v25  }
.Ltmp3:
0x216: {  	v26 =	vld [tilespmem:s26+$0x8000];
	s26 =	sor.u32 $0x440, s22;
	v11 =	vsel vm11, v3, v11;
	v23 =	vsel vm1, v30, v23;
	v25 =	vsel vm0, v63, v25;
	(pc) =	sbr.rel @p1 .LBB2_9-.Ltmp3, $4  }
0x217: {  	s30 =	sor.u32 $0x540, s22;
	v35 =	vld [tilespmem:s26+$0x8000];
	v5 =	vor.u32 $0x2, v2;
	v24 =	vsel vm0, v9, v24;
	vm0 =	vlt.f32 v28, v25  }
0x218: {  	s28 =	sor.u32 $0x4B0, s22;
	v30 =	vld [tilespmem:s30+$0x8000];
	v3 =	vor.u32 $0x3, v2;
	v22 =	vsel vm1, v5, v22;
	v25 =	vsel vm0, v28, v25  }
0x219: {  	s31 =	sor.u32 $0x550, s22;
	v31 =	vld [tilespmem:s28+$0x8000];
	v24 =	vsel vm0, v5, v24;
	vm0 =	vlt.f32 v37, v23;
	vm3 =	vlt.f32 v61, v25  }
0x21a: {  	s24 =	sadd.s32 $0x200, s24;
	s25 =	sor.u32 $0x4D0, s22;
	v28 =	vld [tilespmem:s31+$0x8000];
	v23 =	vsel vm0, v37, v23;
	v22 =	vsel vm0, v3, v22;
	v25 =	vsel vm3, v61, v25  }
0x21b: {  	s23 =	sor.u32 $0x450, s22;
	vm6 =	vlt.f32 v32, v6;
	vm8 =	vlt.f32 v33, v7  }
0x21c: {  	s31 =	sor.u32 $0x460, s22;
	v24 =	vsel vm3, v3, v24;
	v36 =	vld [tilespmem:s23+$0x8000];
	vm9 =	vlt.f32 v35, v8;
	v6 =	vsel vm6, v32, v6  }
0x21d: {  	s24 =	sor.u32 $0x470, s22;
	v37 =	vld [tilespmem:s31+$0x8000];
	v7 =	vsel vm8, v33, v7;
	v10 =	vsel vm6, v2, v10;
	v11 =	vsel vm8, v2, v11  }
0x21e: {  	v39 =	vld [tilespmem:s24+$0x8000];
	v8 =	vsel vm9, v35, v8;
	vm10 =	vlt.f32 v29, v6;
	vm11 =	vlt.f32 v31, v7  }
0x21f: {  	vm12 =	vlt.f32 v34, v8;
	v6 =	vsel vm10, v29, v6;
	v10 =	vsel vm10, v9, v10  }
0x220: {  	v38 =	vld [tilespmem:s25+$0x8000];
	s25 =	sor.u32 $0x4E0, s22;
	v7 =	vsel vm11, v31, v7;
	v8 =	vsel vm12, v34, v8;
	vm13 =	vlt.f32 v26, v6  }
0x221: {  	s26 =	sor.u32 $0x4F0, s22;
	v40 =	vld [tilespmem:s25+$0x8000];
	v11 =	vsel vm11, v9, v11;
	vm14 =	vlt.f32 v27, v7;
	vm15 =	vlt.f32 v30, v8  }
0x222: {  	s28 =	sor.u32 $0x560, s22;
	v50 =	vld [tilespmem:s26+$0x8000];
	v6 =	vsel vm13, v26, v6;
	v10 =	vsel vm13, v5, v10;
	vm0 =	vlt.f32 v36, v13  }
0x223: {  	s29 =	sor.u32 $0x570, s22;
	v51 =	vld [tilespmem:s28+$0x8000];
	vm1 =	vlt.f32 v37, v14;
	vm2 =	vlt.f32 v39, v15;
	v7 =	vsel vm14, v27, v7  }
0x224: {  	s30 =	sor.u32 $0x5E0, s22;
	v52 =	vld [tilespmem:s29+$0x8000];
	vm6 =	vlt.f32 v16, v6;
	v8 =	vsel vm15, v30, v8;
	v57 =	vsel vm14, v5, v11  }
0x225: {  	v53 =	vld [tilespmem:s30+$0x8000];
	s31 =	sor.u32 $0x5F0, s22;
	v13 =	vsel vm0, v36, v13;
	v14 =	vsel vm1, v37, v14;
	v19 =	vsel vm0, v2, v19  }
0x226: {  	v54 =	vld [tilespmem:s31+$0x8000];
	[tilespmem:$0x10080] =	vst v25;
	v15 =	vsel vm2, v39, v15;
	v20 =	vsel vm1, v2, v20;
	v21 =	vsel vm2, v2, v21  }
0x227: {  	[tilespmem:$0x10180] =	vst v24;
	v2 =	vsel vm9, v2, v12;
	v6 =	vsel vm6, v16, v6;
	v10 =	vsel vm6, v3, v10  }
0x228: {  	[tilespmem:$0x10090] =	vst v23;
	vm8 =	vlt.f32 v18, v8;
	vm5 =	vlt.f32 v38, v13;
	vm7 =	vlt.f32 v40, v14  }
0x229: {  	[tilespmem:$0x10190] =	vst v22;
	v2 =	vsel vm12, v9, v2;
	v56 =	vsel vm8, v18, v8;
	vm9 =	vlt.f32 v50, v15  }
0x22a: {  	[tilespmem:$0x100A0] =	vst v6;
	v13 =	vsel vm5, v38, v13;
	v19 =	vsel vm5, v9, v19;
	v14 =	vsel vm7, v40, v14  }
0x22b: {  	[tilespmem:$0x101A0] =	vst v10;
	v20 =	vsel vm7, v9, v20;
	vm7 =	vlt.f32 v17, v7;
	v58 =	vsel vm9, v50, v15  }
0x22c: {  	v2 =	vsel vm15, v5, v2;
	[tilespmem:$0x100C0] =	vst v56;
	v55 =	vsel vm7, v17, v7;
	vm10 =	vlt.f32 v28, v13  }
0x22d: {  	v8 =	vsel vm7, v3, v57;
	vm11 =	vlt.f32 v51, v14;
	[tilespmem:$0x100B0] =	vst v55;
	v59 =	vsel vm10, v28, v13  }
0x22e: {  	v2 =	vsel vm8, v3, v2;
	vm13 =	vlt.f32 v52, v58;
	[tilespmem:$0x101B0] =	vst v8;
	vm12 =	vlt.f32 v4, v59  }
0x22f: {  	s21 =	sadd.s32 $0x1, s21;
	v60 =	vsel vm11, v51, v14;
	v61 =	vsel vm10, v5, v19;
	[tilespmem:$0x101C0] =	vst v2;
	v4 =	vsel vm12, v4, v59  }
0x230: {  	p0 =	sne.s32 s21, $0x7;
	v6 =	vsel vm13, v52, v58;
	vm14 =	vlt.f32 v53, v60;
	v2 =	vsel vm12, v3, v61;
	[tilespmem:$0x100D0] =	vst v4  }
.Ltmp4:
0x231: {  	vm15 =	vlt.f32 v54, v6;
	v7 =	vsel vm14, v53, v60;
	[tilespmem:$0x101D0] =	vst v2;
	(pc) =	sbr.rel @p0 .LBB2_2-.Ltmp4, $4  }
0x232: {  	v62 =	vsel vm11, v5, v20;
	v63 =	vsel vm15, v54, v6;
	v2 =	vsel vm9, v9, v21;
	[tilespmem:$0x100E0] =	vst v7  }
0x233: {  	v4 =	vsel vm14, v3, v62;
	[tilespmem:$0x100F0] =	vst v63;
	v2 =	vsel vm13, v5, v2  }
0x234: {  	[tilespmem:$0x101E0] =	vst v4;
	v2 =	vsel vm15, v3, v2  }
0x235: {  	[tilespmem:$0x101F0] =	vst v2  }
0x236: {  	[hbm4b:s7+s15] =	stream.strided.scatter [tilespmem:s17], [sflag:$0x3], $0x100, s16, s15, $0x38;
	[tilespmem:$0x10200] =	vst v63  }
0x237: {  	s20 =	sadd.s32 $0x1, s20;
	_ =	swait.ge [sflag:s18], $0x100  }
0x238: {  	p0 =	sne.s32 s20, s9;
	[sflag:s18] =	ssyncset.done $0x0  }
.Ltmp5:
0x239: {  	[sflag:s18] =	ssyncadd.s32 $0xFFFFFF00;
	(pc) =	sbr.rel @p0 .LBB2_1-.Ltmp5, $4  }
0x23a: {  	[hbm4b:s8+s15] =	stream.strided.scatter [tilespmem:s19], [sflag:$0x3], $0x100, s16, s15, $0x38;
	[tilespmem:$0x10200] =	vst v63  }
0x23b: {  	_ =	swait.ge [sflag:s18], $0x100  }
0x23c: {  	[sflag:s18] =	ssyncset.done $0x0  }
0x23d: {  	[sflag:s18] =	ssyncadd.s32 $0xFFFFFF00  }
0x23e: {  	_ =	sfence.sel $0x180000  }
0x23f: {  	[bflag:$0x0] =	sbarrier.arrive $0xFFFF  }
0x240: {  	p0 =	sne.s32 s1, $0x0;
	_ =	strace $0x90000047  }
0x241: {  	s0 =	sadd.s32 @!p0 $0x100000, s0;
	[bflag:$0x2] =	sbarrier.arrive $0xFFFF  }
0x242: {  	[sflag:s0] =	ssyncadd.tile.s32 @!p0 $0x1;
	_ =	shalt  }
.Lfunc_end2:
_tile_overlayer_lowered:
.L_overlay_start_2:
0x243: {  	(tag) =	ssettag $0x2  }
0x244: {  	s0 =	rddreg [dreg:$0x0];
	s2 =	stileid.u32  }
0x245: {  	s1 =	rddreg [dreg:$0x1];
	p0 =	sne.s32 s2, $0x0  }
0x246: {  	s3 =	rddreg [dreg:$0x2];
	[bflag:$0x3] =	sbarrier.arrive $0xFFFF;
	s2 =	simm.s32 @!p0 $0x1C03  }
0x247: {  	[timem:s3], [sflag:s2] =	dma.local @!p0 [hbm:s0], s1  }
0x248: {  	s0 =	simm.s32 @!p0 $0x3  }
0x249: {  	_ =	swait.ge @!p0 [sflag:s0], s1  }
0x24a: {  	s1 =	ssub.s32 @!p0 $0x0, s1;
	[sflag:s0] =	ssyncset.done @!p0 $0x0  }
0x24b: {  	[sflag:s0] =	ssyncadd.s32 @!p0 s1  }
0x24c: {  	[bflag:$0x3] =	sbarrier.arrive $0xFFFF  }
0x24d: {  	_ =	shalt  }

</sc_bundles>
